<compile_context>
chip_gen: v7x
topology: tpu7x:2x2x1
jax: 0.10.2.dev20260603
libtpu: 0.0.44.dev20260713+nightly
codegen_flags: <defaults>
</compile_context>

<pallas_src>
import functools

import jax
import jax.numpy as jnp
from jax import lax
from jax.experimental import pallas as pl
from jax.experimental.pallas import tpu as pltpu
from jax.experimental.pallas import tpu_sc as plsc

NC = 2
NS = 16
NW = NC * NS
LANES = 16

D = 48
C_REAL = 40
B = 128

def _mesh():
    return plsc.VectorSubcoreMesh(
        core_axis_name="c", subcore_axis_name="s", num_cores=NC, num_subcores=NS
    )


def _make_deg_kernel(n_pad, e_pad):
    per_w = e_pad // NW
    chunks = per_w // B
    npw = n_pad // NS
    GRP = 8

    @functools.partial(
        pl.kernel,
        out_type=jax.ShapeDtypeStruct((NC, n_pad, LANES), jnp.float32),
        mesh=_mesh(),
        scratch_types=[
            pltpu.VMEM((chunks, B), jnp.int32),
            pltpu.VMEM((B, LANES), jnp.float32),
            pltpu.VMEM((npw, LANES), jnp.float32),
            pltpu.VMEM_SHARED((n_pad, LANES), jnp.float32),
            pltpu.SemaphoreType.DMA,
        ],
        compiler_params=pltpu.CompilerParams(use_tc_tiling_on_sc=False),
    )
    def deg_kernel(col_hbm, out_hbm, col_v, ones_v, zbuf, acc_sh, sem):
        c = lax.axis_index("c")
        s = lax.axis_index("s")
        wid = c * NS + s

        @pl.loop(0, B)
        def _(i):
            ones_v[i, :] = jnp.ones((LANES,), jnp.float32)

        @pl.loop(0, npw)
        def _(i):
            zbuf[i, :] = jnp.zeros((LANES,), jnp.float32)

        pltpu.sync_copy(zbuf, acc_sh.at[pl.ds(s * npw, npw)])
        pltpu.sync_copy(col_hbm.at[wid], col_v)
        plsc.subcore_barrier()

        @pl.loop(0, chunks // GRP)
        def _(k):
            descs = [
                pltpu.async_copy(
                    ones_v, acc_sh.at[col_v.at[GRP * k + j]], sem, add=True
                )
                for j in range(GRP)
            ]
            for d in descs:
                d.wait()

        plsc.subcore_barrier()
        pltpu.sync_copy(
            acc_sh.at[pl.ds(s * npw, npw)],
            out_hbm.at[c].at[pl.ds(s * npw, npw)],
        )

    return deg_kernel


def _make_hop_kernel(n_pad, e_pad):
    per_w = e_pad // NW
    chunks = per_w // B
    npw = n_pad // NS
    NBUF = 4

    @functools.partial(
        pl.kernel,
        out_type=jax.ShapeDtypeStruct((NC, n_pad, D), jnp.float32),
        mesh=_mesh(),
        scratch_types=[
            pltpu.VMEM((chunks, B), jnp.int32),
            pltpu.VMEM((chunks, B), jnp.int32),
            [pltpu.VMEM((B, D), jnp.float32)] * NBUF,
            pltpu.VMEM((B, D), jnp.float32),
            pltpu.VMEM_SHARED((n_pad, D), jnp.float32),
            pltpu.VMEM_SHARED((n_pad, D), jnp.float32),
            [pltpu.SemaphoreType.DMA] * NBUF,
            [pltpu.SemaphoreType.DMA] * NBUF,
        ],
        compiler_params=pltpu.CompilerParams(use_tc_tiling_on_sc=False),
    )
    def hop_kernel(
        z_hbm, row_hbm, col_hbm, out_hbm,
        row_v, col_v, msg, zbuf, z_sh, acc_sh, gs, ss,
    ):
        c = lax.axis_index("c")
        s = lax.axis_index("s")
        wid = c * NS + s

        pltpu.sync_copy(z_hbm.at[pl.ds(s * npw, npw)], z_sh.at[pl.ds(s * npw, npw)])

        @pl.loop(0, B)
        def _(i):
            for j in range(D // LANES):
                zbuf.at[i][pl.ds(j * LANES, LANES)] = jnp.zeros(
                    (LANES,), jnp.float32
                )

        @pl.loop(0, npw // B)
        def _(i):
            pltpu.sync_copy(zbuf, acc_sh.at[pl.ds(s * npw + i * B, B)])

        pltpu.sync_copy(row_hbm.at[wid], row_v)
        pltpu.sync_copy(col_hbm.at[wid], col_v)
        plsc.subcore_barrier()

        for b in range(NBUF - 1):
            pltpu.async_copy(z_sh.at[row_v.at[b]], msg[b], gs[b])
        pltpu.async_copy(
            zbuf, acc_sh.at[col_v.at[0]], ss[NBUF - 1], add=True
        )

        @pl.loop(0, chunks // NBUF)
        def _(k):
            for b in range(NBUF):
                i = NBUF * k + b
                b3 = (b + NBUF - 1) % NBUF
                pltpu.make_async_copy(z_sh.at[row_v.at[0]], msg[b], gs[b]).wait()
                pltpu.async_copy(msg[b], acc_sh.at[col_v.at[i]], ss[b], add=True)
                pltpu.make_async_copy(
                    zbuf, acc_sh.at[col_v.at[0]], ss[b3]
                ).wait()
                nxt = lax.rem(i + NBUF - 1, chunks)
                pltpu.async_copy(z_sh.at[row_v.at[nxt]], msg[b3], gs[b3])

        for b in range(NBUF - 1):
            pltpu.make_async_copy(z_sh.at[row_v.at[0]], msg[b], gs[b]).wait()
        pltpu.make_async_copy(
            zbuf, acc_sh.at[col_v.at[0]], ss[(chunks - 1) % NBUF]
        ).wait()

        plsc.subcore_barrier()
        pltpu.sync_copy(
            acc_sh.at[pl.ds(s * npw, npw)],
            out_hbm.at[c].at[pl.ds(s * npw, npw)],
        )

    return hop_kernel


def _matmul_scale_body(x_ref, w_ref, dp_ref, o_ref):
    y = jnp.dot(x_ref[...], w_ref[...], preferred_element_type=jnp.float32)
    o_ref[...] = y * lax.rsqrt(_deg_of(dp_ref))


def _deg_of(dp_ref):
    return dp_ref[0, :, :1] + dp_ref[1, :, :1] + 1.0


def _scale2_body(p_ref, z_ref, dp_ref, o_ref):
    u = p_ref[0] + p_ref[1] + z_ref[...]
    o_ref[...] = u / _deg_of(dp_ref)


def _final_body(q_ref, z_ref, dp_ref, b_ref, o_ref):
    u = q_ref[0] + q_ref[1] + z_ref[...]
    pre = u * lax.rsqrt(_deg_of(dp_ref))
    t = jnp.maximum(pre + b_ref[...], 0.0)
    mask = lax.broadcasted_iota(jnp.int32, t.shape, 1) < C_REAL
    neg = jnp.float32(-3.0e38)
    m = jnp.max(jnp.where(mask, t, neg), axis=1, keepdims=True)
    ssum = jnp.sum(jnp.where(mask, jnp.exp(t - m), 0.0), axis=1, keepdims=True)
    o_ref[...] = (t - m - jnp.log(ssum))[:, :C_REAL]


def kernel(x, edge_index, W, b):
    n, f_in = x.shape
    c_out = W.shape[0]
    e = edge_index.shape[1]

    bm = 2048
    n_pad = ((n + bm - 1) // bm) * bm
    if n_pad % NS:
        n_pad = ((n_pad + NS - 1) // NS) * NS
    e_pad = ((e + 4 * NW * B - 1) // (4 * NW * B)) * (4 * NW * B)

    x_p = jnp.pad(x, ((0, n_pad - n), (0, 0)))
    w_t = jnp.pad(W, ((0, D - c_out), (0, 0))).T
    b_p = jnp.pad(b, (0, D - c_out)).reshape(1, D)
    row = jnp.pad(edge_index[0], (0, e_pad - e))
    col = jnp.pad(edge_index[1], (0, e_pad - e), constant_values=n)
    chunks = e_pad // (NW * B)
    row3 = row.reshape(NW, chunks, B)
    col3 = col.reshape(NW, chunks, B)

    grid = (n_pad // bm,)
    dp = _make_deg_kernel(n_pad, e_pad)(col3)

    dp_spec = pl.BlockSpec((NC, bm, LANES), lambda i: (0, i, 0))
    z_spec = pl.BlockSpec((bm, D), lambda i: (i, 0))
    pp_spec = pl.BlockSpec((NC, bm, D), lambda i: (0, i, 0))
    zshape = jax.ShapeDtypeStruct((n_pad, D), jnp.float32)

    z1 = pl.pallas_call(
        _matmul_scale_body,
        grid=grid,
        in_specs=[
            pl.BlockSpec((bm, f_in), lambda i: (i, 0)),
            pl.BlockSpec((f_in, D), lambda i: (0, 0)),
            dp_spec,
        ],
        out_specs=z_spec,
        out_shape=zshape,
    )(x_p, w_t, dp)

    hop = _make_hop_kernel(n_pad, e_pad)
    p = hop(z1, row3, col3)

    z2 = pl.pallas_call(
        _scale2_body,
        grid=grid,
        in_specs=[pp_spec, z_spec, dp_spec],
        out_specs=z_spec,
        out_shape=zshape,
    )(p, z1, dp)

    q = hop(z2, row3, col3)

    bn = 2048
    out = pl.pallas_call(
        _final_body,
        grid=(pl.cdiv(n, bn),),
        in_specs=[
            pl.BlockSpec((NC, bn, D), lambda i: (0, i, 0)),
            pl.BlockSpec((bn, D), lambda i: (i, 0)),
            pl.BlockSpec((NC, bn, LANES), lambda i: (0, i, 0)),
            pl.BlockSpec((1, D), lambda i: (0, 0)),
        ],
        out_specs=pl.BlockSpec((bn, c_out), lambda i: (i, 0)),
        out_shape=jax.ShapeDtypeStruct((n, c_out), jnp.float32),
    )(q, z2, dp, b_p)

    return out

# --- scband reference (transcript-rebuilt; emitter-appended) ---
"""Pipeline reference for scband-sgconv-66228395705231 (READ-ONLY COPY).

The authoritative reference and input builder live on the scoring server;
editing this copy changes nothing except your own understanding.
"""

import jax, jax.numpy as jnp
import numpy as np

N = 10000
E = 320000
F_IN = 128
C_OUT = 40
K_HOPS = 2


def setup_inputs(seed: int = 0) -> dict:
    key = jax.random.key(seed)
    k1, k2, k3, k4 = jax.random.split(key, 4)
    x = jax.random.normal(k1, (N, F_IN), dtype=jnp.float32)
    edge_index = jax.random.randint(k2, (2, E), 0, N, dtype=jnp.int32)
    # Linear layer params (torch Linear: weight [out, in], bias [out])
    bound = 1.0 / np.sqrt(F_IN)
    W = jax.random.uniform(k3, (C_OUT, F_IN), dtype=jnp.float32, minval=-bound, maxval=bound)
    b = jax.random.uniform(k4, (C_OUT,), dtype=jnp.float32, minval=-bound, maxval=bound)
    return {"x": x, "edge_index": edge_index, "W": W, "b": b}


def reference(x, edge_index, W, b):
    # SGConv: x' = (D^{-1/2} (A + I) D^{-1/2})^K x W^T + b
    n = x.shape[0]
    loops = jnp.arange(n, dtype=edge_index.dtype)
    ei = jnp.concatenate([edge_index, jnp.stack([loops, loops])], axis=1)
    row, col = ei[0], ei[1]
    # GCN normalization based on destination-degree (with self loops)
    deg = jnp.zeros((n,), dtype=x.dtype).at[col].add(1.0)
    deg_inv_sqrt = jnp.where(deg > 0, 1.0 / jnp.sqrt(deg), 0.0)
    norm = deg_inv_sqrt[row] * deg_inv_sqrt[col]
    h = x  # dropout is identity in eval mode
    for _ in range(K_HOPS):
        msg = h[row] * norm[:, None]
        h = jnp.zeros_like(h).at[col].add(msg)
    out = h @ W.T + b
    out = jax.nn.relu(out)
    return jax.nn.log_softmax(out, axis=1)

if __name__ == "__main__":
    import jax
    _d = setup_inputs()
    print(jax.jit(kernel)(*tuple(_d.values())))

</pallas_src>

<mosaic_0001>
#map = affine_map<(d0, d1) -> (0, 0, 0)>
module attributes {stable_mosaic.version = 14 : i64} {
  func.func @deg_kernel(%arg0: i32, %arg1: i32, %arg2: memref<32x80x128xi32, #tpu.memory_space<hbm>>, %arg3: memref<2x10240x16xf32, #tpu.memory_space<hbm>>, %arg4: memref<80x128xi32, #tpu.memory_space<vmem>>, %arg5: memref<128x16xf32, #tpu.memory_space<vmem>>, %arg6: memref<640x16xf32, #tpu.memory_space<vmem>>, %arg7: memref<10240x16xf32, #tpu.memory_space<vmem_shared>>, %arg8: memref<!tpu.dma_semaphore, #tpu.memory_space<semaphore_mem>>) attributes {dimension_semantics = [#tpu.dimension_semantics<core_parallel>, #tpu.dimension_semantics<subcore_parallel>], iteration_bounds = array<i64: 2, 16>, scalar_prefetch = 0 : i64, scratch_operands = 5 : i64, tpu.core_type = #tpu.core_type<sc_vector_subcore>, window_params = [{transform_indices = #map}, {transform_indices = #map}]} {
    %mul3A = arith.constant 16 : i32
    %mul3A_0 = arith.muli %arg0, %mul3A : i32
    %add3A = arith.addi %mul3A_0, %arg1 : i32
    %scan3A = arith.constant 0 : i32
    %scan3A_1 = arith.constant 128 : i32
    %scan3A_2 = arith.addi %scan3A, %scan3A_1 : i32
    %scan3A_3 = arith.constant 1 : i32
    scf.for %scan3A_22 = %scan3A to %scan3A_2 step %scan3A_3  : i32 {
      %mul3A_23 = arith.constant 1 : i32
      %mul3A_24 = arith.muli %scan3A_22, %mul3A_23 : i32
      %add3A_25 = arith.constant 0 : i32
      %add3A_26 = arith.addi %add3A_25, %mul3A_24 : i32
      %broadcast_in_dim3A = arith.constant 1.000000e+00 : f32
      %broadcast_in_dim3A_27 = vector.broadcast %broadcast_in_dim3A : f32 to vector<16xf32>
      %swap3A = arith.index_cast %add3A_26 : i32 to index
      %swap3A_28 = arith.constant 0 : index
      %swap3A_29 = tpu.vector_load %arg5[%swap3A, %swap3A_28] {strides = array<i32>} : memref<128x16xf32, #tpu.memory_space<vmem>>, vector<1x16xf32>,
      %swap3A_30 = vector.shape_cast %swap3A_29 : vector<1x16xf32> to vector<16xf32>
      %swap3A_31 = vector.shape_cast %broadcast_in_dim3A_27 : vector<16xf32> to vector<1x16xf32>
      tpu.vector_store %arg5[%swap3A, %swap3A_28], %swap3A_31 {strides = array<i32>} : memref<128x16xf32, #tpu.memory_space<vmem>>, vector<1x16xf32>,
    }
    %scan3A_4 = arith.constant 128 : i32
    %scan3A_5 = arith.constant 0 : i32
    %scan3A_6 = arith.constant 640 : i32
    %scan3A_7 = arith.addi %scan3A_5, %scan3A_6 : i32
    %scan3A_8 = arith.constant 1 : i32
    scf.for %scan3A_22 = %scan3A_5 to %scan3A_7 step %scan3A_8  : i32 {
      %mul3A_23 = arith.constant 1 : i32
      %mul3A_24 = arith.muli %scan3A_22, %mul3A_23 : i32
      %add3A_25 = arith.constant 0 : i32
      %add3A_26 = arith.addi %add3A_25, %mul3A_24 : i32
      %broadcast_in_dim3A = arith.constant 0.000000e+00 : f32
      %broadcast_in_dim3A_27 = vector.broadcast %broadcast_in_dim3A : f32 to vector<16xf32>
      %swap3A = arith.index_cast %add3A_26 : i32 to index
      %swap3A_28 = arith.constant 0 : index
      %swap3A_29 = tpu.vector_load %arg6[%swap3A, %swap3A_28] {strides = array<i32>} : memref<640x16xf32, #tpu.memory_space<vmem>>, vector<1x16xf32>,
      %swap3A_30 = vector.shape_cast %swap3A_29 : vector<1x16xf32> to vector<16xf32>
      %swap3A_31 = vector.shape_cast %broadcast_in_dim3A_27 : vector<16xf32> to vector<1x16xf32>
      tpu.vector_store %arg6[%swap3A, %swap3A_28], %swap3A_31 {strides = array<i32>} : memref<640x16xf32, #tpu.memory_space<vmem>>, vector<1x16xf32>,
    }
    %scan3A_9 = arith.constant 640 : i32
    %mul3A_10 = arith.constant 640 : i32
    %mul3A_11 = arith.muli %arg1, %mul3A_10 : i32
    "tpu.region"() ({
      %run_scoped3A = tpu.sem_alloc : memref<!tpu.dma_semaphore, #tpu.memory_space<semaphore_mem>>
      %dma_start3A = arith.constant 0 : i32
      %dma_start3A_22 = tpu.memref_slice %arg7[%mul3A_11, %dma_start3A] : memref<10240x16xf32, #tpu.memory_space<vmem_shared>> -> memref<640x16xf32, #tpu.memory_space<vmem_shared>>
      %dma_start3A_23 = arith.constant 0 : i32
      %dma_start3A_24 = tpu.memref_slice %arg7[%mul3A_11, %dma_start3A_23] : memref<10240x16xf32, #tpu.memory_space<vmem_shared>> -> memref<640x16xf32, #tpu.memory_space<vmem_shared>>
      tpu.enqueue_dma source(%arg6 : memref<640x16xf32, #tpu.memory_space<vmem>>) target(%dma_start3A_24 : memref<640x16xf32, #tpu.memory_space<vmem_shared>>) target_semaphore(%run_scoped3A : memref<!tpu.dma_semaphore, #tpu.memory_space<semaphore_mem>>)
      %dma_wait3A = arith.constant 0 : i32
      %dma_wait3A_25 = tpu.memref_slice %arg7[%mul3A_11, %dma_wait3A] : memref<10240x16xf32, #tpu.memory_space<vmem_shared>> -> memref<640x16xf32, #tpu.memory_space<vmem_shared>>
      %dma_wait3A_26 = arith.constant 0 : i32
      %dma_wait3A_27 = tpu.memref_slice %arg7[%mul3A_11, %dma_wait3A_26] : memref<10240x16xf32, #tpu.memory_space<vmem_shared>> -> memref<640x16xf32, #tpu.memory_space<vmem_shared>>
      tpu.wait_dma2 semaphore(%run_scoped3A : memref<!tpu.dma_semaphore, #tpu.memory_space<semaphore_mem>>) src(%arg6 : memref<640x16xf32, #tpu.memory_space<vmem>>) dst(%dma_wait3A_27 : memref<640x16xf32, #tpu.memory_space<vmem_shared>>)
      tpu.yield
    }) : () -> ()
    "tpu.region"() ({
      %run_scoped3A = tpu.sem_alloc : memref<!tpu.dma_semaphore, #tpu.memory_space<semaphore_mem>>
      %dma_start3A = arith.constant 0 : i32
      %dma_start3A_22 = arith.constant 0 : i32
      %dma_start3A_23 = tpu.memref_slice %arg2[%add3A, %dma_start3A, %dma_start3A_22] : memref<32x80x128xi32, #tpu.memory_space<hbm>> -> memref<1x80x128xi32, #tpu.memory_space<hbm>>
      %dma_start3A_24 = tpu.memref_squeeze %dma_start3A_23 : memref<1x80x128xi32, #tpu.memory_space<hbm>> -> memref<80x128xi32, #tpu.memory_space<hbm>>
      %dma_start3A_25 = arith.constant 0 : i32
      %dma_start3A_26 = arith.constant 0 : i32
      %dma_start3A_27 = tpu.memref_slice %arg2[%add3A, %dma_start3A_25, %dma_start3A_26] : memref<32x80x128xi32, #tpu.memory_space<hbm>> -> memref<1x80x128xi32, #tpu.memory_space<hbm>>
      %dma_start3A_28 = tpu.memref_squeeze %dma_start3A_27 : memref<1x80x128xi32, #tpu.memory_space<hbm>> -> memref<80x128xi32, #tpu.memory_space<hbm>>
      tpu.enqueue_dma source(%dma_start3A_28 : memref<80x128xi32, #tpu.memory_space<hbm>>) target(%arg4 : memref<80x128xi32, #tpu.memory_space<vmem>>) target_semaphore(%run_scoped3A : memref<!tpu.dma_semaphore, #tpu.memory_space<semaphore_mem>>)
      %dma_wait3A = arith.constant 0 : i32
      %dma_wait3A_29 = arith.constant 0 : i32
      %dma_wait3A_30 = tpu.memref_slice %arg2[%add3A, %dma_wait3A, %dma_wait3A_29] : memref<32x80x128xi32, #tpu.memory_space<hbm>> -> memref<1x80x128xi32, #tpu.memory_space<hbm>>
      %dma_wait3A_31 = tpu.memref_squeeze %dma_wait3A_30 : memref<1x80x128xi32, #tpu.memory_space<hbm>> -> memref<80x128xi32, #tpu.memory_space<hbm>>
      %dma_wait3A_32 = arith.constant 0 : i32
      %dma_wait3A_33 = arith.constant 0 : i32
      %dma_wait3A_34 = tpu.memref_slice %arg2[%add3A, %dma_wait3A_32, %dma_wait3A_33] : memref<32x80x128xi32, #tpu.memory_space<hbm>> -> memref<1x80x128xi32, #tpu.memory_space<hbm>>
      %dma_wait3A_35 = tpu.memref_squeeze %dma_wait3A_34 : memref<1x80x128xi32, #tpu.memory_space<hbm>> -> memref<80x128xi32, #tpu.memory_space<hbm>>
      tpu.wait_dma2 semaphore(%run_scoped3A : memref<!tpu.dma_semaphore, #tpu.memory_space<semaphore_mem>>) src(%dma_wait3A_35 : memref<80x128xi32, #tpu.memory_space<hbm>>) dst(%arg4 : memref<80x128xi32, #tpu.memory_space<vmem>>)
      tpu.yield
    }) : () -> ()
    %barrier3A = arith.constant 0 : index
    tpu.barrier barrier_id(%barrier3A)
    %scan3A_12 = arith.constant 0 : i32
    %scan3A_13 = arith.constant 10 : i32
    %scan3A_14 = arith.addi %scan3A_12, %scan3A_13 : i32
    %scan3A_15 = arith.constant 1 : i32
    scf.for %scan3A_22 = %scan3A_12 to %scan3A_14 step %scan3A_15  : i32 {
      %mul3A_23 = arith.constant 1 : i32
      %mul3A_24 = arith.muli %scan3A_22, %mul3A_23 : i32
      %add3A_25 = arith.constant 0 : i32
      %add3A_26 = arith.addi %add3A_25, %mul3A_24 : i32
      %mul3A_27 = arith.constant 8 : i32
      %mul3A_28 = arith.muli %mul3A_27, %add3A_26 : i32
      %add3A_29 = arith.constant 0 : i32
      %add3A_30 = arith.addi %mul3A_28, %add3A_29 : i32
      %dma_start3A = arith.constant 0 : i32
      %dma_start3A_31 = tpu.memref_slice %arg4[%add3A_30, %dma_start3A] : memref<80x128xi32, #tpu.memory_space<vmem>> -> memref<1x128xi32, #tpu.memory_space<vmem>>
      %dma_start3A_32 = tpu.memref_squeeze %dma_start3A_31 : memref<1x128xi32, #tpu.memory_space<vmem>> -> memref<128xi32, #tpu.memory_space<vmem>>
      %dma_start3A_33 = arith.constant 0 : i32
      %dma_start3A_34 = arith.constant 0 : i32
      %dma_start3A_35 = tpu.memref_slice %arg7[%dma_start3A_33, %dma_start3A_34] : memref<10240x16xf32, #tpu.memory_space<vmem_shared>> -> memref<10240x16xf32, #tpu.memory_space<vmem_shared>>
      tpu.enqueue_indirect_dma source(%arg5 : memref<128x16xf32, #tpu.memory_space<vmem>>) target(%dma_start3A_35 : memref<10240x16xf32, #tpu.memory_space<vmem_shared>>) offsets(%dma_start3A_32 : memref<128xi32, #tpu.memory_space<vmem>>) semaphore(%arg8 : memref<!tpu.dma_semaphore, #tpu.memory_space<semaphore_mem>>) {add = true}
      %mul3A_36 = arith.constant 8 : i32
      %mul3A_37 = arith.muli %mul3A_36, %add3A_26 : i32
      %add3A_38 = arith.constant 1 : i32
      %add3A_39 = arith.addi %mul3A_37, %add3A_38 : i32
      %dma_start3A_40 = arith.constant 0 : i32
      %dma_start3A_41 = tpu.memref_slice %arg4[%add3A_39, %dma_start3A_40] : memref<80x128xi32, #tpu.memory_space<vmem>> -> memref<1x128xi32, #tpu.memory_space<vmem>>
      %dma_start3A_42 = tpu.memref_squeeze %dma_start3A_41 : memref<1x128xi32, #tpu.memory_space<vmem>> -> memref<128xi32, #tpu.memory_space<vmem>>
      %dma_start3A_43 = arith.constant 0 : i32
      %dma_start3A_44 = arith.constant 0 : i32
      %dma_start3A_45 = tpu.memref_slice %arg7[%dma_start3A_43, %dma_start3A_44] : memref<10240x16xf32, #tpu.memory_space<vmem_shared>> -> memref<10240x16xf32, #tpu.memory_space<vmem_shared>>
      tpu.enqueue_indirect_dma source(%arg5 : memref<128x16xf32, #tpu.memory_space<vmem>>) target(%dma_start3A_45 : memref<10240x16xf32, #tpu.memory_space<vmem_shared>>) offsets(%dma_start3A_42 : memref<128xi32, #tpu.memory_space<vmem>>) semaphore(%arg8 : memref<!tpu.dma_semaphore, #tpu.memory_space<semaphore_mem>>) {add = true}
      %mul3A_46 = arith.constant 8 : i32
      %mul3A_47 = arith.muli %mul3A_46, %add3A_26 : i32
      %add3A_48 = arith.constant 2 : i32
      %add3A_49 = arith.addi %mul3A_47, %add3A_48 : i32
      %dma_start3A_50 = arith.constant 0 : i32
      %dma_start3A_51 = tpu.memref_slice %arg4[%add3A_49, %dma_start3A_50] : memref<80x128xi32, #tpu.memory_space<vmem>> -> memref<1x128xi32, #tpu.memory_space<vmem>>
      %dma_start3A_52 = tpu.memref_squeeze %dma_start3A_51 : memref<1x128xi32, #tpu.memory_space<vmem>> -> memref<128xi32, #tpu.memory_space<vmem>>
      %dma_start3A_53 = arith.constant 0 : i32
      %dma_start3A_54 = arith.constant 0 : i32
      %dma_start3A_55 = tpu.memref_slice %arg7[%dma_start3A_53, %dma_start3A_54] : memref<10240x16xf32, #tpu.memory_space<vmem_shared>> -> memref<10240x16xf32, #tpu.memory_space<vmem_shared>>
      tpu.enqueue_indirect_dma source(%arg5 : memref<128x16xf32, #tpu.memory_space<vmem>>) target(%dma_start3A_55 : memref<10240x16xf32, #tpu.memory_space<vmem_shared>>) offsets(%dma_start3A_52 : memref<128xi32, #tpu.memory_space<vmem>>) semaphore(%arg8 : memref<!tpu.dma_semaphore, #tpu.memory_space<semaphore_mem>>) {add = true}
      %mul3A_56 = arith.constant 8 : i32
      %mul3A_57 = arith.muli %mul3A_56, %add3A_26 : i32
      %add3A_58 = arith.constant 3 : i32
      %add3A_59 = arith.addi %mul3A_57, %add3A_58 : i32
      %dma_start3A_60 = arith.constant 0 : i32
      %dma_start3A_61 = tpu.memref_slice %arg4[%add3A_59, %dma_start3A_60] : memref<80x128xi32, #tpu.memory_space<vmem>> -> memref<1x128xi32, #tpu.memory_space<vmem>>
      %dma_start3A_62 = tpu.memref_squeeze %dma_start3A_61 : memref<1x128xi32, #tpu.memory_space<vmem>> -> memref<128xi32, #tpu.memory_space<vmem>>
      %dma_start3A_63 = arith.constant 0 : i32
      %dma_start3A_64 = arith.constant 0 : i32
      %dma_start3A_65 = tpu.memref_slice %arg7[%dma_start3A_63, %dma_start3A_64] : memref<10240x16xf32, #tpu.memory_space<vmem_shared>> -> memref<10240x16xf32, #tpu.memory_space<vmem_shared>>
      tpu.enqueue_indirect_dma source(%arg5 : memref<128x16xf32, #tpu.memory_space<vmem>>) target(%dma_start3A_65 : memref<10240x16xf32, #tpu.memory_space<vmem_shared>>) offsets(%dma_start3A_62 : memref<128xi32, #tpu.memory_space<vmem>>) semaphore(%arg8 : memref<!tpu.dma_semaphore, #tpu.memory_space<semaphore_mem>>) {add = true}
      %mul3A_66 = arith.constant 8 : i32
      %mul3A_67 = arith.muli %mul3A_66, %add3A_26 : i32
      %add3A_68 = arith.constant 4 : i32
      %add3A_69 = arith.addi %mul3A_67, %add3A_68 : i32
      %dma_start3A_70 = arith.constant 0 : i32
      %dma_start3A_71 = tpu.memref_slice %arg4[%add3A_69, %dma_start3A_70] : memref<80x128xi32, #tpu.memory_space<vmem>> -> memref<1x128xi32, #tpu.memory_space<vmem>>
      %dma_start3A_72 = tpu.memref_squeeze %dma_start3A_71 : memref<1x128xi32, #tpu.memory_space<vmem>> -> memref<128xi32, #tpu.memory_space<vmem>>
      %dma_start3A_73 = arith.constant 0 : i32
      %dma_start3A_74 = arith.constant 0 : i32
      %dma_start3A_75 = tpu.memref_slice %arg7[%dma_start3A_73, %dma_start3A_74] : memref<10240x16xf32, #tpu.memory_space<vmem_shared>> -> memref<10240x16xf32, #tpu.memory_space<vmem_shared>>
      tpu.enqueue_indirect_dma source(%arg5 : memref<128x16xf32, #tpu.memory_space<vmem>>) target(%dma_start3A_75 : memref<10240x16xf32, #tpu.memory_space<vmem_shared>>) offsets(%dma_start3A_72 : memref<128xi32, #tpu.memory_space<vmem>>) semaphore(%arg8 : memref<!tpu.dma_semaphore, #tpu.memory_space<semaphore_mem>>) {add = true}
      %mul3A_76 = arith.constant 8 : i32
      %mul3A_77 = arith.muli %mul3A_76, %add3A_26 : i32
      %add3A_78 = arith.constant 5 : i32
      %add3A_79 = arith.addi %mul3A_77, %add3A_78 : i32
      %dma_start3A_80 = arith.constant 0 : i32
      %dma_start3A_81 = tpu.memref_slice %arg4[%add3A_79, %dma_start3A_80] : memref<80x128xi32, #tpu.memory_space<vmem>> -> memref<1x128xi32, #tpu.memory_space<vmem>>
      %dma_start3A_82 = tpu.memref_squeeze %dma_start3A_81 : memref<1x128xi32, #tpu.memory_space<vmem>> -> memref<128xi32, #tpu.memory_space<vmem>>
      %dma_start3A_83 = arith.constant 0 : i32
      %dma_start3A_84 = arith.constant 0 : i32
      %dma_start3A_85 = tpu.memref_slice %arg7[%dma_start3A_83, %dma_start3A_84] : memref<10240x16xf32, #tpu.memory_space<vmem_shared>> -> memref<10240x16xf32, #tpu.memory_space<vmem_shared>>
      tpu.enqueue_indirect_dma source(%arg5 : memref<128x16xf32, #tpu.memory_space<vmem>>) target(%dma_start3A_85 : memref<10240x16xf32, #tpu.memory_space<vmem_shared>>) offsets(%dma_start3A_82 : memref<128xi32, #tpu.memory_space<vmem>>) semaphore(%arg8 : memref<!tpu.dma_semaphore, #tpu.memory_space<semaphore_mem>>) {add = true}
      %mul3A_86 = arith.constant 8 : i32
      %mul3A_87 = arith.muli %mul3A_86, %add3A_26 : i32
      %add3A_88 = arith.constant 6 : i32
      %add3A_89 = arith.addi %mul3A_87, %add3A_88 : i32
      %dma_start3A_90 = arith.constant 0 : i32
      %dma_start3A_91 = tpu.memref_slice %arg4[%add3A_89, %dma_start3A_90] : memref<80x128xi32, #tpu.memory_space<vmem>> -> memref<1x128xi32, #tpu.memory_space<vmem>>
      %dma_start3A_92 = tpu.memref_squeeze %dma_start3A_91 : memref<1x128xi32, #tpu.memory_space<vmem>> -> memref<128xi32, #tpu.memory_space<vmem>>
      %dma_start3A_93 = arith.constant 0 : i32
      %dma_start3A_94 = arith.constant 0 : i32
      %dma_start3A_95 = tpu.memref_slice %arg7[%dma_start3A_93, %dma_start3A_94] : memref<10240x16xf32, #tpu.memory_space<vmem_shared>> -> memref<10240x16xf32, #tpu.memory_space<vmem_shared>>
      tpu.enqueue_indirect_dma source(%arg5 : memref<128x16xf32, #tpu.memory_space<vmem>>) target(%dma_start3A_95 : memref<10240x16xf32, #tpu.memory_space<vmem_shared>>) offsets(%dma_start3A_92 : memref<128xi32, #tpu.memory_space<vmem>>) semaphore(%arg8 : memref<!tpu.dma_semaphore, #tpu.memory_space<semaphore_mem>>) {add = true}
      %mul3A_96 = arith.constant 8 : i32
      %mul3A_97 = arith.muli %mul3A_96, %add3A_26 : i32
      %add3A_98 = arith.constant 7 : i32
      %add3A_99 = arith.addi %mul3A_97, %add3A_98 : i32
      %dma_start3A_100 = arith.constant 0 : i32
      %dma_start3A_101 = tpu.memref_slice %arg4[%add3A_99, %dma_start3A_100] : memref<80x128xi32, #tpu.memory_space<vmem>> -> memref<1x128xi32, #tpu.memory_space<vmem>>
      %dma_start3A_102 = tpu.memref_squeeze %dma_start3A_101 : memref<1x128xi32, #tpu.memory_space<vmem>> -> memref<128xi32, #tpu.memory_space<vmem>>
      %dma_start3A_103 = arith.constant 0 : i32
      %dma_start3A_104 = arith.constant 0 : i32
      %dma_start3A_105 = tpu.memref_slice %arg7[%dma_start3A_103, %dma_start3A_104] : memref<10240x16xf32, #tpu.memory_space<vmem_shared>> -> memref<10240x16xf32, #tpu.memory_space<vmem_shared>>
      tpu.enqueue_indirect_dma source(%arg5 : memref<128x16xf32, #tpu.memory_space<vmem>>) target(%dma_start3A_105 : memref<10240x16xf32, #tpu.memory_space<vmem_shared>>) offsets(%dma_start3A_102 : memref<128xi32, #tpu.memory_space<vmem>>) semaphore(%arg8 : memref<!tpu.dma_semaphore, #tpu.memory_space<semaphore_mem>>) {add = true}
      %dma_wait3A = arith.constant 0 : i32
      %dma_wait3A_106 = tpu.memref_slice %arg4[%add3A_30, %dma_wait3A] : memref<80x128xi32, #tpu.memory_space<vmem>> -> memref<1x128xi32, #tpu.memory_space<vmem>>
      %dma_wait3A_107 = tpu.memref_squeeze %dma_wait3A_106 : memref<1x128xi32, #tpu.memory_space<vmem>> -> memref<128xi32, #tpu.memory_space<vmem>>
      %dma_wait3A_108 = arith.constant 0 : i32
      %dma_wait3A_109 = arith.constant 0 : i32
      %dma_wait3A_110 = tpu.memref_slice %arg7[%dma_wait3A_108, %dma_wait3A_109] : memref<10240x16xf32, #tpu.memory_space<vmem_shared>> -> memref<10240x16xf32, #tpu.memory_space<vmem_shared>>
      tpu.wait_indirect_dma semaphore(%arg8 : memref<!tpu.dma_semaphore, #tpu.memory_space<semaphore_mem>>) src(%arg5 : memref<128x16xf32, #tpu.memory_space<vmem>>) dst(%dma_wait3A_110 : memref<10240x16xf32, #tpu.memory_space<vmem_shared>>)
      %dma_wait3A_111 = arith.constant 0 : i32
      %dma_wait3A_112 = tpu.memref_slice %arg4[%add3A_39, %dma_wait3A_111] : memref<80x128xi32, #tpu.memory_space<vmem>> -> memref<1x128xi32, #tpu.memory_space<vmem>>
      %dma_wait3A_113 = tpu.memref_squeeze %dma_wait3A_112 : memref<1x128xi32, #tpu.memory_space<vmem>> -> memref<128xi32, #tpu.memory_space<vmem>>
      %dma_wait3A_114 = arith.constant 0 : i32
      %dma_wait3A_115 = arith.constant 0 : i32
      %dma_wait3A_116 = tpu.memref_slice %arg7[%dma_wait3A_114, %dma_wait3A_115] : memref<10240x16xf32, #tpu.memory_space<vmem_shared>> -> memref<10240x16xf32, #tpu.memory_space<vmem_shared>>
      tpu.wait_indirect_dma semaphore(%arg8 : memref<!tpu.dma_semaphore, #tpu.memory_space<semaphore_mem>>) src(%arg5 : memref<128x16xf32, #tpu.memory_space<vmem>>) dst(%dma_wait3A_116 : memref<10240x16xf32, #tpu.memory_space<vmem_shared>>)
      %dma_wait3A_117 = arith.constant 0 : i32
      %dma_wait3A_118 = tpu.memref_slice %arg4[%add3A_49, %dma_wait3A_117] : memref<80x128xi32, #tpu.memory_space<vmem>> -> memref<1x128xi32, #tpu.memory_space<vmem>>
      %dma_wait3A_119 = tpu.memref_squeeze %dma_wait3A_118 : memref<1x128xi32, #tpu.memory_space<vmem>> -> memref<128xi32, #tpu.memory_space<vmem>>
      %dma_wait3A_120 = arith.constant 0 : i32
      %dma_wait3A_121 = arith.constant 0 : i32
      %dma_wait3A_122 = tpu.memref_slice %arg7[%dma_wait3A_120, %dma_wait3A_121] : memref<10240x16xf32, #tpu.memory_space<vmem_shared>> -> memref<10240x16xf32, #tpu.memory_space<vmem_shared>>
      tpu.wait_indirect_dma semaphore(%arg8 : memref<!tpu.dma_semaphore, #tpu.memory_space<semaphore_mem>>) src(%arg5 : memref<128x16xf32, #tpu.memory_space<vmem>>) dst(%dma_wait3A_122 : memref<10240x16xf32, #tpu.memory_space<vmem_shared>>)
      %dma_wait3A_123 = arith.constant 0 : i32
      %dma_wait3A_124 = tpu.memref_slice %arg4[%add3A_59, %dma_wait3A_123] : memref<80x128xi32, #tpu.memory_space<vmem>> -> memref<1x128xi32, #tpu.memory_space<vmem>>
      %dma_wait3A_125 = tpu.memref_squeeze %dma_wait3A_124 : memref<1x128xi32, #tpu.memory_space<vmem>> -> memref<128xi32, #tpu.memory_space<vmem>>
      %dma_wait3A_126 = arith.constant 0 : i32
      %dma_wait3A_127 = arith.constant 0 : i32
      %dma_wait3A_128 = tpu.memref_slice %arg7[%dma_wait3A_126, %dma_wait3A_127] : memref<10240x16xf32, #tpu.memory_space<vmem_shared>> -> memref<10240x16xf32, #tpu.memory_space<vmem_shared>>
      tpu.wait_indirect_dma semaphore(%arg8 : memref<!tpu.dma_semaphore, #tpu.memory_space<semaphore_mem>>) src(%arg5 : memref<128x16xf32, #tpu.memory_space<vmem>>) dst(%dma_wait3A_128 : memref<10240x16xf32, #tpu.memory_space<vmem_shared>>)
      %dma_wait3A_129 = arith.constant 0 : i32
      %dma_wait3A_130 = tpu.memref_slice %arg4[%add3A_69, %dma_wait3A_129] : memref<80x128xi32, #tpu.memory_space<vmem>> -> memref<1x128xi32, #tpu.memory_space<vmem>>
      %dma_wait3A_131 = tpu.memref_squeeze %dma_wait3A_130 : memref<1x128xi32, #tpu.memory_space<vmem>> -> memref<128xi32, #tpu.memory_space<vmem>>
      %dma_wait3A_132 = arith.constant 0 : i32
      %dma_wait3A_133 = arith.constant 0 : i32
      %dma_wait3A_134 = tpu.memref_slice %arg7[%dma_wait3A_132, %dma_wait3A_133] : memref<10240x16xf32, #tpu.memory_space<vmem_shared>> -> memref<10240x16xf32, #tpu.memory_space<vmem_shared>>
      tpu.wait_indirect_dma semaphore(%arg8 : memref<!tpu.dma_semaphore, #tpu.memory_space<semaphore_mem>>) src(%arg5 : memref<128x16xf32, #tpu.memory_space<vmem>>) dst(%dma_wait3A_134 : memref<10240x16xf32, #tpu.memory_space<vmem_shared>>)
      %dma_wait3A_135 = arith.constant 0 : i32
      %dma_wait3A_136 = tpu.memref_slice %arg4[%add3A_79, %dma_wait3A_135] : memref<80x128xi32, #tpu.memory_space<vmem>> -> memref<1x128xi32, #tpu.memory_space<vmem>>
      %dma_wait3A_137 = tpu.memref_squeeze %dma_wait3A_136 : memref<1x128xi32, #tpu.memory_space<vmem>> -> memref<128xi32, #tpu.memory_space<vmem>>
      %dma_wait3A_138 = arith.constant 0 : i32
      %dma_wait3A_139 = arith.constant 0 : i32
      %dma_wait3A_140 = tpu.memref_slice %arg7[%dma_wait3A_138, %dma_wait3A_139] : memref<10240x16xf32, #tpu.memory_space<vmem_shared>> -> memref<10240x16xf32, #tpu.memory_space<vmem_shared>>
      tpu.wait_indirect_dma semaphore(%arg8 : memref<!tpu.dma_semaphore, #tpu.memory_space<semaphore_mem>>) src(%arg5 : memref<128x16xf32, #tpu.memory_space<vmem>>) dst(%dma_wait3A_140 : memref<10240x16xf32, #tpu.memory_space<vmem_shared>>)
      %dma_wait3A_141 = arith.constant 0 : i32
      %dma_wait3A_142 = tpu.memref_slice %arg4[%add3A_89, %dma_wait3A_141] : memref<80x128xi32, #tpu.memory_space<vmem>> -> memref<1x128xi32, #tpu.memory_space<vmem>>
      %dma_wait3A_143 = tpu.memref_squeeze %dma_wait3A_142 : memref<1x128xi32, #tpu.memory_space<vmem>> -> memref<128xi32, #tpu.memory_space<vmem>>
      %dma_wait3A_144 = arith.constant 0 : i32
      %dma_wait3A_145 = arith.constant 0 : i32
      %dma_wait3A_146 = tpu.memref_slice %arg7[%dma_wait3A_144, %dma_wait3A_145] : memref<10240x16xf32, #tpu.memory_space<vmem_shared>> -> memref<10240x16xf32, #tpu.memory_space<vmem_shared>>
      tpu.wait_indirect_dma semaphore(%arg8 : memref<!tpu.dma_semaphore, #tpu.memory_space<semaphore_mem>>) src(%arg5 : memref<128x16xf32, #tpu.memory_space<vmem>>) dst(%dma_wait3A_146 : memref<10240x16xf32, #tpu.memory_space<vmem_shared>>)
      %dma_wait3A_147 = arith.constant 0 : i32
      %dma_wait3A_148 = tpu.memref_slice %arg4[%add3A_99, %dma_wait3A_147] : memref<80x128xi32, #tpu.memory_space<vmem>> -> memref<1x128xi32, #tpu.memory_space<vmem>>
      %dma_wait3A_149 = tpu.memref_squeeze %dma_wait3A_148 : memref<1x128xi32, #tpu.memory_space<vmem>> -> memref<128xi32, #tpu.memory_space<vmem>>
      %dma_wait3A_150 = arith.constant 0 : i32
      %dma_wait3A_151 = arith.constant 0 : i32
      %dma_wait3A_152 = tpu.memref_slice %arg7[%dma_wait3A_150, %dma_wait3A_151] : memref<10240x16xf32, #tpu.memory_space<vmem_shared>> -> memref<10240x16xf32, #tpu.memory_space<vmem_shared>>
      tpu.wait_indirect_dma semaphore(%arg8 : memref<!tpu.dma_semaphore, #tpu.memory_space<semaphore_mem>>) src(%arg5 : memref<128x16xf32, #tpu.memory_space<vmem>>) dst(%dma_wait3A_152 : memref<10240x16xf32, #tpu.memory_space<vmem_shared>>)
    }
    %scan3A_16 = arith.constant 10 : i32
    %barrier3A_17 = arith.constant 0 : index
    tpu.barrier barrier_id(%barrier3A_17)
    %mul3A_18 = arith.constant 640 : i32
    %mul3A_19 = arith.muli %arg1, %mul3A_18 : i32
    %mul3A_20 = arith.constant 640 : i32
    %mul3A_21 = arith.muli %arg1, %mul3A_20 : i32
    "tpu.region"() ({
      %run_scoped3A = tpu.sem_alloc : memref<!tpu.dma_semaphore, #tpu.memory_space<semaphore_mem>>
      %dma_start3A = arith.constant 0 : i32
      %dma_start3A_22 = arith.constant 0 : i32
      %dma_start3A_23 = tpu.memref_slice %arg3[%arg0, %dma_start3A, %dma_start3A_22] : memref<2x10240x16xf32, #tpu.memory_space<hbm>> -> memref<1x10240x16xf32, #tpu.memory_space<hbm>>
      %dma_start3A_24 = tpu.memref_squeeze %dma_start3A_23 : memref<1x10240x16xf32, #tpu.memory_space<hbm>> -> memref<10240x16xf32, #tpu.memory_space<hbm>>
      %dma_start3A_25 = arith.constant 0 : i32
      %dma_start3A_26 = tpu.memref_slice %dma_start3A_24[%mul3A_21, %dma_start3A_25] : memref<10240x16xf32, #tpu.memory_space<hbm>> -> memref<640x16xf32, #tpu.memory_space<hbm>>
      %dma_start3A_27 = arith.constant 0 : i32
      %dma_start3A_28 = tpu.memref_slice %arg7[%mul3A_19, %dma_start3A_27] : memref<10240x16xf32, #tpu.memory_space<vmem_shared>> -> memref<640x16xf32, #tpu.memory_space<vmem_shared>>
      tpu.enqueue_dma source(%dma_start3A_28 : memref<640x16xf32, #tpu.memory_space<vmem_shared>>) target(%dma_start3A_26 : memref<640x16xf32, #tpu.memory_space<hbm>>) target_semaphore(%run_scoped3A : memref<!tpu.dma_semaphore, #tpu.memory_space<semaphore_mem>>)
      %dma_wait3A = arith.constant 0 : i32
      %dma_wait3A_29 = arith.constant 0 : i32
      %dma_wait3A_30 = tpu.memref_slice %arg3[%arg0, %dma_wait3A, %dma_wait3A_29] : memref<2x10240x16xf32, #tpu.memory_space<hbm>> -> memref<1x10240x16xf32, #tpu.memory_space<hbm>>
      %dma_wait3A_31 = tpu.memref_squeeze %dma_wait3A_30 : memref<1x10240x16xf32, #tpu.memory_space<hbm>> -> memref<10240x16xf32, #tpu.memory_space<hbm>>
      %dma_wait3A_32 = arith.constant 0 : i32
      %dma_wait3A_33 = tpu.memref_slice %dma_wait3A_31[%mul3A_21, %dma_wait3A_32] : memref<10240x16xf32, #tpu.memory_space<hbm>> -> memref<640x16xf32, #tpu.memory_space<hbm>>
      %dma_wait3A_34 = arith.constant 0 : i32
      %dma_wait3A_35 = tpu.memref_slice %arg7[%mul3A_19, %dma_wait3A_34] : memref<10240x16xf32, #tpu.memory_space<vmem_shared>> -> memref<640x16xf32, #tpu.memory_space<vmem_shared>>
      tpu.wait_dma2 semaphore(%run_scoped3A : memref<!tpu.dma_semaphore, #tpu.memory_space<semaphore_mem>>) src(%dma_wait3A_35 : memref<640x16xf32, #tpu.memory_space<vmem_shared>>) dst(%dma_wait3A_33 : memref<640x16xf32, #tpu.memory_space<hbm>>)
      tpu.yield
    }) : () -> ()
    return
  }
}

#map = affine_map<(d0, d1) -> (0, 0)>
#map1 = affine_map<(d0, d1) -> (0, 0, 0)>
module attributes {stable_mosaic.version = 14 : i64} {
  func.func @hop_kernel(%arg0: i32, %arg1: i32, %arg2: memref<10240x48xf32, #tpu.memory_space<hbm>>, %arg3: memref<32x80x128xi32, #tpu.memory_space<hbm>>, %arg4: memref<32x80x128xi32, #tpu.memory_space<hbm>>, %arg5: memref<2x10240x48xf32, #tpu.memory_space<hbm>>, %arg6: memref<80x128xi32, #tpu.memory_space<vmem>>, %arg7: memref<80x128xi32, #tpu.memory_space<vmem>>, %arg8: memref<128x48xf32, #tpu.memory_space<vmem>>, %arg9: memref<128x48xf32, #tpu.memory_space<vmem>>, %arg10: memref<128x48xf32, #tpu.memory_space<vmem>>, %arg11: memref<128x48xf32, #tpu.memory_space<vmem>>, %arg12: memref<128x48xf32, #tpu.memory_space<vmem>>, %arg13: memref<10240x48xf32, #tpu.memory_space<vmem_shared>>, %arg14: memref<10240x48xf32, #tpu.memory_space<vmem_shared>>, %arg15: memref<!tpu.dma_semaphore, #tpu.memory_space<semaphore_mem>>, %arg16: memref<!tpu.dma_semaphore, #tpu.memory_space<semaphore_mem>>, %arg17: memref<!tpu.dma_semaphore, #tpu.memory_space<semaphore_mem>>, %arg18: memref<!tpu.dma_semaphore, #tpu.memory_space<semaphore_mem>>, %arg19: memref<!tpu.dma_semaphore, #tpu.memory_space<semaphore_mem>>, %arg20: memref<!tpu.dma_semaphore, #tpu.memory_space<semaphore_mem>>, %arg21: memref<!tpu.dma_semaphore, #tpu.memory_space<semaphore_mem>>, %arg22: memref<!tpu.dma_semaphore, #tpu.memory_space<semaphore_mem>>) attributes {dimension_semantics = [#tpu.dimension_semantics<core_parallel>, #tpu.dimension_semantics<subcore_parallel>], iteration_bounds = array<i64: 2, 16>, scalar_prefetch = 0 : i64, scratch_operands = 17 : i64, tpu.core_type = #tpu.core_type<sc_vector_subcore>, window_params = [{transform_indices = #map}, {transform_indices = #map1}, {transform_indices = #map1}, {transform_indices = #map1}]} {
    %mul3A = arith.constant 16 : i32
    %mul3A_0 = arith.muli %arg0, %mul3A : i32
    %add3A = arith.addi %mul3A_0, %arg1 : i32
    %mul3A_1 = arith.constant 640 : i32
    %mul3A_2 = arith.muli %arg1, %mul3A_1 : i32
    %mul3A_3 = arith.constant 640 : i32
    %mul3A_4 = arith.muli %arg1, %mul3A_3 : i32
    "tpu.region"() ({
      %run_scoped3A = tpu.sem_alloc : memref<!tpu.dma_semaphore, #tpu.memory_space<semaphore_mem>>
      %dma_start3A_78 = arith.constant 0 : i32
      %dma_start3A_79 = tpu.memref_slice %arg13[%mul3A_4, %dma_start3A_78] : memref<10240x48xf32, #tpu.memory_space<vmem_shared>> -> memref<640x48xf32, #tpu.memory_space<vmem_shared>>
      %dma_start3A_80 = arith.constant 0 : i32
      %dma_start3A_81 = tpu.memref_slice %arg2[%mul3A_2, %dma_start3A_80] : memref<10240x48xf32, #tpu.memory_space<hbm>> -> memref<640x48xf32, #tpu.memory_space<hbm>>
      tpu.enqueue_dma source(%dma_start3A_81 : memref<640x48xf32, #tpu.memory_space<hbm>>) target(%dma_start3A_79 : memref<640x48xf32, #tpu.memory_space<vmem_shared>>) target_semaphore(%run_scoped3A : memref<!tpu.dma_semaphore, #tpu.memory_space<semaphore_mem>>)
      %dma_wait3A_82 = arith.constant 0 : i32
      %dma_wait3A_83 = tpu.memref_slice %arg13[%mul3A_4, %dma_wait3A_82] : memref<10240x48xf32, #tpu.memory_space<vmem_shared>> -> memref<640x48xf32, #tpu.memory_space<vmem_shared>>
      %dma_wait3A_84 = arith.constant 0 : i32
      %dma_wait3A_85 = tpu.memref_slice %arg2[%mul3A_2, %dma_wait3A_84] : memref<10240x48xf32, #tpu.memory_space<hbm>> -> memref<640x48xf32, #tpu.memory_space<hbm>>
      tpu.wait_dma2 semaphore(%run_scoped3A : memref<!tpu.dma_semaphore, #tpu.memory_space<semaphore_mem>>) src(%dma_wait3A_85 : memref<640x48xf32, #tpu.memory_space<hbm>>) dst(%dma_wait3A_83 : memref<640x48xf32, #tpu.memory_space<vmem_shared>>)
      tpu.yield
    }) : () -> ()
    %scan3A = arith.constant 0 : i32
    %scan3A_5 = arith.constant 128 : i32
    %scan3A_6 = arith.addi %scan3A, %scan3A_5 : i32
    %scan3A_7 = arith.constant 1 : i32
    scf.for %scan3A_78 = %scan3A to %scan3A_6 step %scan3A_7  : i32 {
      %mul3A_79 = arith.constant 1 : i32
      %mul3A_80 = arith.muli %scan3A_78, %mul3A_79 : i32
      %add3A_81 = arith.constant 0 : i32
      %add3A_82 = arith.addi %add3A_81, %mul3A_80 : i32
      %broadcast_in_dim3A = arith.constant 0.000000e+00 : f32
      %broadcast_in_dim3A_83 = vector.broadcast %broadcast_in_dim3A : f32 to vector<16xf32>
      %swap3A = arith.constant 0 : i32
      %swap3A_84 = tpu.memref_slice %arg12[%add3A_82, %swap3A] : memref<128x48xf32, #tpu.memory_space<vmem>> -> memref<1x48xf32, #tpu.memory_space<vmem>>
      %swap3A_85 = tpu.memref_squeeze %swap3A_84 : memref<1x48xf32, #tpu.memory_space<vmem>> -> memref<48xf32, #tpu.memory_space<vmem>>
      %swap3A_86 = arith.constant 0 : index
      %swap3A_87 = tpu.vector_load %swap3A_85[%swap3A_86] {strides = array<i32>} : memref<48xf32, #tpu.memory_space<vmem>>, vector<16xf32>,
      %swap3A_88 = vector.shape_cast %swap3A_87 : vector<16xf32> to vector<16xf32>
      %swap3A_89 = vector.shape_cast %broadcast_in_dim3A_83 : vector<16xf32> to vector<16xf32>
      tpu.vector_store %swap3A_85[%swap3A_86], %swap3A_89 {strides = array<i32>} : memref<48xf32, #tpu.memory_space<vmem>>, vector<16xf32>,
      %broadcast_in_dim3A_90 = arith.constant 0.000000e+00 : f32
      %broadcast_in_dim3A_91 = vector.broadcast %broadcast_in_dim3A_90 : f32 to vector<16xf32>
      %swap3A_92 = arith.constant 0 : i32
      %swap3A_93 = tpu.memref_slice %arg12[%add3A_82, %swap3A_92] : memref<128x48xf32, #tpu.memory_space<vmem>> -> memref<1x48xf32, #tpu.memory_space<vmem>>
      %swap3A_94 = tpu.memref_squeeze %swap3A_93 : memref<1x48xf32, #tpu.memory_space<vmem>> -> memref<48xf32, #tpu.memory_space<vmem>>
      %swap3A_95 = arith.constant 16 : index
      %swap3A_96 = tpu.vector_load %swap3A_94[%swap3A_95] {strides = array<i32>} : memref<48xf32, #tpu.memory_space<vmem>>, vector<16xf32>,
      %swap3A_97 = vector.shape_cast %swap3A_96 : vector<16xf32> to vector<16xf32>
      %swap3A_98 = vector.shape_cast %broadcast_in_dim3A_91 : vector<16xf32> to vector<16xf32>
      tpu.vector_store %swap3A_94[%swap3A_95], %swap3A_98 {strides = array<i32>} : memref<48xf32, #tpu.memory_space<vmem>>, vector<16xf32>,
      %broadcast_in_dim3A_99 = arith.constant 0.000000e+00 : f32
      %broadcast_in_dim3A_100 = vector.broadcast %broadcast_in_dim3A_99 : f32 to vector<16xf32>
      %swap3A_101 = arith.constant 0 : i32
      %swap3A_102 = tpu.memref_slice %arg12[%add3A_82, %swap3A_101] : memref<128x48xf32, #tpu.memory_space<vmem>> -> memref<1x48xf32, #tpu.memory_space<vmem>>
      %swap3A_103 = tpu.memref_squeeze %swap3A_102 : memref<1x48xf32, #tpu.memory_space<vmem>> -> memref<48xf32, #tpu.memory_space<vmem>>
      %swap3A_104 = arith.constant 32 : index
      %swap3A_105 = tpu.vector_load %swap3A_103[%swap3A_104] {strides = array<i32>} : memref<48xf32, #tpu.memory_space<vmem>>, vector<16xf32>,
      %swap3A_106 = vector.shape_cast %swap3A_105 : vector<16xf32> to vector<16xf32>
      %swap3A_107 = vector.shape_cast %broadcast_in_dim3A_100 : vector<16xf32> to vector<16xf32>
      tpu.vector_store %swap3A_103[%swap3A_104], %swap3A_107 {strides = array<i32>} : memref<48xf32, #tpu.memory_space<vmem>>, vector<16xf32>,
    }
    %scan3A_8 = arith.constant 128 : i32
    %scan3A_9 = arith.constant 0 : i32
    %scan3A_10 = arith.constant 5 : i32
    %scan3A_11 = arith.addi %scan3A_9, %scan3A_10 : i32
    %scan3A_12 = arith.constant 1 : i32
    scf.for %scan3A_78 = %scan3A_9 to %scan3A_11 step %scan3A_12  : i32 {
      %mul3A_79 = arith.constant 1 : i32
      %mul3A_80 = arith.muli %scan3A_78, %mul3A_79 : i32
      %add3A_81 = arith.constant 0 : i32
      %add3A_82 = arith.addi %add3A_81, %mul3A_80 : i32
      %mul3A_83 = arith.constant 640 : i32
      %mul3A_84 = arith.muli %arg1, %mul3A_83 : i32
      %mul3A_85 = arith.constant 128 : i32
      %mul3A_86 = arith.muli %add3A_82, %mul3A_85 : i32
      %add3A_87 = arith.addi %mul3A_84, %mul3A_86 : i32
      "tpu.region"() ({
        %run_scoped3A = tpu.sem_alloc : memref<!tpu.dma_semaphore, #tpu.memory_space<semaphore_mem>>
        %dma_start3A_88 = arith.constant 0 : i32
        %dma_start3A_89 = tpu.memref_slice %arg14[%add3A_87, %dma_start3A_88] : memref<10240x48xf32, #tpu.memory_space<vmem_shared>> -> memref<128x48xf32, #tpu.memory_space<vmem_shared>>
        %dma_start3A_90 = arith.constant 0 : i32
        %dma_start3A_91 = tpu.memref_slice %arg14[%add3A_87, %dma_start3A_90] : memref<10240x48xf32, #tpu.memory_space<vmem_shared>> -> memref<128x48xf32, #tpu.memory_space<vmem_shared>>
        tpu.enqueue_dma source(%arg12 : memref<128x48xf32, #tpu.memory_space<vmem>>) target(%dma_start3A_91 : memref<128x48xf32, #tpu.memory_space<vmem_shared>>) target_semaphore(%run_scoped3A : memref<!tpu.dma_semaphore, #tpu.memory_space<semaphore_mem>>)
        %dma_wait3A_92 = arith.constant 0 : i32
        %dma_wait3A_93 = tpu.memref_slice %arg14[%add3A_87, %dma_wait3A_92] : memref<10240x48xf32, #tpu.memory_space<vmem_shared>> -> memref<128x48xf32, #tpu.memory_space<vmem_shared>>
        %dma_wait3A_94 = arith.constant 0 : i32
        %dma_wait3A_95 = tpu.memref_slice %arg14[%add3A_87, %dma_wait3A_94] : memref<10240x48xf32, #tpu.memory_space<vmem_shared>> -> memref<128x48xf32, #tpu.memory_space<vmem_shared>>
        tpu.wait_dma2 semaphore(%run_scoped3A : memref<!tpu.dma_semaphore, #tpu.memory_space<semaphore_mem>>) src(%arg12 : memref<128x48xf32, #tpu.memory_space<vmem>>) dst(%dma_wait3A_95 : memref<128x48xf32, #tpu.memory_space<vmem_shared>>)
        tpu.yield
      }) : () -> ()
    }
    %scan3A_13 = arith.constant 5 : i32
    "tpu.region"() ({
      %run_scoped3A = tpu.sem_alloc : memref<!tpu.dma_semaphore, #tpu.memory_space<semaphore_mem>>
      %dma_start3A_78 = arith.constant 0 : i32
      %dma_start3A_79 = arith.constant 0 : i32
      %dma_start3A_80 = tpu.memref_slice %arg3[%add3A, %dma_start3A_78, %dma_start3A_79] : memref<32x80x128xi32, #tpu.memory_space<hbm>> -> memref<1x80x128xi32, #tpu.memory_space<hbm>>
      %dma_start3A_81 = tpu.memref_squeeze %dma_start3A_80 : memref<1x80x128xi32, #tpu.memory_space<hbm>> -> memref<80x128xi32, #tpu.memory_space<hbm>>
      %dma_start3A_82 = arith.constant 0 : i32
      %dma_start3A_83 = arith.constant 0 : i32
      %dma_start3A_84 = tpu.memref_slice %arg3[%add3A, %dma_start3A_82, %dma_start3A_83] : memref<32x80x128xi32, #tpu.memory_space<hbm>> -> memref<1x80x128xi32, #tpu.memory_space<hbm>>
      %dma_start3A_85 = tpu.memref_squeeze %dma_start3A_84 : memref<1x80x128xi32, #tpu.memory_space<hbm>> -> memref<80x128xi32, #tpu.memory_space<hbm>>
      tpu.enqueue_dma source(%dma_start3A_85 : memref<80x128xi32, #tpu.memory_space<hbm>>) target(%arg6 : memref<80x128xi32, #tpu.memory_space<vmem>>) target_semaphore(%run_scoped3A : memref<!tpu.dma_semaphore, #tpu.memory_space<semaphore_mem>>)
      %dma_wait3A_86 = arith.constant 0 : i32
      %dma_wait3A_87 = arith.constant 0 : i32
      %dma_wait3A_88 = tpu.memref_slice %arg3[%add3A, %dma_wait3A_86, %dma_wait3A_87] : memref<32x80x128xi32, #tpu.memory_space<hbm>> -> memref<1x80x128xi32, #tpu.memory_space<hbm>>
      %dma_wait3A_89 = tpu.memref_squeeze %dma_wait3A_88 : memref<1x80x128xi32, #tpu.memory_space<hbm>> -> memref<80x128xi32, #tpu.memory_space<hbm>>
      %dma_wait3A_90 = arith.constant 0 : i32
      %dma_wait3A_91 = arith.constant 0 : i32
      %dma_wait3A_92 = tpu.memref_slice %arg3[%add3A, %dma_wait3A_90, %dma_wait3A_91] : memref<32x80x128xi32, #tpu.memory_space<hbm>> -> memref<1x80x128xi32, #tpu.memory_space<hbm>>
      %dma_wait3A_93 = tpu.memref_squeeze %dma_wait3A_92 : memref<1x80x128xi32, #tpu.memory_space<hbm>> -> memref<80x128xi32, #tpu.memory_space<hbm>>
      tpu.wait_dma2 semaphore(%run_scoped3A : memref<!tpu.dma_semaphore, #tpu.memory_space<semaphore_mem>>) src(%dma_wait3A_93 : memref<80x128xi32, #tpu.memory_space<hbm>>) dst(%arg6 : memref<80x128xi32, #tpu.memory_space<vmem>>)
      tpu.yield
    }) : () -> ()
    "tpu.region"() ({
      %run_scoped3A = tpu.sem_alloc : memref<!tpu.dma_semaphore, #tpu.memory_space<semaphore_mem>>
      %dma_start3A_78 = arith.constant 0 : i32
      %dma_start3A_79 = arith.constant 0 : i32
      %dma_start3A_80 = tpu.memref_slice %arg4[%add3A, %dma_start3A_78, %dma_start3A_79] : memref<32x80x128xi32, #tpu.memory_space<hbm>> -> memref<1x80x128xi32, #tpu.memory_space<hbm>>
      %dma_start3A_81 = tpu.memref_squeeze %dma_start3A_80 : memref<1x80x128xi32, #tpu.memory_space<hbm>> -> memref<80x128xi32, #tpu.memory_space<hbm>>
      %dma_start3A_82 = arith.constant 0 : i32
      %dma_start3A_83 = arith.constant 0 : i32
      %dma_start3A_84 = tpu.memref_slice %arg4[%add3A, %dma_start3A_82, %dma_start3A_83] : memref<32x80x128xi32, #tpu.memory_space<hbm>> -> memref<1x80x128xi32, #tpu.memory_space<hbm>>
      %dma_start3A_85 = tpu.memref_squeeze %dma_start3A_84 : memref<1x80x128xi32, #tpu.memory_space<hbm>> -> memref<80x128xi32, #tpu.memory_space<hbm>>
      tpu.enqueue_dma source(%dma_start3A_85 : memref<80x128xi32, #tpu.memory_space<hbm>>) target(%arg7 : memref<80x128xi32, #tpu.memory_space<vmem>>) target_semaphore(%run_scoped3A : memref<!tpu.dma_semaphore, #tpu.memory_space<semaphore_mem>>)
      %dma_wait3A_86 = arith.constant 0 : i32
      %dma_wait3A_87 = arith.constant 0 : i32
      %dma_wait3A_88 = tpu.memref_slice %arg4[%add3A, %dma_wait3A_86, %dma_wait3A_87] : memref<32x80x128xi32, #tpu.memory_space<hbm>> -> memref<1x80x128xi32, #tpu.memory_space<hbm>>
      %dma_wait3A_89 = tpu.memref_squeeze %dma_wait3A_88 : memref<1x80x128xi32, #tpu.memory_space<hbm>> -> memref<80x128xi32, #tpu.memory_space<hbm>>
      %dma_wait3A_90 = arith.constant 0 : i32
      %dma_wait3A_91 = arith.constant 0 : i32
      %dma_wait3A_92 = tpu.memref_slice %arg4[%add3A, %dma_wait3A_90, %dma_wait3A_91] : memref<32x80x128xi32, #tpu.memory_space<hbm>> -> memref<1x80x128xi32, #tpu.memory_space<hbm>>
      %dma_wait3A_93 = tpu.memref_squeeze %dma_wait3A_92 : memref<1x80x128xi32, #tpu.memory_space<hbm>> -> memref<80x128xi32, #tpu.memory_space<hbm>>
      tpu.wait_dma2 semaphore(%run_scoped3A : memref<!tpu.dma_semaphore, #tpu.memory_space<semaphore_mem>>) src(%dma_wait3A_93 : memref<80x128xi32, #tpu.memory_space<hbm>>) dst(%arg7 : memref<80x128xi32, #tpu.memory_space<vmem>>)
      tpu.yield
    }) : () -> ()
    %barrier3A = arith.constant 0 : index
    tpu.barrier barrier_id(%barrier3A)
    %dma_start3A = arith.constant 0 : i32
    %dma_start3A_14 = arith.constant 0 : i32
    %dma_start3A_15 = tpu.memref_slice %arg6[%dma_start3A, %dma_start3A_14] : memref<80x128xi32, #tpu.memory_space<vmem>> -> memref<1x128xi32, #tpu.memory_space<vmem>>
    %dma_start3A_16 = tpu.memref_squeeze %dma_start3A_15 : memref<1x128xi32, #tpu.memory_space<vmem>> -> memref<128xi32, #tpu.memory_space<vmem>>
    %dma_start3A_17 = arith.constant 0 : i32
    %dma_start3A_18 = arith.constant 0 : i32
    %dma_start3A_19 = tpu.memref_slice %arg13[%dma_start3A_17, %dma_start3A_18] : memref<10240x48xf32, #tpu.memory_space<vmem_shared>> -> memref<10240x48xf32, #tpu.memory_space<vmem_shared>>
    tpu.enqueue_indirect_dma source(%dma_start3A_19 : memref<10240x48xf32, #tpu.memory_space<vmem_shared>>) target(%arg8 : memref<128x48xf32, #tpu.memory_space<vmem>>) offsets(%dma_start3A_16 : memref<128xi32, #tpu.memory_space<vmem>>) semaphore(%arg15 : memref<!tpu.dma_semaphore, #tpu.memory_space<semaphore_mem>>)
    %dma_start3A_20 = arith.constant 1 : i32
    %dma_start3A_21 = arith.constant 0 : i32
    %dma_start3A_22 = tpu.memref_slice %arg6[%dma_start3A_20, %dma_start3A_21] : memref<80x128xi32, #tpu.memory_space<vmem>> -> memref<1x128xi32, #tpu.memory_space<vmem>>
    %dma_start3A_23 = tpu.memref_squeeze %dma_start3A_22 : memref<1x128xi32, #tpu.memory_space<vmem>> -> memref<128xi32, #tpu.memory_space<vmem>>
    %dma_start3A_24 = arith.constant 0 : i32
    %dma_start3A_25 = arith.constant 0 : i32
    %dma_start3A_26 = tpu.memref_slice %arg13[%dma_start3A_24, %dma_start3A_25] : memref<10240x48xf32, #tpu.memory_space<vmem_shared>> -> memref<10240x48xf32, #tpu.memory_space<vmem_shared>>
    tpu.enqueue_indirect_dma source(%dma_start3A_26 : memref<10240x48xf32, #tpu.memory_space<vmem_shared>>) target(%arg9 : memref<128x48xf32, #tpu.memory_space<vmem>>) offsets(%dma_start3A_23 : memref<128xi32, #tpu.memory_space<vmem>>) semaphore(%arg16 : memref<!tpu.dma_semaphore, #tpu.memory_space<semaphore_mem>>)
    %dma_start3A_27 = arith.constant 2 : i32
    %dma_start3A_28 = arith.constant 0 : i32
    %dma_start3A_29 = tpu.memref_slice %arg6[%dma_start3A_27, %dma_start3A_28] : memref<80x128xi32, #tpu.memory_space<vmem>> -> memref<1x128xi32, #tpu.memory_space<vmem>>
    %dma_start3A_30 = tpu.memref_squeeze %dma_start3A_29 : memref<1x128xi32, #tpu.memory_space<vmem>> -> memref<128xi32, #tpu.memory_space<vmem>>
    %dma_start3A_31 = arith.constant 0 : i32
    %dma_start3A_32 = arith.constant 0 : i32
    %dma_start3A_33 = tpu.memref_slice %arg13[%dma_start3A_31, %dma_start3A_32] : memref<10240x48xf32, #tpu.memory_space<vmem_shared>> -> memref<10240x48xf32, #tpu.memory_space<vmem_shared>>
    tpu.enqueue_indirect_dma source(%dma_start3A_33 : memref<10240x48xf32, #tpu.memory_space<vmem_shared>>) target(%arg10 : memref<128x48xf32, #tpu.memory_space<vmem>>) offsets(%dma_start3A_30 : memref<128xi32, #tpu.memory_space<vmem>>) semaphore(%arg17 : memref<!tpu.dma_semaphore, #tpu.memory_space<semaphore_mem>>)
    %dma_start3A_34 = arith.constant 0 : i32
    %dma_start3A_35 = arith.constant 0 : i32
    %dma_start3A_36 = tpu.memref_slice %arg7[%dma_start3A_34, %dma_start3A_35] : memref<80x128xi32, #tpu.memory_space<vmem>> -> memref<1x128xi32, #tpu.memory_space<vmem>>
    %dma_start3A_37 = tpu.memref_squeeze %dma_start3A_36 : memref<1x128xi32, #tpu.memory_space<vmem>> -> memref<128xi32, #tpu.memory_space<vmem>>
    %dma_start3A_38 = arith.constant 0 : i32
    %dma_start3A_39 = arith.constant 0 : i32
    %dma_start3A_40 = tpu.memref_slice %arg14[%dma_start3A_38, %dma_start3A_39] : memref<10240x48xf32, #tpu.memory_space<vmem_shared>> -> memref<10240x48xf32, #tpu.memory_space<vmem_shared>>
    tpu.enqueue_indirect_dma source(%arg12 : memref<128x48xf32, #tpu.memory_space<vmem>>) target(%dma_start3A_40 : memref<10240x48xf32, #tpu.memory_space<vmem_shared>>) offsets(%dma_start3A_37 : memref<128xi32, #tpu.memory_space<vmem>>) semaphore(%arg22 : memref<!tpu.dma_semaphore, #tpu.memory_space<semaphore_mem>>) {add = true}
    %scan3A_41 = arith.constant 0 : i32
    %scan3A_42 = arith.constant 20 : i32
    %scan3A_43 = arith.addi %scan3A_41, %scan3A_42 : i32
    %scan3A_44 = arith.constant 1 : i32
    scf.for %scan3A_78 = %scan3A_41 to %scan3A_43 step %scan3A_44  : i32 {
      %mul3A_79 = arith.constant 1 : i32
      %mul3A_80 = arith.muli %scan3A_78, %mul3A_79 : i32
      %add3A_81 = arith.constant 0 : i32
      %add3A_82 = arith.addi %add3A_81, %mul3A_80 : i32
      %mul3A_83 = arith.constant 4 : i32
      %mul3A_84 = arith.muli %mul3A_83, %add3A_82 : i32
      %add3A_85 = arith.constant 0 : i32
      %add3A_86 = arith.addi %mul3A_84, %add3A_85 : i32
      %dma_wait3A_87 = arith.constant 0 : i32
      %dma_wait3A_88 = arith.constant 0 : i32
      %dma_wait3A_89 = tpu.memref_slice %arg6[%dma_wait3A_87, %dma_wait3A_88] : memref<80x128xi32, #tpu.memory_space<vmem>> -> memref<1x128xi32, #tpu.memory_space<vmem>>
      %dma_wait3A_90 = tpu.memref_squeeze %dma_wait3A_89 : memref<1x128xi32, #tpu.memory_space<vmem>> -> memref<128xi32, #tpu.memory_space<vmem>>
      %dma_wait3A_91 = arith.constant 0 : i32
      %dma_wait3A_92 = arith.constant 0 : i32
      %dma_wait3A_93 = tpu.memref_slice %arg13[%dma_wait3A_91, %dma_wait3A_92] : memref<10240x48xf32, #tpu.memory_space<vmem_shared>> -> memref<10240x48xf32, #tpu.memory_space<vmem_shared>>
      tpu.wait_indirect_dma semaphore(%arg15 : memref<!tpu.dma_semaphore, #tpu.memory_space<semaphore_mem>>) src(%dma_wait3A_93 : memref<10240x48xf32, #tpu.memory_space<vmem_shared>>) dst(%arg8 : memref<128x48xf32, #tpu.memory_space<vmem>>)
      %dma_start3A_94 = arith.constant 0 : i32
      %dma_start3A_95 = tpu.memref_slice %arg7[%add3A_86, %dma_start3A_94] : memref<80x128xi32, #tpu.memory_space<vmem>> -> memref<1x128xi32, #tpu.memory_space<vmem>>
      %dma_start3A_96 = tpu.memref_squeeze %dma_start3A_95 : memref<1x128xi32, #tpu.memory_space<vmem>> -> memref<128xi32, #tpu.memory_space<vmem>>
      %dma_start3A_97 = arith.constant 0 : i32
      %dma_start3A_98 = arith.constant 0 : i32
      %dma_start3A_99 = tpu.memref_slice %arg14[%dma_start3A_97, %dma_start3A_98] : memref<10240x48xf32, #tpu.memory_space<vmem_shared>> -> memref<10240x48xf32, #tpu.memory_space<vmem_shared>>
      tpu.enqueue_indirect_dma source(%arg8 : memref<128x48xf32, #tpu.memory_space<vmem>>) target(%dma_start3A_99 : memref<10240x48xf32, #tpu.memory_space<vmem_shared>>) offsets(%dma_start3A_96 : memref<128xi32, #tpu.memory_space<vmem>>) semaphore(%arg19 : memref<!tpu.dma_semaphore, #tpu.memory_space<semaphore_mem>>) {add = true}
      %dma_wait3A_100 = arith.constant 0 : i32
      %dma_wait3A_101 = arith.constant 0 : i32
      %dma_wait3A_102 = tpu.memref_slice %arg7[%dma_wait3A_100, %dma_wait3A_101] : memref<80x128xi32, #tpu.memory_space<vmem>> -> memref<1x128xi32, #tpu.memory_space<vmem>>
      %dma_wait3A_103 = tpu.memref_squeeze %dma_wait3A_102 : memref<1x128xi32, #tpu.memory_space<vmem>> -> memref<128xi32, #tpu.memory_space<vmem>>
      %dma_wait3A_104 = arith.constant 0 : i32
      %dma_wait3A_105 = arith.constant 0 : i32
      %dma_wait3A_106 = tpu.memref_slice %arg14[%dma_wait3A_104, %dma_wait3A_105] : memref<10240x48xf32, #tpu.memory_space<vmem_shared>> -> memref<10240x48xf32, #tpu.memory_space<vmem_shared>>
      tpu.wait_indirect_dma semaphore(%arg22 : memref<!tpu.dma_semaphore, #tpu.memory_space<semaphore_mem>>) src(%arg12 : memref<128x48xf32, #tpu.memory_space<vmem>>) dst(%dma_wait3A_106 : memref<10240x48xf32, #tpu.memory_space<vmem_shared>>)
      %add3A_107 = arith.constant 4 : i32
      %add3A_108 = arith.addi %add3A_86, %add3A_107 : i32
      %sub3A = arith.constant 1 : i32
      %sub3A_109 = arith.subi %add3A_108, %sub3A : i32
      %rem3A = arith.constant 80 : i32
      %rem3A_110 = arith.remsi %sub3A_109, %rem3A : i32
      %dma_start3A_111 = arith.constant 0 : i32
      %dma_start3A_112 = tpu.memref_slice %arg6[%rem3A_110, %dma_start3A_111] : memref<80x128xi32, #tpu.memory_space<vmem>> -> memref<1x128xi32, #tpu.memory_space<vmem>>
      %dma_start3A_113 = tpu.memref_squeeze %dma_start3A_112 : memref<1x128xi32, #tpu.memory_space<vmem>> -> memref<128xi32, #tpu.memory_space<vmem>>
      %dma_start3A_114 = arith.constant 0 : i32
      %dma_start3A_115 = arith.constant 0 : i32
      %dma_start3A_116 = tpu.memref_slice %arg13[%dma_start3A_114, %dma_start3A_115] : memref<10240x48xf32, #tpu.memory_space<vmem_shared>> -> memref<10240x48xf32, #tpu.memory_space<vmem_shared>>
      tpu.enqueue_indirect_dma source(%dma_start3A_116 : memref<10240x48xf32, #tpu.memory_space<vmem_shared>>) target(%arg11 : memref<128x48xf32, #tpu.memory_space<vmem>>) offsets(%dma_start3A_113 : memref<128xi32, #tpu.memory_space<vmem>>) semaphore(%arg18 : memref<!tpu.dma_semaphore, #tpu.memory_space<semaphore_mem>>)
      %mul3A_117 = arith.constant 4 : i32
      %mul3A_118 = arith.muli %mul3A_117, %add3A_82 : i32
      %add3A_119 = arith.constant 1 : i32
      %add3A_120 = arith.addi %mul3A_118, %add3A_119 : i32
      %dma_wait3A_121 = arith.constant 0 : i32
      %dma_wait3A_122 = arith.constant 0 : i32
      %dma_wait3A_123 = tpu.memref_slice %arg6[%dma_wait3A_121, %dma_wait3A_122] : memref<80x128xi32, #tpu.memory_space<vmem>> -> memref<1x128xi32, #tpu.memory_space<vmem>>
      %dma_wait3A_124 = tpu.memref_squeeze %dma_wait3A_123 : memref<1x128xi32, #tpu.memory_space<vmem>> -> memref<128xi32, #tpu.memory_space<vmem>>
      %dma_wait3A_125 = arith.constant 0 : i32
      %dma_wait3A_126 = arith.constant 0 : i32
      %dma_wait3A_127 = tpu.memref_slice %arg13[%dma_wait3A_125, %dma_wait3A_126] : memref<10240x48xf32, #tpu.memory_space<vmem_shared>> -> memref<10240x48xf32, #tpu.memory_space<vmem_shared>>
      tpu.wait_indirect_dma semaphore(%arg16 : memref<!tpu.dma_semaphore, #tpu.memory_space<semaphore_mem>>) src(%dma_wait3A_127 : memref<10240x48xf32, #tpu.memory_space<vmem_shared>>) dst(%arg9 : memref<128x48xf32, #tpu.memory_space<vmem>>)
      %dma_start3A_128 = arith.constant 0 : i32
      %dma_start3A_129 = tpu.memref_slice %arg7[%add3A_120, %dma_start3A_128] : memref<80x128xi32, #tpu.memory_space<vmem>> -> memref<1x128xi32, #tpu.memory_space<vmem>>
      %dma_start3A_130 = tpu.memref_squeeze %dma_start3A_129 : memref<1x128xi32, #tpu.memory_space<vmem>> -> memref<128xi32, #tpu.memory_space<vmem>>
      %dma_start3A_131 = arith.constant 0 : i32
      %dma_start3A_132 = arith.constant 0 : i32
      %dma_start3A_133 = tpu.memref_slice %arg14[%dma_start3A_131, %dma_start3A_132] : memref<10240x48xf32, #tpu.memory_space<vmem_shared>> -> memref<10240x48xf32, #tpu.memory_space<vmem_shared>>
      tpu.enqueue_indirect_dma source(%arg9 : memref<128x48xf32, #tpu.memory_space<vmem>>) target(%dma_start3A_133 : memref<10240x48xf32, #tpu.memory_space<vmem_shared>>) offsets(%dma_start3A_130 : memref<128xi32, #tpu.memory_space<vmem>>) semaphore(%arg20 : memref<!tpu.dma_semaphore, #tpu.memory_space<semaphore_mem>>) {add = true}
      %dma_wait3A_134 = arith.constant 0 : i32
      %dma_wait3A_135 = arith.constant 0 : i32
      %dma_wait3A_136 = tpu.memref_slice %arg7[%dma_wait3A_134, %dma_wait3A_135] : memref<80x128xi32, #tpu.memory_space<vmem>> -> memref<1x128xi32, #tpu.memory_space<vmem>>
      %dma_wait3A_137 = tpu.memref_squeeze %dma_wait3A_136 : memref<1x128xi32, #tpu.memory_space<vmem>> -> memref<128xi32, #tpu.memory_space<vmem>>
      %dma_wait3A_138 = arith.constant 0 : i32
      %dma_wait3A_139 = arith.constant 0 : i32
      %dma_wait3A_140 = tpu.memref_slice %arg14[%dma_wait3A_138, %dma_wait3A_139] : memref<10240x48xf32, #tpu.memory_space<vmem_shared>> -> memref<10240x48xf32, #tpu.memory_space<vmem_shared>>
      tpu.wait_indirect_dma semaphore(%arg19 : memref<!tpu.dma_semaphore, #tpu.memory_space<semaphore_mem>>) src(%arg12 : memref<128x48xf32, #tpu.memory_space<vmem>>) dst(%dma_wait3A_140 : memref<10240x48xf32, #tpu.memory_space<vmem_shared>>)
      %add3A_141 = arith.constant 4 : i32
      %add3A_142 = arith.addi %add3A_120, %add3A_141 : i32
      %sub3A_143 = arith.constant 1 : i32
      %sub3A_144 = arith.subi %add3A_142, %sub3A_143 : i32
      %rem3A_145 = arith.constant 80 : i32
      %rem3A_146 = arith.remsi %sub3A_144, %rem3A_145 : i32
      %dma_start3A_147 = arith.constant 0 : i32
      %dma_start3A_148 = tpu.memref_slice %arg6[%rem3A_146, %dma_start3A_147] : memref<80x128xi32, #tpu.memory_space<vmem>> -> memref<1x128xi32, #tpu.memory_space<vmem>>
      %dma_start3A_149 = tpu.memref_squeeze %dma_start3A_148 : memref<1x128xi32, #tpu.memory_space<vmem>> -> memref<128xi32, #tpu.memory_space<vmem>>
      %dma_start3A_150 = arith.constant 0 : i32
      %dma_start3A_151 = arith.constant 0 : i32
      %dma_start3A_152 = tpu.memref_slice %arg13[%dma_start3A_150, %dma_start3A_151] : memref<10240x48xf32, #tpu.memory_space<vmem_shared>> -> memref<10240x48xf32, #tpu.memory_space<vmem_shared>>
      tpu.enqueue_indirect_dma source(%dma_start3A_152 : memref<10240x48xf32, #tpu.memory_space<vmem_shared>>) target(%arg8 : memref<128x48xf32, #tpu.memory_space<vmem>>) offsets(%dma_start3A_149 : memref<128xi32, #tpu.memory_space<vmem>>) semaphore(%arg15 : memref<!tpu.dma_semaphore, #tpu.memory_space<semaphore_mem>>)
      %mul3A_153 = arith.constant 4 : i32
      %mul3A_154 = arith.muli %mul3A_153, %add3A_82 : i32
      %add3A_155 = arith.constant 2 : i32
      %add3A_156 = arith.addi %mul3A_154, %add3A_155 : i32
      %dma_wait3A_157 = arith.constant 0 : i32
      %dma_wait3A_158 = arith.constant 0 : i32
      %dma_wait3A_159 = tpu.memref_slice %arg6[%dma_wait3A_157, %dma_wait3A_158] : memref<80x128xi32, #tpu.memory_space<vmem>> -> memref<1x128xi32, #tpu.memory_space<vmem>>
      %dma_wait3A_160 = tpu.memref_squeeze %dma_wait3A_159 : memref<1x128xi32, #tpu.memory_space<vmem>> -> memref<128xi32, #tpu.memory_space<vmem>>
      %dma_wait3A_161 = arith.constant 0 : i32
      %dma_wait3A_162 = arith.constant 0 : i32
      %dma_wait3A_163 = tpu.memref_slice %arg13[%dma_wait3A_161, %dma_wait3A_162] : memref<10240x48xf32, #tpu.memory_space<vmem_shared>> -> memref<10240x48xf32, #tpu.memory_space<vmem_shared>>
      tpu.wait_indirect_dma semaphore(%arg17 : memref<!tpu.dma_semaphore, #tpu.memory_space<semaphore_mem>>) src(%dma_wait3A_163 : memref<10240x48xf32, #tpu.memory_space<vmem_shared>>) dst(%arg10 : memref<128x48xf32, #tpu.memory_space<vmem>>)
      %dma_start3A_164 = arith.constant 0 : i32
      %dma_start3A_165 = tpu.memref_slice %arg7[%add3A_156, %dma_start3A_164] : memref<80x128xi32, #tpu.memory_space<vmem>> -> memref<1x128xi32, #tpu.memory_space<vmem>>
      %dma_start3A_166 = tpu.memref_squeeze %dma_start3A_165 : memref<1x128xi32, #tpu.memory_space<vmem>> -> memref<128xi32, #tpu.memory_space<vmem>>
      %dma_start3A_167 = arith.constant 0 : i32
      %dma_start3A_168 = arith.constant 0 : i32
      %dma_start3A_169 = tpu.memref_slice %arg14[%dma_start3A_167, %dma_start3A_168] : memref<10240x48xf32, #tpu.memory_space<vmem_shared>> -> memref<10240x48xf32, #tpu.memory_space<vmem_shared>>
      tpu.enqueue_indirect_dma source(%arg10 : memref<128x48xf32, #tpu.memory_space<vmem>>) target(%dma_start3A_169 : memref<10240x48xf32, #tpu.memory_space<vmem_shared>>) offsets(%dma_start3A_166 : memref<128xi32, #tpu.memory_space<vmem>>) semaphore(%arg21 : memref<!tpu.dma_semaphore, #tpu.memory_space<semaphore_mem>>) {add = true}
      %dma_wait3A_170 = arith.constant 0 : i32
      %dma_wait3A_171 = arith.constant 0 : i32
      %dma_wait3A_172 = tpu.memref_slice %arg7[%dma_wait3A_170, %dma_wait3A_171] : memref<80x128xi32, #tpu.memory_space<vmem>> -> memref<1x128xi32, #tpu.memory_space<vmem>>
      %dma_wait3A_173 = tpu.memref_squeeze %dma_wait3A_172 : memref<1x128xi32, #tpu.memory_space<vmem>> -> memref<128xi32, #tpu.memory_space<vmem>>
      %dma_wait3A_174 = arith.constant 0 : i32
      %dma_wait3A_175 = arith.constant 0 : i32
      %dma_wait3A_176 = tpu.memref_slice %arg14[%dma_wait3A_174, %dma_wait3A_175] : memref<10240x48xf32, #tpu.memory_space<vmem_shared>> -> memref<10240x48xf32, #tpu.memory_space<vmem_shared>>
      tpu.wait_indirect_dma semaphore(%arg20 : memref<!tpu.dma_semaphore, #tpu.memory_space<semaphore_mem>>) src(%arg12 : memref<128x48xf32, #tpu.memory_space<vmem>>) dst(%dma_wait3A_176 : memref<10240x48xf32, #tpu.memory_space<vmem_shared>>)
      %add3A_177 = arith.constant 4 : i32
      %add3A_178 = arith.addi %add3A_156, %add3A_177 : i32
      %sub3A_179 = arith.constant 1 : i32
      %sub3A_180 = arith.subi %add3A_178, %sub3A_179 : i32
      %rem3A_181 = arith.constant 80 : i32
      %rem3A_182 = arith.remsi %sub3A_180, %rem3A_181 : i32
      %dma_start3A_183 = arith.constant 0 : i32
      %dma_start3A_184 = tpu.memref_slice %arg6[%rem3A_182, %dma_start3A_183] : memref<80x128xi32, #tpu.memory_space<vmem>> -> memref<1x128xi32, #tpu.memory_space<vmem>>
      %dma_start3A_185 = tpu.memref_squeeze %dma_start3A_184 : memref<1x128xi32, #tpu.memory_space<vmem>> -> memref<128xi32, #tpu.memory_space<vmem>>
      %dma_start3A_186 = arith.constant 0 : i32
      %dma_start3A_187 = arith.constant 0 : i32
      %dma_start3A_188 = tpu.memref_slice %arg13[%dma_start3A_186, %dma_start3A_187] : memref<10240x48xf32, #tpu.memory_space<vmem_shared>> -> memref<10240x48xf32, #tpu.memory_space<vmem_shared>>
      tpu.enqueue_indirect_dma source(%dma_start3A_188 : memref<10240x48xf32, #tpu.memory_space<vmem_shared>>) target(%arg9 : memref<128x48xf32, #tpu.memory_space<vmem>>) offsets(%dma_start3A_185 : memref<128xi32, #tpu.memory_space<vmem>>) semaphore(%arg16 : memref<!tpu.dma_semaphore, #tpu.memory_space<semaphore_mem>>)
      %mul3A_189 = arith.constant 4 : i32
      %mul3A_190 = arith.muli %mul3A_189, %add3A_82 : i32
      %add3A_191 = arith.constant 3 : i32
      %add3A_192 = arith.addi %mul3A_190, %add3A_191 : i32
      %dma_wait3A_193 = arith.constant 0 : i32
      %dma_wait3A_194 = arith.constant 0 : i32
      %dma_wait3A_195 = tpu.memref_slice %arg6[%dma_wait3A_193, %dma_wait3A_194] : memref<80x128xi32, #tpu.memory_space<vmem>> -> memref<1x128xi32, #tpu.memory_space<vmem>>
      %dma_wait3A_196 = tpu.memref_squeeze %dma_wait3A_195 : memref<1x128xi32, #tpu.memory_space<vmem>> -> memref<128xi32, #tpu.memory_space<vmem>>
      %dma_wait3A_197 = arith.constant 0 : i32
      %dma_wait3A_198 = arith.constant 0 : i32
      %dma_wait3A_199 = tpu.memref_slice %arg13[%dma_wait3A_197, %dma_wait3A_198] : memref<10240x48xf32, #tpu.memory_space<vmem_shared>> -> memref<10240x48xf32, #tpu.memory_space<vmem_shared>>
      tpu.wait_indirect_dma semaphore(%arg18 : memref<!tpu.dma_semaphore, #tpu.memory_space<semaphore_mem>>) src(%dma_wait3A_199 : memref<10240x48xf32, #tpu.memory_space<vmem_shared>>) dst(%arg11 : memref<128x48xf32, #tpu.memory_space<vmem>>)
      %dma_start3A_200 = arith.constant 0 : i32
      %dma_start3A_201 = tpu.memref_slice %arg7[%add3A_192, %dma_start3A_200] : memref<80x128xi32, #tpu.memory_space<vmem>> -> memref<1x128xi32, #tpu.memory_space<vmem>>
      %dma_start3A_202 = tpu.memref_squeeze %dma_start3A_201 : memref<1x128xi32, #tpu.memory_space<vmem>> -> memref<128xi32, #tpu.memory_space<vmem>>
      %dma_start3A_203 = arith.constant 0 : i32
      %dma_start3A_204 = arith.constant 0 : i32
      %dma_start3A_205 = tpu.memref_slice %arg14[%dma_start3A_203, %dma_start3A_204] : memref<10240x48xf32, #tpu.memory_space<vmem_shared>> -> memref<10240x48xf32, #tpu.memory_space<vmem_shared>>
      tpu.enqueue_indirect_dma source(%arg11 : memref<128x48xf32, #tpu.memory_space<vmem>>) target(%dma_start3A_205 : memref<10240x48xf32, #tpu.memory_space<vmem_shared>>) offsets(%dma_start3A_202 : memref<128xi32, #tpu.memory_space<vmem>>) semaphore(%arg22 : memref<!tpu.dma_semaphore, #tpu.memory_space<semaphore_mem>>) {add = true}
      %dma_wait3A_206 = arith.constant 0 : i32
      %dma_wait3A_207 = arith.constant 0 : i32
      %dma_wait3A_208 = tpu.memref_slice %arg7[%dma_wait3A_206, %dma_wait3A_207] : memref<80x128xi32, #tpu.memory_space<vmem>> -> memref<1x128xi32, #tpu.memory_space<vmem>>
      %dma_wait3A_209 = tpu.memref_squeeze %dma_wait3A_208 : memref<1x128xi32, #tpu.memory_space<vmem>> -> memref<128xi32, #tpu.memory_space<vmem>>
      %dma_wait3A_210 = arith.constant 0 : i32
      %dma_wait3A_211 = arith.constant 0 : i32
      %dma_wait3A_212 = tpu.memref_slice %arg14[%dma_wait3A_210, %dma_wait3A_211] : memref<10240x48xf32, #tpu.memory_space<vmem_shared>> -> memref<10240x48xf32, #tpu.memory_space<vmem_shared>>
      tpu.wait_indirect_dma semaphore(%arg21 : memref<!tpu.dma_semaphore, #tpu.memory_space<semaphore_mem>>) src(%arg12 : memref<128x48xf32, #tpu.memory_space<vmem>>) dst(%dma_wait3A_212 : memref<10240x48xf32, #tpu.memory_space<vmem_shared>>)
      %add3A_213 = arith.constant 4 : i32
      %add3A_214 = arith.addi %add3A_192, %add3A_213 : i32
      %sub3A_215 = arith.constant 1 : i32
      %sub3A_216 = arith.subi %add3A_214, %sub3A_215 : i32
      %rem3A_217 = arith.constant 80 : i32
      %rem3A_218 = arith.remsi %sub3A_216, %rem3A_217 : i32
      %dma_start3A_219 = arith.constant 0 : i32
      %dma_start3A_220 = tpu.memref_slice %arg6[%rem3A_218, %dma_start3A_219] : memref<80x128xi32, #tpu.memory_space<vmem>> -> memref<1x128xi32, #tpu.memory_space<vmem>>
      %dma_start3A_221 = tpu.memref_squeeze %dma_start3A_220 : memref<1x128xi32, #tpu.memory_space<vmem>> -> memref<128xi32, #tpu.memory_space<vmem>>
      %dma_start3A_222 = arith.constant 0 : i32
      %dma_start3A_223 = arith.constant 0 : i32
      %dma_start3A_224 = tpu.memref_slice %arg13[%dma_start3A_222, %dma_start3A_223] : memref<10240x48xf32, #tpu.memory_space<vmem_shared>> -> memref<10240x48xf32, #tpu.memory_space<vmem_shared>>
      tpu.enqueue_indirect_dma source(%dma_start3A_224 : memref<10240x48xf32, #tpu.memory_space<vmem_shared>>) target(%arg10 : memref<128x48xf32, #tpu.memory_space<vmem>>) offsets(%dma_start3A_221 : memref<128xi32, #tpu.memory_space<vmem>>) semaphore(%arg17 : memref<!tpu.dma_semaphore, #tpu.memory_space<semaphore_mem>>)
    }
    %scan3A_45 = arith.constant 20 : i32
    %dma_wait3A = arith.constant 0 : i32
    %dma_wait3A_46 = arith.constant 0 : i32
    %dma_wait3A_47 = tpu.memref_slice %arg6[%dma_wait3A, %dma_wait3A_46] : memref<80x128xi32, #tpu.memory_space<vmem>> -> memref<1x128xi32, #tpu.memory_space<vmem>>
    %dma_wait3A_48 = tpu.memref_squeeze %dma_wait3A_47 : memref<1x128xi32, #tpu.memory_space<vmem>> -> memref<128xi32, #tpu.memory_space<vmem>>
    %dma_wait3A_49 = arith.constant 0 : i32
    %dma_wait3A_50 = arith.constant 0 : i32
    %dma_wait3A_51 = tpu.memref_slice %arg13[%dma_wait3A_49, %dma_wait3A_50] : memref<10240x48xf32, #tpu.memory_space<vmem_shared>> -> memref<10240x48xf32, #tpu.memory_space<vmem_shared>>
    tpu.wait_indirect_dma semaphore(%arg15 : memref<!tpu.dma_semaphore, #tpu.memory_space<semaphore_mem>>) src(%dma_wait3A_51 : memref<10240x48xf32, #tpu.memory_space<vmem_shared>>) dst(%arg8 : memref<128x48xf32, #tpu.memory_space<vmem>>)
    %dma_wait3A_52 = arith.constant 0 : i32
    %dma_wait3A_53 = arith.constant 0 : i32
    %dma_wait3A_54 = tpu.memref_slice %arg6[%dma_wait3A_52, %dma_wait3A_53] : memref<80x128xi32, #tpu.memory_space<vmem>> -> memref<1x128xi32, #tpu.memory_space<vmem>>
    %dma_wait3A_55 = tpu.memref_squeeze %dma_wait3A_54 : memref<1x128xi32, #tpu.memory_space<vmem>> -> memref<128xi32, #tpu.memory_space<vmem>>
    %dma_wait3A_56 = arith.constant 0 : i32
    %dma_wait3A_57 = arith.constant 0 : i32
    %dma_wait3A_58 = tpu.memref_slice %arg13[%dma_wait3A_56, %dma_wait3A_57] : memref<10240x48xf32, #tpu.memory_space<vmem_shared>> -> memref<10240x48xf32, #tpu.memory_space<vmem_shared>>
    tpu.wait_indirect_dma semaphore(%arg16 : memref<!tpu.dma_semaphore, #tpu.memory_space<semaphore_mem>>) src(%dma_wait3A_58 : memref<10240x48xf32, #tpu.memory_space<vmem_shared>>) dst(%arg9 : memref<128x48xf32, #tpu.memory_space<vmem>>)
    %dma_wait3A_59 = arith.constant 0 : i32
    %dma_wait3A_60 = arith.constant 0 : i32
    %dma_wait3A_61 = tpu.memref_slice %arg6[%dma_wait3A_59, %dma_wait3A_60] : memref<80x128xi32, #tpu.memory_space<vmem>> -> memref<1x128xi32, #tpu.memory_space<vmem>>
    %dma_wait3A_62 = tpu.memref_squeeze %dma_wait3A_61 : memref<1x128xi32, #tpu.memory_space<vmem>> -> memref<128xi32, #tpu.memory_space<vmem>>
    %dma_wait3A_63 = arith.constant 0 : i32
    %dma_wait3A_64 = arith.constant 0 : i32
    %dma_wait3A_65 = tpu.memref_slice %arg13[%dma_wait3A_63, %dma_wait3A_64] : memref<10240x48xf32, #tpu.memory_space<vmem_shared>> -> memref<10240x48xf32, #tpu.memory_space<vmem_shared>>
    tpu.wait_indirect_dma semaphore(%arg17 : memref<!tpu.dma_semaphore, #tpu.memory_space<semaphore_mem>>) src(%dma_wait3A_65 : memref<10240x48xf32, #tpu.memory_space<vmem_shared>>) dst(%arg10 : memref<128x48xf32, #tpu.memory_space<vmem>>)
    %dma_wait3A_66 = arith.constant 0 : i32
    %dma_wait3A_67 = arith.constant 0 : i32
    %dma_wait3A_68 = tpu.memref_slice %arg7[%dma_wait3A_66, %dma_wait3A_67] : memref<80x128xi32, #tpu.memory_space<vmem>> -> memref<1x128xi32, #tpu.memory_space<vmem>>
    %dma_wait3A_69 = tpu.memref_squeeze %dma_wait3A_68 : memref<1x128xi32, #tpu.memory_space<vmem>> -> memref<128xi32, #tpu.memory_space<vmem>>
    %dma_wait3A_70 = arith.constant 0 : i32
    %dma_wait3A_71 = arith.constant 0 : i32
    %dma_wait3A_72 = tpu.memref_slice %arg14[%dma_wait3A_70, %dma_wait3A_71] : memref<10240x48xf32, #tpu.memory_space<vmem_shared>> -> memref<10240x48xf32, #tpu.memory_space<vmem_shared>>
    tpu.wait_indirect_dma semaphore(%arg22 : memref<!tpu.dma_semaphore, #tpu.memory_space<semaphore_mem>>) src(%arg12 : memref<128x48xf32, #tpu.memory_space<vmem>>) dst(%dma_wait3A_72 : memref<10240x48xf32, #tpu.memory_space<vmem_shared>>)
    %barrier3A_73 = arith.constant 0 : index
    tpu.barrier barrier_id(%barrier3A_73)
    %mul3A_74 = arith.constant 640 : i32
    %mul3A_75 = arith.muli %arg1, %mul3A_74 : i32
    %mul3A_76 = arith.constant 640 : i32
    %mul3A_77 = arith.muli %arg1, %mul3A_76 : i32
    "tpu.region"() ({
      %run_scoped3A = tpu.sem_alloc : memref<!tpu.dma_semaphore, #tpu.memory_space<semaphore_mem>>
      %dma_start3A_78 = arith.constant 0 : i32
      %dma_start3A_79 = arith.constant 0 : i32
      %dma_start3A_80 = tpu.memref_slice %arg5[%arg0, %dma_start3A_78, %dma_start3A_79] : memref<2x10240x48xf32, #tpu.memory_space<hbm>> -> memref<1x10240x48xf32, #tpu.memory_space<hbm>>
      %dma_start3A_81 = tpu.memref_squeeze %dma_start3A_80 : memref<1x10240x48xf32, #tpu.memory_space<hbm>> -> memref<10240x48xf32, #tpu.memory_space<hbm>>
      %dma_start3A_82 = arith.constant 0 : i32
      %dma_start3A_83 = tpu.memref_slice %dma_start3A_81[%mul3A_77, %dma_start3A_82] : memref<10240x48xf32, #tpu.memory_space<hbm>> -> memref<640x48xf32, #tpu.memory_space<hbm>>
      %dma_start3A_84 = arith.constant 0 : i32
      %dma_start3A_85 = tpu.memref_slice %arg14[%mul3A_75, %dma_start3A_84] : memref<10240x48xf32, #tpu.memory_space<vmem_shared>> -> memref<640x48xf32, #tpu.memory_space<vmem_shared>>
      tpu.enqueue_dma source(%dma_start3A_85 : memref<640x48xf32, #tpu.memory_space<vmem_shared>>) target(%dma_start3A_83 : memref<640x48xf32, #tpu.memory_space<hbm>>) target_semaphore(%run_scoped3A : memref<!tpu.dma_semaphore, #tpu.memory_space<semaphore_mem>>)
      %dma_wait3A_86 = arith.constant 0 : i32
      %dma_wait3A_87 = arith.constant 0 : i32
      %dma_wait3A_88 = tpu.memref_slice %arg5[%arg0, %dma_wait3A_86, %dma_wait3A_87] : memref<2x10240x48xf32, #tpu.memory_space<hbm>> -> memref<1x10240x48xf32, #tpu.memory_space<hbm>>
      %dma_wait3A_89 = tpu.memref_squeeze %dma_wait3A_88 : memref<1x10240x48xf32, #tpu.memory_space<hbm>> -> memref<10240x48xf32, #tpu.memory_space<hbm>>
      %dma_wait3A_90 = arith.constant 0 : i32
      %dma_wait3A_91 = tpu.memref_slice %dma_wait3A_89[%mul3A_77, %dma_wait3A_90] : memref<10240x48xf32, #tpu.memory_space<hbm>> -> memref<640x48xf32, #tpu.memory_space<hbm>>
      %dma_wait3A_92 = arith.constant 0 : i32
      %dma_wait3A_93 = tpu.memref_slice %arg14[%mul3A_75, %dma_wait3A_92] : memref<10240x48xf32, #tpu.memory_space<vmem_shared>> -> memref<640x48xf32, #tpu.memory_space<vmem_shared>>
      tpu.wait_dma2 semaphore(%run_scoped3A : memref<!tpu.dma_semaphore, #tpu.memory_space<semaphore_mem>>) src(%dma_wait3A_93 : memref<640x48xf32, #tpu.memory_space<vmem_shared>>) dst(%dma_wait3A_91 : memref<640x48xf32, #tpu.memory_space<hbm>>)
      tpu.yield
    }) : () -> ()
    return
  }
}

#map = affine_map<(d0, d1) -> (0, 0)>
#map1 = affine_map<(d0, d1) -> (0, 0, 0)>
module attributes {stable_mosaic.version = 14 : i64} {
  func.func @hop_kernel(%arg0: i32, %arg1: i32, %arg2: memref<10240x48xf32, #tpu.memory_space<hbm>>, %arg3: memref<32x80x128xi32, #tpu.memory_space<hbm>>, %arg4: memref<32x80x128xi32, #tpu.memory_space<hbm>>, %arg5: memref<2x10240x48xf32, #tpu.memory_space<hbm>>, %arg6: memref<80x128xi32, #tpu.memory_space<vmem>>, %arg7: memref<80x128xi32, #tpu.memory_space<vmem>>, %arg8: memref<128x48xf32, #tpu.memory_space<vmem>>, %arg9: memref<128x48xf32, #tpu.memory_space<vmem>>, %arg10: memref<128x48xf32, #tpu.memory_space<vmem>>, %arg11: memref<128x48xf32, #tpu.memory_space<vmem>>, %arg12: memref<128x48xf32, #tpu.memory_space<vmem>>, %arg13: memref<10240x48xf32, #tpu.memory_space<vmem_shared>>, %arg14: memref<10240x48xf32, #tpu.memory_space<vmem_shared>>, %arg15: memref<!tpu.dma_semaphore, #tpu.memory_space<semaphore_mem>>, %arg16: memref<!tpu.dma_semaphore, #tpu.memory_space<semaphore_mem>>, %arg17: memref<!tpu.dma_semaphore, #tpu.memory_space<semaphore_mem>>, %arg18: memref<!tpu.dma_semaphore, #tpu.memory_space<semaphore_mem>>, %arg19: memref<!tpu.dma_semaphore, #tpu.memory_space<semaphore_mem>>, %arg20: memref<!tpu.dma_semaphore, #tpu.memory_space<semaphore_mem>>, %arg21: memref<!tpu.dma_semaphore, #tpu.memory_space<semaphore_mem>>, %arg22: memref<!tpu.dma_semaphore, #tpu.memory_space<semaphore_mem>>) attributes {dimension_semantics = [#tpu.dimension_semantics<core_parallel>, #tpu.dimension_semantics<subcore_parallel>], iteration_bounds = array<i64: 2, 16>, scalar_prefetch = 0 : i64, scratch_operands = 17 : i64, tpu.core_type = #tpu.core_type<sc_vector_subcore>, window_params = [{transform_indices = #map}, {transform_indices = #map1}, {transform_indices = #map1}, {transform_indices = #map1}]} {
    %mul3A = arith.constant 16 : i32
    %mul3A_0 = arith.muli %arg0, %mul3A : i32
    %add3A = arith.addi %mul3A_0, %arg1 : i32
    %mul3A_1 = arith.constant 640 : i32
    %mul3A_2 = arith.muli %arg1, %mul3A_1 : i32
    %mul3A_3 = arith.constant 640 : i32
    %mul3A_4 = arith.muli %arg1, %mul3A_3 : i32
    "tpu.region"() ({
      %run_scoped3A = tpu.sem_alloc : memref<!tpu.dma_semaphore, #tpu.memory_space<semaphore_mem>>
      %dma_start3A_78 = arith.constant 0 : i32
      %dma_start3A_79 = tpu.memref_slice %arg13[%mul3A_4, %dma_start3A_78] : memref<10240x48xf32, #tpu.memory_space<vmem_shared>> -> memref<640x48xf32, #tpu.memory_space<vmem_shared>>
      %dma_start3A_80 = arith.constant 0 : i32
      %dma_start3A_81 = tpu.memref_slice %arg2[%mul3A_2, %dma_start3A_80] : memref<10240x48xf32, #tpu.memory_space<hbm>> -> memref<640x48xf32, #tpu.memory_space<hbm>>
      tpu.enqueue_dma source(%dma_start3A_81 : memref<640x48xf32, #tpu.memory_space<hbm>>) target(%dma_start3A_79 : memref<640x48xf32, #tpu.memory_space<vmem_shared>>) target_semaphore(%run_scoped3A : memref<!tpu.dma_semaphore, #tpu.memory_space<semaphore_mem>>)
      %dma_wait3A_82 = arith.constant 0 : i32
      %dma_wait3A_83 = tpu.memref_slice %arg13[%mul3A_4, %dma_wait3A_82] : memref<10240x48xf32, #tpu.memory_space<vmem_shared>> -> memref<640x48xf32, #tpu.memory_space<vmem_shared>>
      %dma_wait3A_84 = arith.constant 0 : i32
      %dma_wait3A_85 = tpu.memref_slice %arg2[%mul3A_2, %dma_wait3A_84] : memref<10240x48xf32, #tpu.memory_space<hbm>> -> memref<640x48xf32, #tpu.memory_space<hbm>>
      tpu.wait_dma2 semaphore(%run_scoped3A : memref<!tpu.dma_semaphore, #tpu.memory_space<semaphore_mem>>) src(%dma_wait3A_85 : memref<640x48xf32, #tpu.memory_space<hbm>>) dst(%dma_wait3A_83 : memref<640x48xf32, #tpu.memory_space<vmem_shared>>)
      tpu.yield
    }) : () -> ()
    %scan3A = arith.constant 0 : i32
    %scan3A_5 = arith.constant 128 : i32
    %scan3A_6 = arith.addi %scan3A, %scan3A_5 : i32
    %scan3A_7 = arith.constant 1 : i32
    scf.for %scan3A_78 = %scan3A to %scan3A_6 step %scan3A_7  : i32 {
      %mul3A_79 = arith.constant 1 : i32
      %mul3A_80 = arith.muli %scan3A_78, %mul3A_79 : i32
      %add3A_81 = arith.constant 0 : i32
      %add3A_82 = arith.addi %add3A_81, %mul3A_80 : i32
      %broadcast_in_dim3A = arith.constant 0.000000e+00 : f32
      %broadcast_in_dim3A_83 = vector.broadcast %broadcast_in_dim3A : f32 to vector<16xf32>
      %swap3A = arith.constant 0 : i32
      %swap3A_84 = tpu.memref_slice %arg12[%add3A_82, %swap3A] : memref<128x48xf32, #tpu.memory_space<vmem>> -> memref<1x48xf32, #tpu.memory_space<vmem>>
      %swap3A_85 = tpu.memref_squeeze %swap3A_84 : memref<1x48xf32, #tpu.memory_space<vmem>> -> memref<48xf32, #tpu.memory_space<vmem>>
      %swap3A_86 = arith.constant 0 : index
      %swap3A_87 = tpu.vector_load %swap3A_85[%swap3A_86] {strides = array<i32>} : memref<48xf32, #tpu.memory_space<vmem>>, vector<16xf32>,
      %swap3A_88 = vector.shape_cast %swap3A_87 : vector<16xf32> to vector<16xf32>
      %swap3A_89 = vector.shape_cast %broadcast_in_dim3A_83 : vector<16xf32> to vector<16xf32>
      tpu.vector_store %swap3A_85[%swap3A_86], %swap3A_89 {strides = array<i32>} : memref<48xf32, #tpu.memory_space<vmem>>, vector<16xf32>,
      %broadcast_in_dim3A_90 = arith.constant 0.000000e+00 : f32
      %broadcast_in_dim3A_91 = vector.broadcast %broadcast_in_dim3A_90 : f32 to vector<16xf32>
      %swap3A_92 = arith.constant 0 : i32
      %swap3A_93 = tpu.memref_slice %arg12[%add3A_82, %swap3A_92] : memref<128x48xf32, #tpu.memory_space<vmem>> -> memref<1x48xf32, #tpu.memory_space<vmem>>
      %swap3A_94 = tpu.memref_squeeze %swap3A_93 : memref<1x48xf32, #tpu.memory_space<vmem>> -> memref<48xf32, #tpu.memory_space<vmem>>
      %swap3A_95 = arith.constant 16 : index
      %swap3A_96 = tpu.vector_load %swap3A_94[%swap3A_95] {strides = array<i32>} : memref<48xf32, #tpu.memory_space<vmem>>, vector<16xf32>,
      %swap3A_97 = vector.shape_cast %swap3A_96 : vector<16xf32> to vector<16xf32>
      %swap3A_98 = vector.shape_cast %broadcast_in_dim3A_91 : vector<16xf32> to vector<16xf32>
      tpu.vector_store %swap3A_94[%swap3A_95], %swap3A_98 {strides = array<i32>} : memref<48xf32, #tpu.memory_space<vmem>>, vector<16xf32>,
      %broadcast_in_dim3A_99 = arith.constant 0.000000e+00 : f32
      %broadcast_in_dim3A_100 = vector.broadcast %broadcast_in_dim3A_99 : f32 to vector<16xf32>
      %swap3A_101 = arith.constant 0 : i32
      %swap3A_102 = tpu.memref_slice %arg12[%add3A_82, %swap3A_101] : memref<128x48xf32, #tpu.memory_space<vmem>> -> memref<1x48xf32, #tpu.memory_space<vmem>>
      %swap3A_103 = tpu.memref_squeeze %swap3A_102 : memref<1x48xf32, #tpu.memory_space<vmem>> -> memref<48xf32, #tpu.memory_space<vmem>>
      %swap3A_104 = arith.constant 32 : index
      %swap3A_105 = tpu.vector_load %swap3A_103[%swap3A_104] {strides = array<i32>} : memref<48xf32, #tpu.memory_space<vmem>>, vector<16xf32>,
      %swap3A_106 = vector.shape_cast %swap3A_105 : vector<16xf32> to vector<16xf32>
      %swap3A_107 = vector.shape_cast %broadcast_in_dim3A_100 : vector<16xf32> to vector<16xf32>
      tpu.vector_store %swap3A_103[%swap3A_104], %swap3A_107 {strides = array<i32>} : memref<48xf32, #tpu.memory_space<vmem>>, vector<16xf32>,
    }
    %scan3A_8 = arith.constant 128 : i32
    %scan3A_9 = arith.constant 0 : i32
    %scan3A_10 = arith.constant 5 : i32
    %scan3A_11 = arith.addi %scan3A_9, %scan3A_10 : i32
    %scan3A_12 = arith.constant 1 : i32
    scf.for %scan3A_78 = %scan3A_9 to %scan3A_11 step %scan3A_12  : i32 {
      %mul3A_79 = arith.constant 1 : i32
      %mul3A_80 = arith.muli %scan3A_78, %mul3A_79 : i32
      %add3A_81 = arith.constant 0 : i32
      %add3A_82 = arith.addi %add3A_81, %mul3A_80 : i32
      %mul3A_83 = arith.constant 640 : i32
      %mul3A_84 = arith.muli %arg1, %mul3A_83 : i32
      %mul3A_85 = arith.constant 128 : i32
      %mul3A_86 = arith.muli %add3A_82, %mul3A_85 : i32
      %add3A_87 = arith.addi %mul3A_84, %mul3A_86 : i32
      "tpu.region"() ({
        %run_scoped3A = tpu.sem_alloc : memref<!tpu.dma_semaphore, #tpu.memory_space<semaphore_mem>>
        %dma_start3A_88 = arith.constant 0 : i32
        %dma_start3A_89 = tpu.memref_slice %arg14[%add3A_87, %dma_start3A_88] : memref<10240x48xf32, #tpu.memory_space<vmem_shared>> -> memref<128x48xf32, #tpu.memory_space<vmem_shared>>
        %dma_start3A_90 = arith.constant 0 : i32
        %dma_start3A_91 = tpu.memref_slice %arg14[%add3A_87, %dma_start3A_90] : memref<10240x48xf32, #tpu.memory_space<vmem_shared>> -> memref<128x48xf32, #tpu.memory_space<vmem_shared>>
        tpu.enqueue_dma source(%arg12 : memref<128x48xf32, #tpu.memory_space<vmem>>) target(%dma_start3A_91 : memref<128x48xf32, #tpu.memory_space<vmem_shared>>) target_semaphore(%run_scoped3A : memref<!tpu.dma_semaphore, #tpu.memory_space<semaphore_mem>>)
        %dma_wait3A_92 = arith.constant 0 : i32
        %dma_wait3A_93 = tpu.memref_slice %arg14[%add3A_87, %dma_wait3A_92] : memref<10240x48xf32, #tpu.memory_space<vmem_shared>> -> memref<128x48xf32, #tpu.memory_space<vmem_shared>>
        %dma_wait3A_94 = arith.constant 0 : i32
        %dma_wait3A_95 = tpu.memref_slice %arg14[%add3A_87, %dma_wait3A_94] : memref<10240x48xf32, #tpu.memory_space<vmem_shared>> -> memref<128x48xf32, #tpu.memory_space<vmem_shared>>
        tpu.wait_dma2 semaphore(%run_scoped3A : memref<!tpu.dma_semaphore, #tpu.memory_space<semaphore_mem>>) src(%arg12 : memref<128x48xf32, #tpu.memory_space<vmem>>) dst(%dma_wait3A_95 : memref<128x48xf32, #tpu.memory_space<vmem_shared>>)
        tpu.yield
      }) : () -> ()
    }
    %scan3A_13 = arith.constant 5 : i32
    "tpu.region"() ({
      %run_scoped3A = tpu.sem_alloc : memref<!tpu.dma_semaphore, #tpu.memory_space<semaphore_mem>>
      %dma_start3A_78 = arith.constant 0 : i32
      %dma_start3A_79 = arith.constant 0 : i32
      %dma_start3A_80 = tpu.memref_slice %arg3[%add3A, %dma_start3A_78, %dma_start3A_79] : memref<32x80x128xi32, #tpu.memory_space<hbm>> -> memref<1x80x128xi32, #tpu.memory_space<hbm>>
      %dma_start3A_81 = tpu.memref_squeeze %dma_start3A_80 : memref<1x80x128xi32, #tpu.memory_space<hbm>> -> memref<80x128xi32, #tpu.memory_space<hbm>>
      %dma_start3A_82 = arith.constant 0 : i32
      %dma_start3A_83 = arith.constant 0 : i32
      %dma_start3A_84 = tpu.memref_slice %arg3[%add3A, %dma_start3A_82, %dma_start3A_83] : memref<32x80x128xi32, #tpu.memory_space<hbm>> -> memref<1x80x128xi32, #tpu.memory_space<hbm>>
      %dma_start3A_85 = tpu.memref_squeeze %dma_start3A_84 : memref<1x80x128xi32, #tpu.memory_space<hbm>> -> memref<80x128xi32, #tpu.memory_space<hbm>>
      tpu.enqueue_dma source(%dma_start3A_85 : memref<80x128xi32, #tpu.memory_space<hbm>>) target(%arg6 : memref<80x128xi32, #tpu.memory_space<vmem>>) target_semaphore(%run_scoped3A : memref<!tpu.dma_semaphore, #tpu.memory_space<semaphore_mem>>)
      %dma_wait3A_86 = arith.constant 0 : i32
      %dma_wait3A_87 = arith.constant 0 : i32
      %dma_wait3A_88 = tpu.memref_slice %arg3[%add3A, %dma_wait3A_86, %dma_wait3A_87] : memref<32x80x128xi32, #tpu.memory_space<hbm>> -> memref<1x80x128xi32, #tpu.memory_space<hbm>>
      %dma_wait3A_89 = tpu.memref_squeeze %dma_wait3A_88 : memref<1x80x128xi32, #tpu.memory_space<hbm>> -> memref<80x128xi32, #tpu.memory_space<hbm>>
      %dma_wait3A_90 = arith.constant 0 : i32
      %dma_wait3A_91 = arith.constant 0 : i32
      %dma_wait3A_92 = tpu.memref_slice %arg3[%add3A, %dma_wait3A_90, %dma_wait3A_91] : memref<32x80x128xi32, #tpu.memory_space<hbm>> -> memref<1x80x128xi32, #tpu.memory_space<hbm>>
      %dma_wait3A_93 = tpu.memref_squeeze %dma_wait3A_92 : memref<1x80x128xi32, #tpu.memory_space<hbm>> -> memref<80x128xi32, #tpu.memory_space<hbm>>
      tpu.wait_dma2 semaphore(%run_scoped3A : memref<!tpu.dma_semaphore, #tpu.memory_space<semaphore_mem>>) src(%dma_wait3A_93 : memref<80x128xi32, #tpu.memory_space<hbm>>) dst(%arg6 : memref<80x128xi32, #tpu.memory_space<vmem>>)
      tpu.yield
    }) : () -> ()
    "tpu.region"() ({
      %run_scoped3A = tpu.sem_alloc : memref<!tpu.dma_semaphore, #tpu.memory_space<semaphore_mem>>
      %dma_start3A_78 = arith.constant 0 : i32
      %dma_start3A_79 = arith.constant 0 : i32
      %dma_start3A_80 = tpu.memref_slice %arg4[%add3A, %dma_start3A_78, %dma_start3A_79] : memref<32x80x128xi32, #tpu.memory_space<hbm>> -> memref<1x80x128xi32, #tpu.memory_space<hbm>>
      %dma_start3A_81 = tpu.memref_squeeze %dma_start3A_80 : memref<1x80x128xi32, #tpu.memory_space<hbm>> -> memref<80x128xi32, #tpu.memory_space<hbm>>
      %dma_start3A_82 = arith.constant 0 : i32
      %dma_start3A_83 = arith.constant 0 : i32
      %dma_start3A_84 = tpu.memref_slice %arg4[%add3A, %dma_start3A_82, %dma_start3A_83] : memref<32x80x128xi32, #tpu.memory_space<hbm>> -> memref<1x80x128xi32, #tpu.memory_space<hbm>>
      %dma_start3A_85 = tpu.memref_squeeze %dma_start3A_84 : memref<1x80x128xi32, #tpu.memory_space<hbm>> -> memref<80x128xi32, #tpu.memory_space<hbm>>
      tpu.enqueue_dma source(%dma_start3A_85 : memref<80x128xi32, #tpu.memory_space<hbm>>) target(%arg7 : memref<80x128xi32, #tpu.memory_space<vmem>>) target_semaphore(%run_scoped3A : memref<!tpu.dma_semaphore, #tpu.memory_space<semaphore_mem>>)
      %dma_wait3A_86 = arith.constant 0 : i32
      %dma_wait3A_87 = arith.constant 0 : i32
      %dma_wait3A_88 = tpu.memref_slice %arg4[%add3A, %dma_wait3A_86, %dma_wait3A_87] : memref<32x80x128xi32, #tpu.memory_space<hbm>> -> memref<1x80x128xi32, #tpu.memory_space<hbm>>
      %dma_wait3A_89 = tpu.memref_squeeze %dma_wait3A_88 : memref<1x80x128xi32, #tpu.memory_space<hbm>> -> memref<80x128xi32, #tpu.memory_space<hbm>>
      %dma_wait3A_90 = arith.constant 0 : i32
      %dma_wait3A_91 = arith.constant 0 : i32
      %dma_wait3A_92 = tpu.memref_slice %arg4[%add3A, %dma_wait3A_90, %dma_wait3A_91] : memref<32x80x128xi32, #tpu.memory_space<hbm>> -> memref<1x80x128xi32, #tpu.memory_space<hbm>>
      %dma_wait3A_93 = tpu.memref_squeeze %dma_wait3A_92 : memref<1x80x128xi32, #tpu.memory_space<hbm>> -> memref<80x128xi32, #tpu.memory_space<hbm>>
      tpu.wait_dma2 semaphore(%run_scoped3A : memref<!tpu.dma_semaphore, #tpu.memory_space<semaphore_mem>>) src(%dma_wait3A_93 : memref<80x128xi32, #tpu.memory_space<hbm>>) dst(%arg7 : memref<80x128xi32, #tpu.memory_space<vmem>>)
      tpu.yield
    }) : () -> ()
    %barrier3A = arith.constant 0 : index
    tpu.barrier barrier_id(%barrier3A)
    %dma_start3A = arith.constant 0 : i32
    %dma_start3A_14 = arith.constant 0 : i32
    %dma_start3A_15 = tpu.memref_slice %arg6[%dma_start3A, %dma_start3A_14] : memref<80x128xi32, #tpu.memory_space<vmem>> -> memref<1x128xi32, #tpu.memory_space<vmem>>
    %dma_start3A_16 = tpu.memref_squeeze %dma_start3A_15 : memref<1x128xi32, #tpu.memory_space<vmem>> -> memref<128xi32, #tpu.memory_space<vmem>>
    %dma_start3A_17 = arith.constant 0 : i32
    %dma_start3A_18 = arith.constant 0 : i32
    %dma_start3A_19 = tpu.memref_slice %arg13[%dma_start3A_17, %dma_start3A_18] : memref<10240x48xf32, #tpu.memory_space<vmem_shared>> -> memref<10240x48xf32, #tpu.memory_space<vmem_shared>>
    tpu.enqueue_indirect_dma source(%dma_start3A_19 : memref<10240x48xf32, #tpu.memory_space<vmem_shared>>) target(%arg8 : memref<128x48xf32, #tpu.memory_space<vmem>>) offsets(%dma_start3A_16 : memref<128xi32, #tpu.memory_space<vmem>>) semaphore(%arg15 : memref<!tpu.dma_semaphore, #tpu.memory_space<semaphore_mem>>)
    %dma_start3A_20 = arith.constant 1 : i32
    %dma_start3A_21 = arith.constant 0 : i32
    %dma_start3A_22 = tpu.memref_slice %arg6[%dma_start3A_20, %dma_start3A_21] : memref<80x128xi32, #tpu.memory_space<vmem>> -> memref<1x128xi32, #tpu.memory_space<vmem>>
    %dma_start3A_23 = tpu.memref_squeeze %dma_start3A_22 : memref<1x128xi32, #tpu.memory_space<vmem>> -> memref<128xi32, #tpu.memory_space<vmem>>
    %dma_start3A_24 = arith.constant 0 : i32
    %dma_start3A_25 = arith.constant 0 : i32
    %dma_start3A_26 = tpu.memref_slice %arg13[%dma_start3A_24, %dma_start3A_25] : memref<10240x48xf32, #tpu.memory_space<vmem_shared>> -> memref<10240x48xf32, #tpu.memory_space<vmem_shared>>
    tpu.enqueue_indirect_dma source(%dma_start3A_26 : memref<10240x48xf32, #tpu.memory_space<vmem_shared>>) target(%arg9 : memref<128x48xf32, #tpu.memory_space<vmem>>) offsets(%dma_start3A_23 : memref<128xi32, #tpu.memory_space<vmem>>) semaphore(%arg16 : memref<!tpu.dma_semaphore, #tpu.memory_space<semaphore_mem>>)
    %dma_start3A_27 = arith.constant 2 : i32
    %dma_start3A_28 = arith.constant 0 : i32
    %dma_start3A_29 = tpu.memref_slice %arg6[%dma_start3A_27, %dma_start3A_28] : memref<80x128xi32, #tpu.memory_space<vmem>> -> memref<1x128xi32, #tpu.memory_space<vmem>>
    %dma_start3A_30 = tpu.memref_squeeze %dma_start3A_29 : memref<1x128xi32, #tpu.memory_space<vmem>> -> memref<128xi32, #tpu.memory_space<vmem>>
    %dma_start3A_31 = arith.constant 0 : i32
    %dma_start3A_32 = arith.constant 0 : i32
    %dma_start3A_33 = tpu.memref_slice %arg13[%dma_start3A_31, %dma_start3A_32] : memref<10240x48xf32, #tpu.memory_space<vmem_shared>> -> memref<10240x48xf32, #tpu.memory_space<vmem_shared>>
    tpu.enqueue_indirect_dma source(%dma_start3A_33 : memref<10240x48xf32, #tpu.memory_space<vmem_shared>>) target(%arg10 : memref<128x48xf32, #tpu.memory_space<vmem>>) offsets(%dma_start3A_30 : memref<128xi32, #tpu.memory_space<vmem>>) semaphore(%arg17 : memref<!tpu.dma_semaphore, #tpu.memory_space<semaphore_mem>>)
    %dma_start3A_34 = arith.constant 0 : i32
    %dma_start3A_35 = arith.constant 0 : i32
    %dma_start3A_36 = tpu.memref_slice %arg7[%dma_start3A_34, %dma_start3A_35] : memref<80x128xi32, #tpu.memory_space<vmem>> -> memref<1x128xi32, #tpu.memory_space<vmem>>
    %dma_start3A_37 = tpu.memref_squeeze %dma_start3A_36 : memref<1x128xi32, #tpu.memory_space<vmem>> -> memref<128xi32, #tpu.memory_space<vmem>>
    %dma_start3A_38 = arith.constant 0 : i32
    %dma_start3A_39 = arith.constant 0 : i32
    %dma_start3A_40 = tpu.memref_slice %arg14[%dma_start3A_38, %dma_start3A_39] : memref<10240x48xf32, #tpu.memory_space<vmem_shared>> -> memref<10240x48xf32, #tpu.memory_space<vmem_shared>>
    tpu.enqueue_indirect_dma source(%arg12 : memref<128x48xf32, #tpu.memory_space<vmem>>) target(%dma_start3A_40 : memref<10240x48xf32, #tpu.memory_space<vmem_shared>>) offsets(%dma_start3A_37 : memref<128xi32, #tpu.memory_space<vmem>>) semaphore(%arg22 : memref<!tpu.dma_semaphore, #tpu.memory_space<semaphore_mem>>) {add = true}
    %scan3A_41 = arith.constant 0 : i32
    %scan3A_42 = arith.constant 20 : i32
    %scan3A_43 = arith.addi %scan3A_41, %scan3A_42 : i32
    %scan3A_44 = arith.constant 1 : i32
    scf.for %scan3A_78 = %scan3A_41 to %scan3A_43 step %scan3A_44  : i32 {
      %mul3A_79 = arith.constant 1 : i32
      %mul3A_80 = arith.muli %scan3A_78, %mul3A_79 : i32
      %add3A_81 = arith.constant 0 : i32
      %add3A_82 = arith.addi %add3A_81, %mul3A_80 : i32
      %mul3A_83 = arith.constant 4 : i32
      %mul3A_84 = arith.muli %mul3A_83, %add3A_82 : i32
      %add3A_85 = arith.constant 0 : i32
      %add3A_86 = arith.addi %mul3A_84, %add3A_85 : i32
      %dma_wait3A_87 = arith.constant 0 : i32
      %dma_wait3A_88 = arith.constant 0 : i32
      %dma_wait3A_89 = tpu.memref_slice %arg6[%dma_wait3A_87, %dma_wait3A_88] : memref<80x128xi32, #tpu.memory_space<vmem>> -> memref<1x128xi32, #tpu.memory_space<vmem>>
      %dma_wait3A_90 = tpu.memref_squeeze %dma_wait3A_89 : memref<1x128xi32, #tpu.memory_space<vmem>> -> memref<128xi32, #tpu.memory_space<vmem>>
      %dma_wait3A_91 = arith.constant 0 : i32
      %dma_wait3A_92 = arith.constant 0 : i32
      %dma_wait3A_93 = tpu.memref_slice %arg13[%dma_wait3A_91, %dma_wait3A_92] : memref<10240x48xf32, #tpu.memory_space<vmem_shared>> -> memref<10240x48xf32, #tpu.memory_space<vmem_shared>>
      tpu.wait_indirect_dma semaphore(%arg15 : memref<!tpu.dma_semaphore, #tpu.memory_space<semaphore_mem>>) src(%dma_wait3A_93 : memref<10240x48xf32, #tpu.memory_space<vmem_shared>>) dst(%arg8 : memref<128x48xf32, #tpu.memory_space<vmem>>)
      %dma_start3A_94 = arith.constant 0 : i32
      %dma_start3A_95 = tpu.memref_slice %arg7[%add3A_86, %dma_start3A_94] : memref<80x128xi32, #tpu.memory_space<vmem>> -> memref<1x128xi32, #tpu.memory_space<vmem>>
      %dma_start3A_96 = tpu.memref_squeeze %dma_start3A_95 : memref<1x128xi32, #tpu.memory_space<vmem>> -> memref<128xi32, #tpu.memory_space<vmem>>
      %dma_start3A_97 = arith.constant 0 : i32
      %dma_start3A_98 = arith.constant 0 : i32
      %dma_start3A_99 = tpu.memref_slice %arg14[%dma_start3A_97, %dma_start3A_98] : memref<10240x48xf32, #tpu.memory_space<vmem_shared>> -> memref<10240x48xf32, #tpu.memory_space<vmem_shared>>
      tpu.enqueue_indirect_dma source(%arg8 : memref<128x48xf32, #tpu.memory_space<vmem>>) target(%dma_start3A_99 : memref<10240x48xf32, #tpu.memory_space<vmem_shared>>) offsets(%dma_start3A_96 : memref<128xi32, #tpu.memory_space<vmem>>) semaphore(%arg19 : memref<!tpu.dma_semaphore, #tpu.memory_space<semaphore_mem>>) {add = true}
      %dma_wait3A_100 = arith.constant 0 : i32
      %dma_wait3A_101 = arith.constant 0 : i32
      %dma_wait3A_102 = tpu.memref_slice %arg7[%dma_wait3A_100, %dma_wait3A_101] : memref<80x128xi32, #tpu.memory_space<vmem>> -> memref<1x128xi32, #tpu.memory_space<vmem>>
      %dma_wait3A_103 = tpu.memref_squeeze %dma_wait3A_102 : memref<1x128xi32, #tpu.memory_space<vmem>> -> memref<128xi32, #tpu.memory_space<vmem>>
      %dma_wait3A_104 = arith.constant 0 : i32
      %dma_wait3A_105 = arith.constant 0 : i32
      %dma_wait3A_106 = tpu.memref_slice %arg14[%dma_wait3A_104, %dma_wait3A_105] : memref<10240x48xf32, #tpu.memory_space<vmem_shared>> -> memref<10240x48xf32, #tpu.memory_space<vmem_shared>>
      tpu.wait_indirect_dma semaphore(%arg22 : memref<!tpu.dma_semaphore, #tpu.memory_space<semaphore_mem>>) src(%arg12 : memref<128x48xf32, #tpu.memory_space<vmem>>) dst(%dma_wait3A_106 : memref<10240x48xf32, #tpu.memory_space<vmem_shared>>)
      %add3A_107 = arith.constant 4 : i32
      %add3A_108 = arith.addi %add3A_86, %add3A_107 : i32
      %sub3A = arith.constant 1 : i32
      %sub3A_109 = arith.subi %add3A_108, %sub3A : i32
      %rem3A = arith.constant 80 : i32
      %rem3A_110 = arith.remsi %sub3A_109, %rem3A : i32
      %dma_start3A_111 = arith.constant 0 : i32
      %dma_start3A_112 = tpu.memref_slice %arg6[%rem3A_110, %dma_start3A_111] : memref<80x128xi32, #tpu.memory_space<vmem>> -> memref<1x128xi32, #tpu.memory_space<vmem>>
      %dma_start3A_113 = tpu.memref_squeeze %dma_start3A_112 : memref<1x128xi32, #tpu.memory_space<vmem>> -> memref<128xi32, #tpu.memory_space<vmem>>
      %dma_start3A_114 = arith.constant 0 : i32
      %dma_start3A_115 = arith.constant 0 : i32
      %dma_start3A_116 = tpu.memref_slice %arg13[%dma_start3A_114, %dma_start3A_115] : memref<10240x48xf32, #tpu.memory_space<vmem_shared>> -> memref<10240x48xf32, #tpu.memory_space<vmem_shared>>
      tpu.enqueue_indirect_dma source(%dma_start3A_116 : memref<10240x48xf32, #tpu.memory_space<vmem_shared>>) target(%arg11 : memref<128x48xf32, #tpu.memory_space<vmem>>) offsets(%dma_start3A_113 : memref<128xi32, #tpu.memory_space<vmem>>) semaphore(%arg18 : memref<!tpu.dma_semaphore, #tpu.memory_space<semaphore_mem>>)
      %mul3A_117 = arith.constant 4 : i32
      %mul3A_118 = arith.muli %mul3A_117, %add3A_82 : i32
      %add3A_119 = arith.constant 1 : i32
      %add3A_120 = arith.addi %mul3A_118, %add3A_119 : i32
      %dma_wait3A_121 = arith.constant 0 : i32
      %dma_wait3A_122 = arith.constant 0 : i32
      %dma_wait3A_123 = tpu.memref_slice %arg6[%dma_wait3A_121, %dma_wait3A_122] : memref<80x128xi32, #tpu.memory_space<vmem>> -> memref<1x128xi32, #tpu.memory_space<vmem>>
      %dma_wait3A_124 = tpu.memref_squeeze %dma_wait3A_123 : memref<1x128xi32, #tpu.memory_space<vmem>> -> memref<128xi32, #tpu.memory_space<vmem>>
      %dma_wait3A_125 = arith.constant 0 : i32
      %dma_wait3A_126 = arith.constant 0 : i32
      %dma_wait3A_127 = tpu.memref_slice %arg13[%dma_wait3A_125, %dma_wait3A_126] : memref<10240x48xf32, #tpu.memory_space<vmem_shared>> -> memref<10240x48xf32, #tpu.memory_space<vmem_shared>>
      tpu.wait_indirect_dma semaphore(%arg16 : memref<!tpu.dma_semaphore, #tpu.memory_space<semaphore_mem>>) src(%dma_wait3A_127 : memref<10240x48xf32, #tpu.memory_space<vmem_shared>>) dst(%arg9 : memref<128x48xf32, #tpu.memory_space<vmem>>)
      %dma_start3A_128 = arith.constant 0 : i32
      %dma_start3A_129 = tpu.memref_slice %arg7[%add3A_120, %dma_start3A_128] : memref<80x128xi32, #tpu.memory_space<vmem>> -> memref<1x128xi32, #tpu.memory_space<vmem>>
      %dma_start3A_130 = tpu.memref_squeeze %dma_start3A_129 : memref<1x128xi32, #tpu.memory_space<vmem>> -> memref<128xi32, #tpu.memory_space<vmem>>
      %dma_start3A_131 = arith.constant 0 : i32
      %dma_start3A_132 = arith.constant 0 : i32
      %dma_start3A_133 = tpu.memref_slice %arg14[%dma_start3A_131, %dma_start3A_132] : memref<10240x48xf32, #tpu.memory_space<vmem_shared>> -> memref<10240x48xf32, #tpu.memory_space<vmem_shared>>
      tpu.enqueue_indirect_dma source(%arg9 : memref<128x48xf32, #tpu.memory_space<vmem>>) target(%dma_start3A_133 : memref<10240x48xf32, #tpu.memory_space<vmem_shared>>) offsets(%dma_start3A_130 : memref<128xi32, #tpu.memory_space<vmem>>) semaphore(%arg20 : memref<!tpu.dma_semaphore, #tpu.memory_space<semaphore_mem>>) {add = true}
      %dma_wait3A_134 = arith.constant 0 : i32
      %dma_wait3A_135 = arith.constant 0 : i32
      %dma_wait3A_136 = tpu.memref_slice %arg7[%dma_wait3A_134, %dma_wait3A_135] : memref<80x128xi32, #tpu.memory_space<vmem>> -> memref<1x128xi32, #tpu.memory_space<vmem>>
      %dma_wait3A_137 = tpu.memref_squeeze %dma_wait3A_136 : memref<1x128xi32, #tpu.memory_space<vmem>> -> memref<128xi32, #tpu.memory_space<vmem>>
      %dma_wait3A_138 = arith.constant 0 : i32
      %dma_wait3A_139 = arith.constant 0 : i32
      %dma_wait3A_140 = tpu.memref_slice %arg14[%dma_wait3A_138, %dma_wait3A_139] : memref<10240x48xf32, #tpu.memory_space<vmem_shared>> -> memref<10240x48xf32, #tpu.memory_space<vmem_shared>>
      tpu.wait_indirect_dma semaphore(%arg19 : memref<!tpu.dma_semaphore, #tpu.memory_space<semaphore_mem>>) src(%arg12 : memref<128x48xf32, #tpu.memory_space<vmem>>) dst(%dma_wait3A_140 : memref<10240x48xf32, #tpu.memory_space<vmem_shared>>)
      %add3A_141 = arith.constant 4 : i32
      %add3A_142 = arith.addi %add3A_120, %add3A_141 : i32
      %sub3A_143 = arith.constant 1 : i32
      %sub3A_144 = arith.subi %add3A_142, %sub3A_143 : i32
      %rem3A_145 = arith.constant 80 : i32
      %rem3A_146 = arith.remsi %sub3A_144, %rem3A_145 : i32
      %dma_start3A_147 = arith.constant 0 : i32
      %dma_start3A_148 = tpu.memref_slice %arg6[%rem3A_146, %dma_start3A_147] : memref<80x128xi32, #tpu.memory_space<vmem>> -> memref<1x128xi32, #tpu.memory_space<vmem>>
      %dma_start3A_149 = tpu.memref_squeeze %dma_start3A_148 : memref<1x128xi32, #tpu.memory_space<vmem>> -> memref<128xi32, #tpu.memory_space<vmem>>
      %dma_start3A_150 = arith.constant 0 : i32
      %dma_start3A_151 = arith.constant 0 : i32
      %dma_start3A_152 = tpu.memref_slice %arg13[%dma_start3A_150, %dma_start3A_151] : memref<10240x48xf32, #tpu.memory_space<vmem_shared>> -> memref<10240x48xf32, #tpu.memory_space<vmem_shared>>
      tpu.enqueue_indirect_dma source(%dma_start3A_152 : memref<10240x48xf32, #tpu.memory_space<vmem_shared>>) target(%arg8 : memref<128x48xf32, #tpu.memory_space<vmem>>) offsets(%dma_start3A_149 : memref<128xi32, #tpu.memory_space<vmem>>) semaphore(%arg15 : memref<!tpu.dma_semaphore, #tpu.memory_space<semaphore_mem>>)
      %mul3A_153 = arith.constant 4 : i32
      %mul3A_154 = arith.muli %mul3A_153, %add3A_82 : i32
      %add3A_155 = arith.constant 2 : i32
      %add3A_156 = arith.addi %mul3A_154, %add3A_155 : i32
      %dma_wait3A_157 = arith.constant 0 : i32
      %dma_wait3A_158 = arith.constant 0 : i32
      %dma_wait3A_159 = tpu.memref_slice %arg6[%dma_wait3A_157, %dma_wait3A_158] : memref<80x128xi32, #tpu.memory_space<vmem>> -> memref<1x128xi32, #tpu.memory_space<vmem>>
      %dma_wait3A_160 = tpu.memref_squeeze %dma_wait3A_159 : memref<1x128xi32, #tpu.memory_space<vmem>> -> memref<128xi32, #tpu.memory_space<vmem>>
      %dma_wait3A_161 = arith.constant 0 : i32
      %dma_wait3A_162 = arith.constant 0 : i32
      %dma_wait3A_163 = tpu.memref_slice %arg13[%dma_wait3A_161, %dma_wait3A_162] : memref<10240x48xf32, #tpu.memory_space<vmem_shared>> -> memref<10240x48xf32, #tpu.memory_space<vmem_shared>>
      tpu.wait_indirect_dma semaphore(%arg17 : memref<!tpu.dma_semaphore, #tpu.memory_space<semaphore_mem>>) src(%dma_wait3A_163 : memref<10240x48xf32, #tpu.memory_space<vmem_shared>>) dst(%arg10 : memref<128x48xf32, #tpu.memory_space<vmem>>)
      %dma_start3A_164 = arith.constant 0 : i32
      %dma_start3A_165 = tpu.memref_slice %arg7[%add3A_156, %dma_start3A_164] : memref<80x128xi32, #tpu.memory_space<vmem>> -> memref<1x128xi32, #tpu.memory_space<vmem>>
      %dma_start3A_166 = tpu.memref_squeeze %dma_start3A_165 : memref<1x128xi32, #tpu.memory_space<vmem>> -> memref<128xi32, #tpu.memory_space<vmem>>
      %dma_start3A_167 = arith.constant 0 : i32
      %dma_start3A_168 = arith.constant 0 : i32
      %dma_start3A_169 = tpu.memref_slice %arg14[%dma_start3A_167, %dma_start3A_168] : memref<10240x48xf32, #tpu.memory_space<vmem_shared>> -> memref<10240x48xf32, #tpu.memory_space<vmem_shared>>
      tpu.enqueue_indirect_dma source(%arg10 : memref<128x48xf32, #tpu.memory_space<vmem>>) target(%dma_start3A_169 : memref<10240x48xf32, #tpu.memory_space<vmem_shared>>) offsets(%dma_start3A_166 : memref<128xi32, #tpu.memory_space<vmem>>) semaphore(%arg21 : memref<!tpu.dma_semaphore, #tpu.memory_space<semaphore_mem>>) {add = true}
      %dma_wait3A_170 = arith.constant 0 : i32
      %dma_wait3A_171 = arith.constant 0 : i32
      %dma_wait3A_172 = tpu.memref_slice %arg7[%dma_wait3A_170, %dma_wait3A_171] : memref<80x128xi32, #tpu.memory_space<vmem>> -> memref<1x128xi32, #tpu.memory_space<vmem>>
      %dma_wait3A_173 = tpu.memref_squeeze %dma_wait3A_172 : memref<1x128xi32, #tpu.memory_space<vmem>> -> memref<128xi32, #tpu.memory_space<vmem>>
      %dma_wait3A_174 = arith.constant 0 : i32
      %dma_wait3A_175 = arith.constant 0 : i32
      %dma_wait3A_176 = tpu.memref_slice %arg14[%dma_wait3A_174, %dma_wait3A_175] : memref<10240x48xf32, #tpu.memory_space<vmem_shared>> -> memref<10240x48xf32, #tpu.memory_space<vmem_shared>>
      tpu.wait_indirect_dma semaphore(%arg20 : memref<!tpu.dma_semaphore, #tpu.memory_space<semaphore_mem>>) src(%arg12 : memref<128x48xf32, #tpu.memory_space<vmem>>) dst(%dma_wait3A_176 : memref<10240x48xf32, #tpu.memory_space<vmem_shared>>)
      %add3A_177 = arith.constant 4 : i32
      %add3A_178 = arith.addi %add3A_156, %add3A_177 : i32
      %sub3A_179 = arith.constant 1 : i32
      %sub3A_180 = arith.subi %add3A_178, %sub3A_179 : i32
      %rem3A_181 = arith.constant 80 : i32
      %rem3A_182 = arith.remsi %sub3A_180, %rem3A_181 : i32
      %dma_start3A_183 = arith.constant 0 : i32
      %dma_start3A_184 = tpu.memref_slice %arg6[%rem3A_182, %dma_start3A_183] : memref<80x128xi32, #tpu.memory_space<vmem>> -> memref<1x128xi32, #tpu.memory_space<vmem>>
      %dma_start3A_185 = tpu.memref_squeeze %dma_start3A_184 : memref<1x128xi32, #tpu.memory_space<vmem>> -> memref<128xi32, #tpu.memory_space<vmem>>
      %dma_start3A_186 = arith.constant 0 : i32
      %dma_start3A_187 = arith.constant 0 : i32
      %dma_start3A_188 = tpu.memref_slice %arg13[%dma_start3A_186, %dma_start3A_187] : memref<10240x48xf32, #tpu.memory_space<vmem_shared>> -> memref<10240x48xf32, #tpu.memory_space<vmem_shared>>
      tpu.enqueue_indirect_dma source(%dma_start3A_188 : memref<10240x48xf32, #tpu.memory_space<vmem_shared>>) target(%arg9 : memref<128x48xf32, #tpu.memory_space<vmem>>) offsets(%dma_start3A_185 : memref<128xi32, #tpu.memory_space<vmem>>) semaphore(%arg16 : memref<!tpu.dma_semaphore, #tpu.memory_space<semaphore_mem>>)
      %mul3A_189 = arith.constant 4 : i32
      %mul3A_190 = arith.muli %mul3A_189, %add3A_82 : i32
      %add3A_191 = arith.constant 3 : i32
      %add3A_192 = arith.addi %mul3A_190, %add3A_191 : i32
      %dma_wait3A_193 = arith.constant 0 : i32
      %dma_wait3A_194 = arith.constant 0 : i32
      %dma_wait3A_195 = tpu.memref_slice %arg6[%dma_wait3A_193, %dma_wait3A_194] : memref<80x128xi32, #tpu.memory_space<vmem>> -> memref<1x128xi32, #tpu.memory_space<vmem>>
      %dma_wait3A_196 = tpu.memref_squeeze %dma_wait3A_195 : memref<1x128xi32, #tpu.memory_space<vmem>> -> memref<128xi32, #tpu.memory_space<vmem>>
      %dma_wait3A_197 = arith.constant 0 : i32
      %dma_wait3A_198 = arith.constant 0 : i32
      %dma_wait3A_199 = tpu.memref_slice %arg13[%dma_wait3A_197, %dma_wait3A_198] : memref<10240x48xf32, #tpu.memory_space<vmem_shared>> -> memref<10240x48xf32, #tpu.memory_space<vmem_shared>>
      tpu.wait_indirect_dma semaphore(%arg18 : memref<!tpu.dma_semaphore, #tpu.memory_space<semaphore_mem>>) src(%dma_wait3A_199 : memref<10240x48xf32, #tpu.memory_space<vmem_shared>>) dst(%arg11 : memref<128x48xf32, #tpu.memory_space<vmem>>)
      %dma_start3A_200 = arith.constant 0 : i32
      %dma_start3A_201 = tpu.memref_slice %arg7[%add3A_192, %dma_start3A_200] : memref<80x128xi32, #tpu.memory_space<vmem>> -> memref<1x128xi32, #tpu.memory_space<vmem>>
      %dma_start3A_202 = tpu.memref_squeeze %dma_start3A_201 : memref<1x128xi32, #tpu.memory_space<vmem>> -> memref<128xi32, #tpu.memory_space<vmem>>
      %dma_start3A_203 = arith.constant 0 : i32
      %dma_start3A_204 = arith.constant 0 : i32
      %dma_start3A_205 = tpu.memref_slice %arg14[%dma_start3A_203, %dma_start3A_204] : memref<10240x48xf32, #tpu.memory_space<vmem_shared>> -> memref<10240x48xf32, #tpu.memory_space<vmem_shared>>
      tpu.enqueue_indirect_dma source(%arg11 : memref<128x48xf32, #tpu.memory_space<vmem>>) target(%dma_start3A_205 : memref<10240x48xf32, #tpu.memory_space<vmem_shared>>) offsets(%dma_start3A_202 : memref<128xi32, #tpu.memory_space<vmem>>) semaphore(%arg22 : memref<!tpu.dma_semaphore, #tpu.memory_space<semaphore_mem>>) {add = true}
      %dma_wait3A_206 = arith.constant 0 : i32
      %dma_wait3A_207 = arith.constant 0 : i32
      %dma_wait3A_208 = tpu.memref_slice %arg7[%dma_wait3A_206, %dma_wait3A_207] : memref<80x128xi32, #tpu.memory_space<vmem>> -> memref<1x128xi32, #tpu.memory_space<vmem>>
      %dma_wait3A_209 = tpu.memref_squeeze %dma_wait3A_208 : memref<1x128xi32, #tpu.memory_space<vmem>> -> memref<128xi32, #tpu.memory_space<vmem>>
      %dma_wait3A_210 = arith.constant 0 : i32
      %dma_wait3A_211 = arith.constant 0 : i32
      %dma_wait3A_212 = tpu.memref_slice %arg14[%dma_wait3A_210, %dma_wait3A_211] : memref<10240x48xf32, #tpu.memory_space<vmem_shared>> -> memref<10240x48xf32, #tpu.memory_space<vmem_shared>>
      tpu.wait_indirect_dma semaphore(%arg21 : memref<!tpu.dma_semaphore, #tpu.memory_space<semaphore_mem>>) src(%arg12 : memref<128x48xf32, #tpu.memory_space<vmem>>) dst(%dma_wait3A_212 : memref<10240x48xf32, #tpu.memory_space<vmem_shared>>)
      %add3A_213 = arith.constant 4 : i32
      %add3A_214 = arith.addi %add3A_192, %add3A_213 : i32
      %sub3A_215 = arith.constant 1 : i32
      %sub3A_216 = arith.subi %add3A_214, %sub3A_215 : i32
      %rem3A_217 = arith.constant 80 : i32
      %rem3A_218 = arith.remsi %sub3A_216, %rem3A_217 : i32
      %dma_start3A_219 = arith.constant 0 : i32
      %dma_start3A_220 = tpu.memref_slice %arg6[%rem3A_218, %dma_start3A_219] : memref<80x128xi32, #tpu.memory_space<vmem>> -> memref<1x128xi32, #tpu.memory_space<vmem>>
      %dma_start3A_221 = tpu.memref_squeeze %dma_start3A_220 : memref<1x128xi32, #tpu.memory_space<vmem>> -> memref<128xi32, #tpu.memory_space<vmem>>
      %dma_start3A_222 = arith.constant 0 : i32
      %dma_start3A_223 = arith.constant 0 : i32
      %dma_start3A_224 = tpu.memref_slice %arg13[%dma_start3A_222, %dma_start3A_223] : memref<10240x48xf32, #tpu.memory_space<vmem_shared>> -> memref<10240x48xf32, #tpu.memory_space<vmem_shared>>
      tpu.enqueue_indirect_dma source(%dma_start3A_224 : memref<10240x48xf32, #tpu.memory_space<vmem_shared>>) target(%arg10 : memref<128x48xf32, #tpu.memory_space<vmem>>) offsets(%dma_start3A_221 : memref<128xi32, #tpu.memory_space<vmem>>) semaphore(%arg17 : memref<!tpu.dma_semaphore, #tpu.memory_space<semaphore_mem>>)
    }
    %scan3A_45 = arith.constant 20 : i32
    %dma_wait3A = arith.constant 0 : i32
    %dma_wait3A_46 = arith.constant 0 : i32
    %dma_wait3A_47 = tpu.memref_slice %arg6[%dma_wait3A, %dma_wait3A_46] : memref<80x128xi32, #tpu.memory_space<vmem>> -> memref<1x128xi32, #tpu.memory_space<vmem>>
    %dma_wait3A_48 = tpu.memref_squeeze %dma_wait3A_47 : memref<1x128xi32, #tpu.memory_space<vmem>> -> memref<128xi32, #tpu.memory_space<vmem>>
    %dma_wait3A_49 = arith.constant 0 : i32
    %dma_wait3A_50 = arith.constant 0 : i32
    %dma_wait3A_51 = tpu.memref_slice %arg13[%dma_wait3A_49, %dma_wait3A_50] : memref<10240x48xf32, #tpu.memory_space<vmem_shared>> -> memref<10240x48xf32, #tpu.memory_space<vmem_shared>>
    tpu.wait_indirect_dma semaphore(%arg15 : memref<!tpu.dma_semaphore, #tpu.memory_space<semaphore_mem>>) src(%dma_wait3A_51 : memref<10240x48xf32, #tpu.memory_space<vmem_shared>>) dst(%arg8 : memref<128x48xf32, #tpu.memory_space<vmem>>)
    %dma_wait3A_52 = arith.constant 0 : i32
    %dma_wait3A_53 = arith.constant 0 : i32
    %dma_wait3A_54 = tpu.memref_slice %arg6[%dma_wait3A_52, %dma_wait3A_53] : memref<80x128xi32, #tpu.memory_space<vmem>> -> memref<1x128xi32, #tpu.memory_space<vmem>>
    %dma_wait3A_55 = tpu.memref_squeeze %dma_wait3A_54 : memref<1x128xi32, #tpu.memory_space<vmem>> -> memref<128xi32, #tpu.memory_space<vmem>>
    %dma_wait3A_56 = arith.constant 0 : i32
    %dma_wait3A_57 = arith.constant 0 : i32
    %dma_wait3A_58 = tpu.memref_slice %arg13[%dma_wait3A_56, %dma_wait3A_57] : memref<10240x48xf32, #tpu.memory_space<vmem_shared>> -> memref<10240x48xf32, #tpu.memory_space<vmem_shared>>
    tpu.wait_indirect_dma semaphore(%arg16 : memref<!tpu.dma_semaphore, #tpu.memory_space<semaphore_mem>>) src(%dma_wait3A_58 : memref<10240x48xf32, #tpu.memory_space<vmem_shared>>) dst(%arg9 : memref<128x48xf32, #tpu.memory_space<vmem>>)
    %dma_wait3A_59 = arith.constant 0 : i32
    %dma_wait3A_60 = arith.constant 0 : i32
    %dma_wait3A_61 = tpu.memref_slice %arg6[%dma_wait3A_59, %dma_wait3A_60] : memref<80x128xi32, #tpu.memory_space<vmem>> -> memref<1x128xi32, #tpu.memory_space<vmem>>
    %dma_wait3A_62 = tpu.memref_squeeze %dma_wait3A_61 : memref<1x128xi32, #tpu.memory_space<vmem>> -> memref<128xi32, #tpu.memory_space<vmem>>
    %dma_wait3A_63 = arith.constant 0 : i32
    %dma_wait3A_64 = arith.constant 0 : i32
    %dma_wait3A_65 = tpu.memref_slice %arg13[%dma_wait3A_63, %dma_wait3A_64] : memref<10240x48xf32, #tpu.memory_space<vmem_shared>> -> memref<10240x48xf32, #tpu.memory_space<vmem_shared>>
    tpu.wait_indirect_dma semaphore(%arg17 : memref<!tpu.dma_semaphore, #tpu.memory_space<semaphore_mem>>) src(%dma_wait3A_65 : memref<10240x48xf32, #tpu.memory_space<vmem_shared>>) dst(%arg10 : memref<128x48xf32, #tpu.memory_space<vmem>>)
    %dma_wait3A_66 = arith.constant 0 : i32
    %dma_wait3A_67 = arith.constant 0 : i32
    %dma_wait3A_68 = tpu.memref_slice %arg7[%dma_wait3A_66, %dma_wait3A_67] : memref<80x128xi32, #tpu.memory_space<vmem>> -> memref<1x128xi32, #tpu.memory_space<vmem>>
    %dma_wait3A_69 = tpu.memref_squeeze %dma_wait3A_68 : memref<1x128xi32, #tpu.memory_space<vmem>> -> memref<128xi32, #tpu.memory_space<vmem>>
    %dma_wait3A_70 = arith.constant 0 : i32
    %dma_wait3A_71 = arith.constant 0 : i32
    %dma_wait3A_72 = tpu.memref_slice %arg14[%dma_wait3A_70, %dma_wait3A_71] : memref<10240x48xf32, #tpu.memory_space<vmem_shared>> -> memref<10240x48xf32, #tpu.memory_space<vmem_shared>>
    tpu.wait_indirect_dma semaphore(%arg22 : memref<!tpu.dma_semaphore, #tpu.memory_space<semaphore_mem>>) src(%arg12 : memref<128x48xf32, #tpu.memory_space<vmem>>) dst(%dma_wait3A_72 : memref<10240x48xf32, #tpu.memory_space<vmem_shared>>)
    %barrier3A_73 = arith.constant 0 : index
    tpu.barrier barrier_id(%barrier3A_73)
    %mul3A_74 = arith.constant 640 : i32
    %mul3A_75 = arith.muli %arg1, %mul3A_74 : i32
    %mul3A_76 = arith.constant 640 : i32
    %mul3A_77 = arith.muli %arg1, %mul3A_76 : i32
    "tpu.region"() ({
      %run_scoped3A = tpu.sem_alloc : memref<!tpu.dma_semaphore, #tpu.memory_space<semaphore_mem>>
      %dma_start3A_78 = arith.constant 0 : i32
      %dma_start3A_79 = arith.constant 0 : i32
      %dma_start3A_80 = tpu.memref_slice %arg5[%arg0, %dma_start3A_78, %dma_start3A_79] : memref<2x10240x48xf32, #tpu.memory_space<hbm>> -> memref<1x10240x48xf32, #tpu.memory_space<hbm>>
      %dma_start3A_81 = tpu.memref_squeeze %dma_start3A_80 : memref<1x10240x48xf32, #tpu.memory_space<hbm>> -> memref<10240x48xf32, #tpu.memory_space<hbm>>
      %dma_start3A_82 = arith.constant 0 : i32
      %dma_start3A_83 = tpu.memref_slice %dma_start3A_81[%mul3A_77, %dma_start3A_82] : memref<10240x48xf32, #tpu.memory_space<hbm>> -> memref<640x48xf32, #tpu.memory_space<hbm>>
      %dma_start3A_84 = arith.constant 0 : i32
      %dma_start3A_85 = tpu.memref_slice %arg14[%mul3A_75, %dma_start3A_84] : memref<10240x48xf32, #tpu.memory_space<vmem_shared>> -> memref<640x48xf32, #tpu.memory_space<vmem_shared>>
      tpu.enqueue_dma source(%dma_start3A_85 : memref<640x48xf32, #tpu.memory_space<vmem_shared>>) target(%dma_start3A_83 : memref<640x48xf32, #tpu.memory_space<hbm>>) target_semaphore(%run_scoped3A : memref<!tpu.dma_semaphore, #tpu.memory_space<semaphore_mem>>)
      %dma_wait3A_86 = arith.constant 0 : i32
      %dma_wait3A_87 = arith.constant 0 : i32
      %dma_wait3A_88 = tpu.memref_slice %arg5[%arg0, %dma_wait3A_86, %dma_wait3A_87] : memref<2x10240x48xf32, #tpu.memory_space<hbm>> -> memref<1x10240x48xf32, #tpu.memory_space<hbm>>
      %dma_wait3A_89 = tpu.memref_squeeze %dma_wait3A_88 : memref<1x10240x48xf32, #tpu.memory_space<hbm>> -> memref<10240x48xf32, #tpu.memory_space<hbm>>
      %dma_wait3A_90 = arith.constant 0 : i32
      %dma_wait3A_91 = tpu.memref_slice %dma_wait3A_89[%mul3A_77, %dma_wait3A_90] : memref<10240x48xf32, #tpu.memory_space<hbm>> -> memref<640x48xf32, #tpu.memory_space<hbm>>
      %dma_wait3A_92 = arith.constant 0 : i32
      %dma_wait3A_93 = tpu.memref_slice %arg14[%mul3A_75, %dma_wait3A_92] : memref<10240x48xf32, #tpu.memory_space<vmem_shared>> -> memref<640x48xf32, #tpu.memory_space<vmem_shared>>
      tpu.wait_dma2 semaphore(%run_scoped3A : memref<!tpu.dma_semaphore, #tpu.memory_space<semaphore_mem>>) src(%dma_wait3A_93 : memref<640x48xf32, #tpu.memory_space<vmem_shared>>) dst(%dma_wait3A_91 : memref<640x48xf32, #tpu.memory_space<hbm>>)
      tpu.yield
    }) : () -> ()
    return
  }
}

module attributes {stable_mosaic.version = 14 : i64} {
  func.func @_matmul_scale_body(%arg0: i32, %arg1: memref<2048x128xf32, #tpu.memory_space<vmem>>, %arg2: memref<128x48xf32, #tpu.memory_space<vmem>>, %arg3: memref<2x2048x16xf32, #tpu.memory_space<vmem>>, %arg4: memref<2048x48xf32, #tpu.memory_space<vmem>>) attributes {dimension_semantics = [#tpu.dimension_semantics<arbitrary>], iteration_bounds = array<i64: 5>, scalar_prefetch = 0 : i64, scratch_operands = 0 : i64, tpu.core_type = #tpu.core_type<tc>, window_params = [{transform_indices = @transform_0, window_bounds = array<i64: 2048, 128>}, {pipeline_mode = #tpu.pipeline_mode<synchronous>, transform_indices = @transform_1, window_bounds = array<i64: 128, 48>}, {transform_indices = @transform_2, window_bounds = array<i64: 2, 2048, 16>}, {transform_indices = @transform_3, window_bounds = array<i64: 2048, 48>}]} {
    %get3A = arith.constant 0 : index
    %get3A_0 = arith.constant 0 : index
    %get3A_1 = vector.load %arg1[%get3A, %get3A_0] : memref<2048x128xf32, #tpu.memory_space<vmem>>, vector<2048x128xf32>
    %get3A_2 = arith.constant 0 : index
    %get3A_3 = arith.constant 0 : index
    %get3A_4 = vector.load %arg2[%get3A_2, %get3A_3] : memref<128x48xf32, #tpu.memory_space<vmem>>, vector<128x48xf32>
    %dot_general3A = arith.constant dense<0.000000e+00> : vector<2048x48xf32>
    %dot_general3A_5 = tpu.matmul %get3A_1, %get3A_4, %dot_general3A {dimension_numbers = #tpu.dot_dimension_numbers<[1], [0], [0], [1], [0, 0, 1, 1], [], []>, transpose_lhs_hint = false} : vector<2048x128xf32>, vector<128x48xf32>, vector<2048x48xf32> -> vector<2048x48xf32>
    %get3A_6 = arith.constant 0 : index
    %get3A_7 = arith.constant 0 : index
    %get3A_8 = arith.constant 0 : index
    %get3A_9 = vector.load %arg3[%get3A_6, %get3A_7, %get3A_8] : memref<2x2048x16xf32, #tpu.memory_space<vmem>>, vector<1x2048x1xf32>
    %get3A_10 = vector.shape_cast %get3A_9 : vector<1x2048x1xf32> to vector<2048x1xf32>
    %get3A_11 = arith.constant 1 : index
    %get3A_12 = arith.constant 0 : index
    %get3A_13 = arith.constant 0 : index
    %get3A_14 = vector.load %arg3[%get3A_11, %get3A_12, %get3A_13] : memref<2x2048x16xf32, #tpu.memory_space<vmem>>, vector<1x2048x1xf32>
    %get3A_15 = vector.shape_cast %get3A_14 : vector<1x2048x1xf32> to vector<2048x1xf32>
    %add3A = arith.addf %get3A_10, %get3A_15 : vector<2048x1xf32>
    %add3A_16 = arith.constant 1.000000e+00 : f32
    %add3A_17 = vector.broadcast %add3A_16 : f32 to vector<2048x1xf32>
    %add3A_18 = arith.addf %add3A, %add3A_17 : vector<2048x1xf32>
    %rsqrt3A = math.rsqrt %add3A_18 : vector<2048x1xf32>
    %mul3A = vector.broadcast %rsqrt3A : vector<2048x1xf32> to vector<2048x48xf32>
    %mul3A_19 = arith.mulf %dot_general3A_5, %mul3A : vector<2048x48xf32>
    %swap3A = arith.constant 0 : index
    %swap3A_20 = arith.constant 0 : index
    %swap3A_21 = vector.load %arg4[%swap3A, %swap3A_20] : memref<2048x48xf32, #tpu.memory_space<vmem>>, vector<2048x48xf32>
    tpu.vector_store %arg4[%swap3A, %swap3A_20], %mul3A_19 {strides = array<i32>} : memref<2048x48xf32, #tpu.memory_space<vmem>>, vector<2048x48xf32>,
    return
  }
  func.func @transform_0(%arg0: i32) -> (i32, i32) {
    %c0_i32 = arith.constant 0 : i32
    %c0_i32_0 = arith.constant 0 : i32
    return %arg0, %c0_i32 : i32, i32
  }
  func.func @transform_1(%arg0: i32) -> (i32, i32) {
    %c0_i32 = arith.constant 0 : i32
    %c0_i32_0 = arith.constant 0 : i32
    %c0_i32_1 = arith.constant 0 : i32
    return %c0_i32, %c0_i32_0 : i32, i32
  }
  func.func @transform_2(%arg0: i32) -> (i32, i32, i32) {
    %c0_i32 = arith.constant 0 : i32
    %c0_i32_0 = arith.constant 0 : i32
    %c0_i32_1 = arith.constant 0 : i32
    return %c0_i32, %arg0, %c0_i32_0 : i32, i32, i32
  }
  func.func @transform_3(%arg0: i32) -> (i32, i32) {
    %c0_i32 = arith.constant 0 : i32
    %c0_i32_0 = arith.constant 0 : i32
    return %arg0, %c0_i32 : i32, i32
  }
}

module attributes {stable_mosaic.version = 14 : i64} {
  func.func @_scale2_body(%arg0: i32, %arg1: memref<2x2048x48xf32, #tpu.memory_space<vmem>>, %arg2: memref<2048x48xf32, #tpu.memory_space<vmem>>, %arg3: memref<2x2048x16xf32, #tpu.memory_space<vmem>>, %arg4: memref<2048x48xf32, #tpu.memory_space<vmem>>) attributes {dimension_semantics = [#tpu.dimension_semantics<arbitrary>], iteration_bounds = array<i64: 5>, scalar_prefetch = 0 : i64, scratch_operands = 0 : i64, tpu.core_type = #tpu.core_type<tc>, window_params = [{transform_indices = @transform_0, window_bounds = array<i64: 2, 2048, 48>}, {transform_indices = @transform_1, window_bounds = array<i64: 2048, 48>}, {transform_indices = @transform_2, window_bounds = array<i64: 2, 2048, 16>}, {transform_indices = @transform_3, window_bounds = array<i64: 2048, 48>}]} {
    %get3A = arith.constant 0 : index
    %get3A_0 = arith.constant 0 : index
    %get3A_1 = arith.constant 0 : index
    %get3A_2 = vector.load %arg1[%get3A, %get3A_0, %get3A_1] : memref<2x2048x48xf32, #tpu.memory_space<vmem>>, vector<1x2048x48xf32>
    %get3A_3 = vector.shape_cast %get3A_2 : vector<1x2048x48xf32> to vector<2048x48xf32>
    %get3A_4 = arith.constant 1 : index
    %get3A_5 = arith.constant 0 : index
    %get3A_6 = arith.constant 0 : index
    %get3A_7 = vector.load %arg1[%get3A_4, %get3A_5, %get3A_6] : memref<2x2048x48xf32, #tpu.memory_space<vmem>>, vector<1x2048x48xf32>
    %get3A_8 = vector.shape_cast %get3A_7 : vector<1x2048x48xf32> to vector<2048x48xf32>
    %add3A = arith.addf %get3A_3, %get3A_8 : vector<2048x48xf32>
    %get3A_9 = arith.constant 0 : index
    %get3A_10 = arith.constant 0 : index
    %get3A_11 = vector.load %arg2[%get3A_9, %get3A_10] : memref<2048x48xf32, #tpu.memory_space<vmem>>, vector<2048x48xf32>
    %add3A_12 = arith.addf %add3A, %get3A_11 : vector<2048x48xf32>
    %get3A_13 = arith.constant 0 : index
    %get3A_14 = arith.constant 0 : index
    %get3A_15 = arith.constant 0 : index
    %get3A_16 = vector.load %arg3[%get3A_13, %get3A_14, %get3A_15] : memref<2x2048x16xf32, #tpu.memory_space<vmem>>, vector<1x2048x1xf32>
    %get3A_17 = vector.shape_cast %get3A_16 : vector<1x2048x1xf32> to vector<2048x1xf32>
    %get3A_18 = arith.constant 1 : index
    %get3A_19 = arith.constant 0 : index
    %get3A_20 = arith.constant 0 : index
    %get3A_21 = vector.load %arg3[%get3A_18, %get3A_19, %get3A_20] : memref<2x2048x16xf32, #tpu.memory_space<vmem>>, vector<1x2048x1xf32>
    %get3A_22 = vector.shape_cast %get3A_21 : vector<1x2048x1xf32> to vector<2048x1xf32>
    %add3A_23 = arith.addf %get3A_17, %get3A_22 : vector<2048x1xf32>
    %add3A_24 = arith.constant 1.000000e+00 : f32
    %add3A_25 = vector.broadcast %add3A_24 : f32 to vector<2048x1xf32>
    %add3A_26 = arith.addf %add3A_23, %add3A_25 : vector<2048x1xf32>
    %div3A = vector.broadcast %add3A_26 : vector<2048x1xf32> to vector<2048x48xf32>
    %div3A_27 = arith.divf %add3A_12, %div3A : vector<2048x48xf32>
    %swap3A = arith.constant 0 : index
    %swap3A_28 = arith.constant 0 : index
    %swap3A_29 = vector.load %arg4[%swap3A, %swap3A_28] : memref<2048x48xf32, #tpu.memory_space<vmem>>, vector<2048x48xf32>
    tpu.vector_store %arg4[%swap3A, %swap3A_28], %div3A_27 {strides = array<i32>} : memref<2048x48xf32, #tpu.memory_space<vmem>>, vector<2048x48xf32>,
    return
  }
  func.func @transform_0(%arg0: i32) -> (i32, i32, i32) {
    %c0_i32 = arith.constant 0 : i32
    %c0_i32_0 = arith.constant 0 : i32
    %c0_i32_1 = arith.constant 0 : i32
    return %c0_i32, %arg0, %c0_i32_0 : i32, i32, i32
  }
  func.func @transform_1(%arg0: i32) -> (i32, i32) {
    %c0_i32 = arith.constant 0 : i32
    %c0_i32_0 = arith.constant 0 : i32
    return %arg0, %c0_i32 : i32, i32
  }
  func.func @transform_2(%arg0: i32) -> (i32, i32, i32) {
    %c0_i32 = arith.constant 0 : i32
    %c0_i32_0 = arith.constant 0 : i32
    %c0_i32_1 = arith.constant 0 : i32
    return %c0_i32, %arg0, %c0_i32_0 : i32, i32, i32
  }
  func.func @transform_3(%arg0: i32) -> (i32, i32) {
    %c0_i32 = arith.constant 0 : i32
    %c0_i32_0 = arith.constant 0 : i32
    return %arg0, %c0_i32 : i32, i32
  }
}

module attributes {stable_mosaic.version = 14 : i64} {
  func.func @_final_body(%arg0: i32, %arg1: memref<2x2048x48xf32, #tpu.memory_space<vmem>>, %arg2: memref<2048x48xf32, #tpu.memory_space<vmem>>, %arg3: memref<2x2048x16xf32, #tpu.memory_space<vmem>>, %arg4: memref<1x48xf32, #tpu.memory_space<vmem>>, %arg5: memref<2048x40xf32, #tpu.memory_space<vmem>>) attributes {dimension_semantics = [#tpu.dimension_semantics<arbitrary>], iteration_bounds = array<i64: 5>, scalar_prefetch = 0 : i64, scratch_operands = 0 : i64, tpu.core_type = #tpu.core_type<tc>, window_params = [{transform_indices = @transform_0, window_bounds = array<i64: 2, 2048, 48>}, {transform_indices = @transform_1, window_bounds = array<i64: 2048, 48>}, {transform_indices = @transform_2, window_bounds = array<i64: 2, 2048, 16>}, {pipeline_mode = #tpu.pipeline_mode<synchronous>, transform_indices = @transform_3, window_bounds = array<i64: 1, 48>}, {transform_indices = @transform_4, window_bounds = array<i64: 2048, 40>}]} {
    %get3A = arith.constant 0 : index
    %get3A_0 = arith.constant 0 : index
    %get3A_1 = arith.constant 0 : index
    %get3A_2 = vector.load %arg1[%get3A, %get3A_0, %get3A_1] : memref<2x2048x48xf32, #tpu.memory_space<vmem>>, vector<1x2048x48xf32>
    %get3A_3 = vector.shape_cast %get3A_2 : vector<1x2048x48xf32> to vector<2048x48xf32>
    %get3A_4 = arith.constant 1 : index
    %get3A_5 = arith.constant 0 : index
    %get3A_6 = arith.constant 0 : index
    %get3A_7 = vector.load %arg1[%get3A_4, %get3A_5, %get3A_6] : memref<2x2048x48xf32, #tpu.memory_space<vmem>>, vector<1x2048x48xf32>
    %get3A_8 = vector.shape_cast %get3A_7 : vector<1x2048x48xf32> to vector<2048x48xf32>
    %add3A = arith.addf %get3A_3, %get3A_8 : vector<2048x48xf32>
    %get3A_9 = arith.constant 0 : index
    %get3A_10 = arith.constant 0 : index
    %get3A_11 = vector.load %arg2[%get3A_9, %get3A_10] : memref<2048x48xf32, #tpu.memory_space<vmem>>, vector<2048x48xf32>
    %add3A_12 = arith.addf %add3A, %get3A_11 : vector<2048x48xf32>
    %get3A_13 = arith.constant 0 : index
    %get3A_14 = arith.constant 0 : index
    %get3A_15 = arith.constant 0 : index
    %get3A_16 = vector.load %arg3[%get3A_13, %get3A_14, %get3A_15] : memref<2x2048x16xf32, #tpu.memory_space<vmem>>, vector<1x2048x1xf32>
    %get3A_17 = vector.shape_cast %get3A_16 : vector<1x2048x1xf32> to vector<2048x1xf32>
    %get3A_18 = arith.constant 1 : index
    %get3A_19 = arith.constant 0 : index
    %get3A_20 = arith.constant 0 : index
    %get3A_21 = vector.load %arg3[%get3A_18, %get3A_19, %get3A_20] : memref<2x2048x16xf32, #tpu.memory_space<vmem>>, vector<1x2048x1xf32>
    %get3A_22 = vector.shape_cast %get3A_21 : vector<1x2048x1xf32> to vector<2048x1xf32>
    %add3A_23 = arith.addf %get3A_17, %get3A_22 : vector<2048x1xf32>
    %add3A_24 = arith.constant 1.000000e+00 : f32
    %add3A_25 = vector.broadcast %add3A_24 : f32 to vector<2048x1xf32>
    %add3A_26 = arith.addf %add3A_23, %add3A_25 : vector<2048x1xf32>
    %rsqrt3A = math.rsqrt %add3A_26 : vector<2048x1xf32>
    %mul3A = vector.broadcast %rsqrt3A : vector<2048x1xf32> to vector<2048x48xf32>
    %mul3A_27 = arith.mulf %add3A_12, %mul3A : vector<2048x48xf32>
    %get3A_28 = arith.constant 0 : index
    %get3A_29 = arith.constant 0 : index
    %get3A_30 = vector.load %arg4[%get3A_28, %get3A_29] : memref<1x48xf32, #tpu.memory_space<vmem>>, vector<1x48xf32>
    %add3A_31 = vector.broadcast %get3A_30 : vector<1x48xf32> to vector<2048x48xf32>
    %add3A_32 = arith.addf %mul3A_27, %add3A_31 : vector<2048x48xf32>
    %max3A = arith.constant 0.000000e+00 : f32
    %max3A_33 = vector.broadcast %max3A : f32 to vector<2048x48xf32>
    %max3A_34 = arith.maximumf %add3A_32, %max3A_33 : vector<2048x48xf32>
    %iota3A = tpu.iota {dimensions = array<i32: 1>} : vector<2048x48xi32>
    %lt3A = arith.constant 40 : i32
    %lt3A_35 = vector.broadcast %lt3A : i32 to vector<2048x48xi32>
    %lt3A_36 = arith.cmpi slt, %iota3A, %lt3A_35 : vector<2048x48xi32>
    %jit3A = arith.constant -3.000000e+38 : f32
    %broadcast_in_dim3A = vector.broadcast %jit3A : f32 to vector<2048x48xf32>
    %select_n3A = arith.select %lt3A_36, %max3A_34, %broadcast_in_dim3A : vector<2048x48xi1>, vector<2048x48xf32>
    %reduce_max3A = arith.constant dense<0xFF800000> : vector<2048xf32>
    %reduce_max3A_37 = vector.multi_reduction <maximumf>, %select_n3A, %reduce_max3A [1] : vector<2048x48xf32> to vector<2048xf32>
    %broadcast_in_dim3A_38 = vector.shape_cast %reduce_max3A_37 : vector<2048xf32> to vector<2048x1xf32>
    %sub3A = vector.broadcast %broadcast_in_dim3A_38 : vector<2048x1xf32> to vector<2048x48xf32>
    %sub3A_39 = arith.subf %max3A_34, %sub3A : vector<2048x48xf32>
    %exp3A = math.exp %sub3A_39 : vector<2048x48xf32>
    %jit3A_40 = arith.constant 0.000000e+00 : f32
    %broadcast_in_dim3A_41 = vector.broadcast %jit3A_40 : f32 to vector<2048x48xf32>
    %select_n3A_42 = arith.select %lt3A_36, %exp3A, %broadcast_in_dim3A_41 : vector<2048x48xi1>, vector<2048x48xf32>
    %reduce_sum3A = arith.constant dense<0.000000e+00> : vector<2048xf32>
    %reduce_sum3A_43 = vector.multi_reduction <add>, %select_n3A_42, %reduce_sum3A [1] : vector<2048x48xf32> to vector<2048xf32>
    %broadcast_in_dim3A_44 = vector.shape_cast %reduce_sum3A_43 : vector<2048xf32> to vector<2048x1xf32>
    %sub3A_45 = vector.broadcast %broadcast_in_dim3A_38 : vector<2048x1xf32> to vector<2048x48xf32>
    %sub3A_46 = arith.subf %max3A_34, %sub3A_45 : vector<2048x48xf32>
    %log3A = math.log %broadcast_in_dim3A_44 : vector<2048x1xf32>
    %sub3A_47 = vector.broadcast %log3A : vector<2048x1xf32> to vector<2048x48xf32>
    %sub3A_48 = arith.subf %sub3A_46, %sub3A_47 : vector<2048x48xf32>
    %slice3A = vector.extract_strided_slice %sub3A_48 {offsets = [0, 0], sizes = [2048, 40], strides = [1, 1]} : vector<2048x48xf32> to vector<2048x40xf32>
    %swap3A = arith.constant 0 : index
    %swap3A_49 = arith.constant 0 : index
    %swap3A_50 = vector.load %arg5[%swap3A, %swap3A_49] : memref<2048x40xf32, #tpu.memory_space<vmem>>, vector<2048x40xf32>
    tpu.vector_store %arg5[%swap3A, %swap3A_49], %slice3A {strides = array<i32>} : memref<2048x40xf32, #tpu.memory_space<vmem>>, vector<2048x40xf32>,
    return
  }
  func.func @transform_0(%arg0: i32) -> (i32, i32, i32) {
    %c0_i32 = arith.constant 0 : i32
    %c0_i32_0 = arith.constant 0 : i32
    %c0_i32_1 = arith.constant 0 : i32
    return %c0_i32, %arg0, %c0_i32_0 : i32, i32, i32
  }
  func.func @transform_1(%arg0: i32) -> (i32, i32) {
    %c0_i32 = arith.constant 0 : i32
    %c0_i32_0 = arith.constant 0 : i32
    return %arg0, %c0_i32 : i32, i32
  }
  func.func @transform_2(%arg0: i32) -> (i32, i32, i32) {
    %c0_i32 = arith.constant 0 : i32
    %c0_i32_0 = arith.constant 0 : i32
    %c0_i32_1 = arith.constant 0 : i32
    return %c0_i32, %arg0, %c0_i32_0 : i32, i32, i32
  }
  func.func @transform_3(%arg0: i32) -> (i32, i32) {
    %c0_i32 = arith.constant 0 : i32
    %c0_i32_0 = arith.constant 0 : i32
    %c0_i32_1 = arith.constant 0 : i32
    return %c0_i32, %c0_i32_0 : i32, i32
  }
  func.func @transform_4(%arg0: i32) -> (i32, i32) {
    %c0_i32 = arith.constant 0 : i32
    %c0_i32_0 = arith.constant 0 : i32
    return %arg0, %c0_i32 : i32, i32
  }
}

</mosaic_0001>

<sc_bundles>
// kernel: kernel.11.cloned.1.call-start
scs
__scs_entry_jumppad:
0x0: {  	(pc) =	sbr.rel $0x88, $3  }
0x1: {  	(tag) =	ssettag $0x0;
	lr =	simm.s32 $0x1  }
0x2: {  	[smem:$0x3F9D] =	sst lr;
	_ =	strace $0xD0000000  }
0x3: {  	_ = 	snop  }
0x4: {  	_ = 	snop  }
0x5: {  	_ = 	snop  }
0x6: {  	_ = 	snop  }
0x7: {  	_ = 	snop  }
__scs_overlays_trampoline_lowered:
0x8: {  	[smem:$0x3FAC] =	sst s0  }
0x9: {  	[smem:$0x3FAD] =	sst s1  }
0xa: {  	[smem:$0x3FAE] =	sst s2  }
0xb: {  	[smem:$0x3FAF] =	sst s3  }
0xc: {  	[smem:$0x3FB0] =	sst s4  }
0xd: {  	[smem:$0x3FB1] =	sst s5  }
0xe: {  	[smem:$0x3FB2] =	sst s6  }
0xf: {  	[smem:$0x3FB3] =	sst s7  }
0x10: {  	[smem:$0x3FB4] =	sst s8  }
0x11: {  	[smem:$0x3FB5] =	sst s9;
	s0 =	simm.s32 @!p0 $0x0  }
0x12: {  	s1 =	sld [smem:$0x3F9B];
	s0 =	simm.s32 @p0 $0x1  }
0x13: {  	[smem:$0x3FB6] =	sst s0;
	s0 =	simm.s32 @!p1 $0x0  }
0x14: {  	s2 =	sld [smem:$0x3F9A];
	s0 =	simm.s32 @p1 $0x1  }
0x15: {  	[smem:$0x3FB7] =	sst s0;
	s0 =	simm.s32 @!p2 $0x0  }
0x16: {  	s3 =	sld [smem:$0x3FDB];
	s0 =	simm.s32 @p2 $0x1  }
0x17: {  	s4 =	simm.s32 $0x1BF5;
	[smem:$0x3FB9] =	sst s0  }
0x18: {  	s0 =	sld [smem:$0x3F9C];
	_ =	swait.ge [sflag:s4], $0x0  }
0x19: {  	s7 =	sld [smem:$0x3F9D]  }
0x1a: {  	s8 =	sadd.s32 $0xFFFFE003, lr  }
0x1b: {  	s9 =	sadd.s32 $0xFFFFFEF7, lr;
	s5 =	simm.s32 $0xFFFFFFFF;
	p2 =	slt.u32 s8, $0xFFFFF086  }
0x1c: {  	p1 =	slt.u32 s9, $0xF7A;
	s5 =	simm.s32 @!p2 $0x0  }
0x1d: {  	s5 =	simm.s32 @p1 $0x1;
	p0 =	seq.s32 s7, s2  }
0x1e: {  	s7 =	smul.u32 @!p0 $0xF7A, s2;
	p2 =	seq.s32 @!p0 s5, $0x0  }
0x1f: {  	s9 =	smul.u32 $0xF7A, s1;
	s8 =	simm.s32 @!p0 $0x1BF5;
	p2 =	por !p2, p0  }
0x20: {  	[sflag:s8] =	ssyncset.s32 @!p0 $0xFFFFF086;
	s6 =	sadd.s32 @!p0 s3, s7;
	s7 =	simm.s32 @!p0 $0x108  }
0x21: {  	s3 =	sadd.s32 s3, s9;
	s6 =	sadd.s32 @!p0 $0x88, s6;
	s7 =	simm.s32 @p2 $0x1082  }
0x22: {  	[simem:s7], [sflag:s8] =	dma.local @!p0 [hbm:s6], $0xF7A  }
0x23: {  	s9 =	sor.u32 $0xD0000000, s2;
	s6 =	simm.s32 $0x108;
	_ =	swait.ge @!p0 [sflag:s8], $0x0  }
0x24: {  	s3 =	sadd.s32 $0x88, s3;
	s6 =	simm.s32 @!p1 $0x1082;
	[sflag:s4] =	ssyncset.s32 $0xFFFFF086  }
0x25: {  	[simem:s6], [sflag:s4] =	dma.local [hbm:s3], $0xF7A  }
0x26: {  	[smem:$0x3F9D] =	sst s1;
	(tag) =	ssettag s2;
	_ =	strace s9  }
0x27: {  	s1 =	sld [smem:$0x3FAD]  }
0x28: {  	s2 =	sld [smem:$0x3FAE]  }
0x29: {  	s4 =	sld [smem:$0x3FB0]  }
0x2a: {  	p0 =	seq.s32 s5, $0x0;
	s5 =	sld [smem:$0x3FB1]  }
0x2b: {  	s6 =	sld [smem:$0x3FB2]  }
0x2c: {  	s7 =	sld [smem:$0x3FB3]  }
0x2d: {  	s3 =	simm.s32 $0x108;
	s8 =	sld [smem:$0x3FB4]  }
0x2e: {  	s3 =	simm.s32 @!p0 $0x1082;
	s9 =	sld [smem:$0x3FB5]  }
0x2f: {  	lr =	sadd.s32 s0, s3;
	s0 =	sld [smem:$0x3FAC]  }
0x30: {  	s3 =	sld [smem:$0x3FAF]  }
0x31: {  	[smem:$0x3FB8] =	sst s10  }
0x32: {  	s10 =	sld [smem:$0x3FB6];
	_ =	sdelay $0x3  }
0x33: {  	p0 =	seq.s32 s10, $0x1;
	s10 =	sld [smem:$0x3FB8];
	_ =	sdelay $0x3  }
0x34: {  	[smem:$0x3FB8] =	sst s10  }
0x35: {  	s10 =	sld [smem:$0x3FB7];
	_ =	sdelay $0x3  }
0x36: {  	p1 =	seq.s32 s10, $0x1;
	s10 =	sld [smem:$0x3FB8];
	_ =	sdelay $0x3  }
0x37: {  	[smem:$0x3FB8] =	sst s10  }
0x38: {  	s10 =	sld [smem:$0x3FB9]  }
0x39: {  	_ = 	snop;
	(pc) =	sbr.ind lr, $3  }
0x3a: {  	_ = 	snop  }
0x3b: {  	_ = 	snop  }
0x3c: {  	p2 =	seq.s32 s10, $0x1;
	s10 =	sld [smem:$0x3FB8]  }
0x3d: {  	_ =	shalt  }
0x3e: {  	_ =	shalt  }
0x3f: {  	_ =	shalt  }
0x40: {  	_ =	shalt  }
0x41: {  	_ =	shalt  }
0x42: {  	_ =	shalt  }
0x43: {  	_ =	shalt  }
0x44: {  	_ =	shalt  }
0x45: {  	_ =	shalt  }
0x46: {  	_ =	shalt  }
0x47: {  	_ =	shalt  }
0x48: {  	_ =	shalt  }
0x49: {  	_ =	shalt  }
0x4a: {  	_ =	shalt  }
0x4b: {  	_ =	shalt  }
0x4c: {  	_ =	shalt  }
0x4d: {  	_ =	shalt  }
0x4e: {  	_ =	shalt  }
0x4f: {  	_ =	shalt  }
0x50: {  	_ =	shalt  }
0x51: {  	_ =	shalt  }
0x52: {  	_ =	shalt  }
0x53: {  	_ =	shalt  }
0x54: {  	_ =	shalt  }
0x55: {  	_ =	shalt  }
0x56: {  	_ =	shalt  }
0x57: {  	_ =	shalt  }
0x58: {  	_ =	shalt  }
0x59: {  	_ =	shalt  }
0x5a: {  	_ =	shalt  }
0x5b: {  	_ =	shalt  }
0x5c: {  	_ =	shalt  }
0x5d: {  	_ =	shalt  }
0x5e: {  	_ =	shalt  }
0x5f: {  	_ =	shalt  }
0x60: {  	_ =	shalt  }
0x61: {  	_ =	shalt  }
0x62: {  	_ =	shalt  }
0x63: {  	_ =	shalt  }
0x64: {  	_ =	shalt  }
0x65: {  	_ =	shalt  }
0x66: {  	_ =	shalt  }
0x67: {  	_ =	shalt  }
0x68: {  	_ =	shalt  }
0x69: {  	_ =	shalt  }
0x6a: {  	_ =	shalt  }
0x6b: {  	_ =	shalt  }
0x6c: {  	_ =	shalt  }
0x6d: {  	_ =	shalt  }
0x6e: {  	_ =	shalt  }
0x6f: {  	_ =	shalt  }
0x70: {  	_ =	shalt  }
0x71: {  	_ =	shalt  }
0x72: {  	_ =	shalt  }
0x73: {  	_ =	shalt  }
0x74: {  	_ =	shalt  }
0x75: {  	_ =	shalt  }
0x76: {  	_ =	shalt  }
0x77: {  	_ =	shalt  }
0x78: {  	_ =	shalt  }
0x79: {  	_ =	shalt  }
0x7a: {  	_ =	shalt  }
0x7b: {  	_ =	shalt  }
0x7c: {  	_ =	shalt  }
0x7d: {  	_ =	shalt  }
0x7e: {  	_ =	shalt  }
0x7f: {  	_ =	shalt  }
0x80: {  	_ =	shalt  }
0x81: {  	_ =	shalt  }
0x82: {  	_ =	shalt  }
0x83: {  	_ =	shalt  }
0x84: {  	_ =	shalt  }
0x85: {  	_ =	shalt  }
0x86: {  	_ =	shalt  }
0x87: {  	_ =	shalt  }
.Lfunc_end0:
.L_simem_size_0:
called_computation.1_lowered:
.L_overlay_start_0:
0x88: {  	s2 =	sld [smem:$0x3FD9]  }
0x89: {  	s3 =	sld [smem:$0x3FFE];
	_ =	sdelay $0x1  }
0x8a: {  	s1 =	srdreg.scid  }
0x8b: {  	s0 =	sand.u32 $0x1, s1  }
0x8c: {  	s17 =	sshll.u32 s0, $0xA;
	s2 =	sadd.s32 s3, s2  }
0x8d: {  	s2 =	sadd.s32 s2, s17  }
0x8e: {  	[smem:$0x3FC4] =	sst s2  }
0x8f: {  	_ = 	snop  }
0x90: {  	s2 =	sld [smem:$0x3FD0];
	(tm) =	ssettm $0x1  }
0x91: {  	s18 =	sld [smem:$0x3FFB];
	_ =	sdelay $0x3  }
0x92: {  	_ =	strace s18  }
0x93: {  	s3 =	sld [smem:$0x3FFC];
	_ =	sdelay $0x3  }
0x94: {  	_ =	strace s3  }
0x95: {  	s3 =	sld [smem:$0x3FFD];
	_ =	sdelay $0x3  }
0x96: {  	_ =	strace s3  }
0x97: {  	_ =	strace $0x8FFFFFFF  }
0x98: {  	s19 =	sld [smem:$0x3FDB];
	_ =	sdelay $0x1  }
0x99: {  	s4 =	simm.s32 $_scs_section_size  }
0x9a: {  	s5 =	simm.s32 $_size__tile_overlayer_lowered;
	s6 =	simm.s32 $_tile_overlayer_lowered  }
0x9b: {  	s22 =	simm.s32 $0x1BFF;
	s21 =	sshll.u32 s6, $0x1;
	s3 =	sadd.s32 s4, s19  }
0x9c: {  	s7 =	simm.s32 $0x0;
	s20 =	sshll.u32 s5, $0x1;
	s5 =	sadd.s32 s21, s3  }
0x9d: {  	[timem:s7], [sflag:s22] =	dma.local [hbm:s5], s20  }
0x9e: {  	_ =	swait.ge [sflag:s22], s20  }
0x9f: {  	s4 =	ssub.s32 $0x0, s20;
	[sflag:s22] =	ssyncset.done $0x0  }
0xa0: {  	[sflag:s22] =	ssyncadd.s32 s4;
	_ =	sdelay $0x1  }
0xa1: {  	s23 =	simm.s32 $0x1B8B  }
0xa2: {  	_ =	swait.ge [sflag:s23], $0x1  }
0xa3: {  	[sflag:s23] =	ssyncset.done $0x0  }
0xa4: {  	s25 =	simm.s32 $0x1B8E;
	s24 =	sld [smem:$0x3FFE];
	[sflag:s23] =	ssyncadd.s32 $0xFFFFFFFF  }
0xa5: {  	s26 =	simm.s32 $execute0_lowered;
	[smem:$0x3FD2] =	sst s25  }
0xa6: {  	s5 =	sshll.u32 s26, $0x1;
	_ =	strace $0x80000049;
	[dreg:$0x1] =	wrdreg $0xFFFFFFFF  }
0xa7: {  	s28 =	simm.s32 $_size_execute0_lowered;
	s3 =	sadd.s32 s3, s5;
	[dreg:$0x0] =	wrdreg $0x0  }
0xa8: {  	s5 =	sshll.u32 s28, $0x1;
	[dreg:$0x2] =	wrdreg s3  }
0xa9: {  	[dreg:$0x3] =	wrdreg s5  }
0xaa: {  	[dreg:$0x4] =	wrdreg $0xC0  }
0xab: {  	_ =	task [dreg:s7], $0x5FFFF  }
0xac: {  	[dreg:$0x1] =	wrdreg $0xFFFFFFFF  }
0xad: {  	[dreg:$0x0] =	wrdreg $0x60  }
0xae: {  	[dreg:$0x2] =	wrdreg s24  }
0xaf: {  	[dreg:$0x3] =	wrdreg s2  }
0xb0: {  	[dreg:$0x4] =	wrdreg $0xC8000  }
0xb1: {  	[dreg:$0x5] =	wrdreg $0x140000  }
0xb2: {  	[dreg:$0x6] =	wrdreg $0x9  }
0xb3: {  	_ =	task.clear_ibuf [dreg:s7], $0x7FFFF;
	_ =	strace $0x90000049  }
0xb4: {  	s29 =	simm.s32 $0x9;
	_ =	strace $0x8000004B  }
0xb5: {  	_ =	swait.ge [sflag:s29], $0x1  }
0xb6: {  	[sflag:s29] =	ssyncadd.s32 $0xFFFFFFFF  }
0xb7: {  	_ =	strace $0x9000004B  }
0xb8: {  	_ =	sfence  }
0xb9: {  	s30 =	sld [smem:$0x0];
	_ =	sdelay $0x2  }
0xba: {  	s31 =	sshll.u32 s1, $0xD;
	s1 =	sshrl.u32 s1, $0x2  }
0xbb: {  	s3 =	sand.u32 $0x4000, s31;
	s1 =	sadd.s32 s1, s30  }
0xbc: {  	s0 =	sor.u32 s3, s0;
	s1 =	sshll.u32 s1, $0x11  }
0xbd: {  	s0 =	sor.u32 s1, s0  }
0xbe: {  	s0 =	sadd.s32 $0x8F2B, s0  }
0xbf: {  	[sflag:s0] =	ssyncadd.remote.s32 $0x1  }
0xc0: {  	_ =	sfence.sel $0xFFFF  }
0xc1: {  	[dreg:$0x0] =	wrdreg $0xFFFFFFFF;
	(pc) =	sbr.abs _section_cstart, $3  }
0xc2: {  	[dreg:$0x1] =	wrdreg $0xFFFFFFFF  }
0xc3: {  	_ =	task.clear_ibuf [dreg:s7], $0x2FFFF;
	_ =	strace $0x9FFFFFFF  }
0xc4: {  	(tm) =	ssettm $0x7FFFFFFF  }
0xc5: {  	_ =	shalt  }
tec
execute0_lowered:
.L_overlay_start_1:
0x0: {  	(tag) =	ssettag $0x1  }
0x1: {  	s0 =	rddreg [dreg:$0x0]  }
0x2: {  	s2 =	rddreg [dreg:$0x1]  }
0x3: {  	s1 =	rddreg [dreg:$0x2];
	s4 =	srdreg.scid  }
0x4: {  	s3 =	rddreg [dreg:$0x3];
	s12 =	stileid.u32;
	s6 =	simm.s32 $0x0  }
0x5: {  	s16 =	simm.s32 $0x9;
	s17 =	simm.s32 $0xB000;
	s18 =	simm.s32 $0x2800  }
0x6: {  	s19 =	simm.s32 $0x80;
	s20 =	simm.s32 $0x5000;
	s28 =	simm.s32 $0x8  }
0x7: {  	s29 =	simm.s32 $0x9800;
	s30 =	simm.s32 $0x2;
	s31 =	simm.s32 $0x5  }
0x8: {  	s4 =	sand.u32 $0x1, s4;
	s7 =	smul.u32 $0x7800, s12;
	[smem:$0x7FF] =	sst s6  }
0x9: {  	s22 =	sshll.u32 s12, $0x6;
	s23 =	smul.u32 $0x1E000, s12;
	s5 =	sshll.u32 s4, $0x4  }
0xa: {  	s21 =	smul.u32 $0xF000, s4;
	s4 =	ssub.s32 $0x2, s4;
	_ =	strace $0x8000004A  }
0xb: {  	s6 =	sor.u32 $0x1C09, s22;
	s22 =	simm.s32 $0x100;
	s5 =	sor.u32 s12, s5  }
0xc: {  	s8 =	sshrl.u32 s7, $0x3;
	s10 =	sshrl.u32 s4, $0x1;
	s15 =	sadd.s32 s7, s1  }
0xd: {  	s25 =	sshrl.u32 s23, $0x2;
	s26 =	sadd.s32 s7, s3;
	s7 =	simm.s32 $0x0  }
0xe: {  	s5 =	smul.u32 $0x500, s5;
	s9 =	sadd.s32 s8, s0;
	s4 =	ssub.s32 s4, s10  }
0xf: {  	s10 =	sadd.s32 s25, s3;
	s15 =	sshrl.u32 s15, $0x3;
	s25 =	sshrl.u32 s26, $0x3  }
0x10: {  	s26 =	simm.s32 $0x1;
	s9 =	sadd.s32 $0x8D600, s9;
	s4 =	smax.u32 s4, $0x1  }
0x11: {  	s12 =	sadd.s32 $0x3000, s10;
	s13 =	sadd.s32 $0x4800, s10;
	s14 =	sadd.s32 $0x6000, s10  }
0x12: {  	s11 =	sadd.s32 s5, s0;
	s0 =	sadd.s32 s21, s0;
	[dreg:$0x5] =	wrdreg s9  }
0x13: {  	s2 =	sadd.s32 s2, s5;
	[dreg:$0x8] =	wrdreg s4;
	s21 =	simm.s32 $0x6800  }
0x14: {  	s4 =	simm.s32 $0x4;
	s24 =	sadd.s32 $0xB600, s11;
	[dreg:$0x7] =	wrdreg s2  }
0x15: {  	s0 =	sadd.s32 $0x9C600, s0;
	s2 =	sadd.s32 $0x1800, s10;
	[dreg:$0x6] =	wrdreg s24  }
0x16: {  	s5 =	simm.s32 $0x7;
	[dreg:$0x9] =	wrdreg s2;
	s23 =	sadd.s32 s8, s0  }
0x17: {  	v0 =	vimm.f32 $0.0e+00;
	s24 =	simm.s32 $0x8000;
	s0 =	simm.s32 $0x3;
	s2 =	simm.s32 $0x6  }
.LBB2_1:
0x18: {  	s8 =	rddreg [dreg:$0x5]  }
0x19: {  	[spmem:s15], [sflag:s6] =	dma.local [hbm:s8], $0xF00  }
0x1a: {  	_ =	swait.ge [sflag:s16], $0xF00  }
0x1b: {  	[sflag:s16] =	ssyncset.done $0x0  }
0x1c: {  	s9 =	simm.s32 $0x0;
	s8 =	simm.s32 $0xC0;
	[sflag:s16] =	ssyncadd.s32 $0xFFFFF100  }
.LBB2_2:
0x1d: {  	p0 =	sne.s32 s8, $0x5F40;
	[tilespmem:s9+$0xB020] =	vst v0;
	s11 =	smov.u32 s8;
	s8 =	sadd.s32 $0xC0, s8  }
.Ltmp0:
0x1e: {  	[tilespmem:s9+$0xB000] =	vst v0;
	(pc) =	sbr.rel @p0 .LBB2_2-.Ltmp0, $2  }
0x1f: {  	[tilespmem:s9+$0xB010] =	vst v0;
	_ =	sdelay $0x2  }
0x20: {  	s9 =	sshra.s32 s11, $0x2  }
0x21: {  	[tilespmem:s9+$0xB020] =	vst v0  }
0x22: {  	[tilespmem:s9+$0xB000] =	vst v0  }
0x23: {  	[tilespmem:s9+$0xB010] =	vst v0  }
0x24: {  	[spmem:s10] =	stream.linear.scatter [tilespmem:s17], [sflag:$0x9], $0x1800, $0x38;
	[tilespmem:$0x1B800] =	vst v63  }
0x25: {  	_ =	swait.ge [sflag:s16], $0x1800  }
0x26: {  	[sflag:s16] =	ssyncset.done $0x0  }
0x27: {  	s8 =	rddreg [dreg:$0x9];
	[sflag:s16] =	ssyncadd.s32 $0xFFFFE800  }
0x28: {  	[spmem:s8] =	stream.linear.scatter [tilespmem:s17], [sflag:$0x9], $0x1800, $0x38;
	[tilespmem:$0x1B800] =	vst v63  }
0x29: {  	_ =	swait.ge [sflag:s16], $0x1800  }
0x2a: {  	[sflag:s16] =	ssyncset.done $0x0  }
0x2b: {  	[sflag:s16] =	ssyncadd.s32 $0xFFFFE800  }
0x2c: {  	[spmem:s12] =	stream.linear.scatter [tilespmem:s17], [sflag:$0x9], $0x1800, $0x38;
	[tilespmem:$0x1B800] =	vst v63  }
0x2d: {  	_ =	swait.ge [sflag:s16], $0x1800  }
0x2e: {  	[sflag:s16] =	ssyncset.done $0x0  }
0x2f: {  	[sflag:s16] =	ssyncadd.s32 $0xFFFFE800  }
0x30: {  	[spmem:s13] =	stream.linear.scatter [tilespmem:s17], [sflag:$0x9], $0x1800, $0x38;
	[tilespmem:$0x1B800] =	vst v63  }
0x31: {  	_ =	swait.ge [sflag:s16], $0x1800  }
0x32: {  	[sflag:s16] =	ssyncset.done $0x0  }
0x33: {  	[sflag:s16] =	ssyncadd.s32 $0xFFFFE800  }
0x34: {  	[spmem:s14] =	stream.linear.scatter [tilespmem:s17], [sflag:$0x9], $0x1800, $0x38;
	[tilespmem:$0x1B800] =	vst v63  }
0x35: {  	_ =	swait.ge [sflag:s16], $0x1800  }
0x36: {  	[sflag:s16] =	ssyncset.done $0x0  }
0x37: {  	s8 =	simm.s32 $0x0;
	s11 =	rddreg [dreg:$0x6];
	[sflag:s16] =	ssyncadd.s32 $0xFFFFE800  }
0x38: {  	[tilespmem:s8], [sflag:$0x9] =	stream.linear.gather [hbm4b:s11+s8], $0x2800, $0x38;
	[tilespmem:$0x1B800] =	vst v63  }
0x39: {  	_ =	swait.ge [sflag:s16], $0x2800  }
0x3a: {  	[sflag:s16] =	ssyncset.done $0x0  }
0x3b: {  	s11 =	rddreg [dreg:$0x7];
	[sflag:s16] =	ssyncadd.s32 $0xFFFFD800  }
0x3c: {  	[tilespmem:s18], [sflag:$0x9] =	stream.linear.gather [hbm4b:s11+s8], $0x2800, $0x38;
	[tilespmem:$0x1B800] =	vst v63  }
0x3d: {  	_ =	swait.ge [sflag:s16], $0x2800  }
0x3e: {  	[sflag:s16] =	ssyncset.done $0x0  }
0x3f: {  	[sflag:s16] =	ssyncadd.s32 $0xFFFFD800  }
0x40: {  	[bflag:$0x0] =	sbarrier.arrive $0xFFFF  }
0x41: {  	[tilespmem:s20], [sflag:$0x1] =	stream.indirect.gather [spmem:s1], $0x30, s8, s19, $0xb8;
	[tilespmem:$0x1B800] =	vst v63  }
0x42: {  	_ = 	snop  }
0x43: {  	[tilespmem:s21], [sflag:$0x2] =	stream.indirect.gather [spmem:s1], $0x30, s19, s19, $0xb8;
	[tilespmem:$0x1B800] =	vst v63  }
0x44: {  	_ = 	snop  }
0x45: {  	[tilespmem:s24], [sflag:$0x3] =	stream.indirect.gather [spmem:s1], $0x30, s22, s19, $0xb8;
	[tilespmem:$0x1B800] =	vst v63  }
0x46: {  	_ = 	snop  }
0x47: {  	[spmem:s3] =	stream.indirect.scatter.add.f32 [tilespmem:s17], [sflag:$0x8], $0x30, s18, s19, $0xb8;
	[tilespmem:$0x1B800] =	vst v63  }
0x48: {  	_ =	swait.ge [sflag:s26], $0x1800  }
0x49: {  	[sflag:s26] =	ssyncset.done $0x0  }
0x4a: {  	s11 =	simm.s32 $0x2800;
	[sflag:s26] =	ssyncadd.s32 $0xFFFFE800  }
0x4b: {  	[spmem:s3] =	stream.indirect.scatter.add.f32 [tilespmem:s20], [sflag:$0x5], $0x30, s11, s19, $0xb8;
	[tilespmem:$0x1B800] =	vst v63  }
0x4c: {  	_ =	swait.ge [sflag:s28], $0x1800  }
0x4d: {  	[sflag:s28] =	ssyncset.done $0x0  }
0x4e: {  	s9 =	simm.s32 $0x180;
	[sflag:s28] =	ssyncadd.s32 $0xFFFFE800  }
0x4f: {  	[tilespmem:s29], [sflag:$0x4] =	stream.indirect.gather [spmem:s1], $0x30, s9, s19, $0xb8;
	[tilespmem:$0x1B800] =	vst v63  }
0x50: {  	_ =	swait.ge [sflag:s30], $0x1800  }
0x51: {  	[sflag:s30] =	ssyncset.done $0x0  }
0x52: {  	s11 =	simm.s32 $0x2880;
	[sflag:s30] =	ssyncadd.s32 $0xFFFFE800  }
0x53: {  	[spmem:s3] =	stream.indirect.scatter.add.f32 [tilespmem:s21], [sflag:$0x6], $0x30, s11, s19, $0xb8;
	[tilespmem:$0x1B800] =	vst v63  }
0x54: {  	_ =	swait.ge [sflag:s31], $0x1800  }
0x55: {  	[sflag:s31] =	ssyncset.done $0x0  }
0x56: {  	s9 =	simm.s32 $0x200;
	[sflag:s31] =	ssyncadd.s32 $0xFFFFE800  }
0x57: {  	[tilespmem:s20], [sflag:$0x1] =	stream.indirect.gather [spmem:s1], $0x30, s9, s19, $0xb8;
	[tilespmem:$0x1B800] =	vst v63  }
0x58: {  	_ =	swait.ge [sflag:s0], $0x1800  }
0x59: {  	[sflag:s0] =	ssyncset.done $0x0  }
0x5a: {  	s11 =	simm.s32 $0x2900;
	[sflag:s0] =	ssyncadd.s32 $0xFFFFE800  }
0x5b: {  	[spmem:s3] =	stream.indirect.scatter.add.f32 [tilespmem:s24], [sflag:$0x7], $0x30, s11, s19, $0xb8;
	[tilespmem:$0x1B800] =	vst v63  }
0x5c: {  	_ =	swait.ge [sflag:s2], $0x1800  }
0x5d: {  	[sflag:s2] =	ssyncset.done $0x0  }
0x5e: {  	s9 =	simm.s32 $0x280;
	[sflag:s2] =	ssyncadd.s32 $0xFFFFE800  }
0x5f: {  	[tilespmem:s21], [sflag:$0x2] =	stream.indirect.gather [spmem:s1], $0x30, s9, s19, $0xb8;
	[tilespmem:$0x1B800] =	vst v63  }
0x60: {  	_ =	swait.ge [sflag:s4], $0x1800  }
0x61: {  	[sflag:s4] =	ssyncset.done $0x0  }
0x62: {  	s11 =	simm.s32 $0x2980;
	[sflag:s4] =	ssyncadd.s32 $0xFFFFE800  }
0x63: {  	[spmem:s3] =	stream.indirect.scatter.add.f32 [tilespmem:s29], [sflag:$0x8], $0x30, s11, s19, $0xb8;
	[tilespmem:$0x1B800] =	vst v63  }
0x64: {  	_ =	swait.ge [sflag:s5], $0x1800  }
0x65: {  	[sflag:s5] =	ssyncset.done $0x0  }
0x66: {  	s8 =	simm.s32 $0x800;
	s9 =	simm.s32 $0x300;
	[sflag:s5] =	ssyncadd.s32 $0xFFFFE800  }
.LBB2_4:
0x67: {  	[tilespmem:s24], [sflag:$0x3] =	stream.indirect.gather [spmem:s1], $0x30, s9, s19, $0xb8;
	[tilespmem:$0x1B800] =	vst v63  }
0x68: {  	s9 =	smov.u32 s8  }
0x69: {  	p0 =	sne.s32 s8, $0x9000;
	s8 =	sadd.s32 $0x800, s8;
	_ =	swait.ge [sflag:s26], $0x1800  }
0x6a: {  	s9 =	sshra.s32 s9, $0x2;
	[sflag:s26] =	ssyncset.done $0x0  }
0x6b: {  	s11 =	sadd.s32 $0x2800, s9;
	[sflag:s26] =	ssyncadd.s32 $0xFFFFE800  }
0x6c: {  	[spmem:s3] =	stream.indirect.scatter.add.f32 [tilespmem:s20], [sflag:$0x5], $0x30, s11, s19, $0xb8;
	[tilespmem:$0x1B800] =	vst v63  }
0x6d: {  	_ =	swait.ge [sflag:s28], $0x1800  }
0x6e: {  	[sflag:s28] =	ssyncset.done $0x0  }
0x6f: {  	s11 =	sadd.s32 $0x180, s9;
	[sflag:s28] =	ssyncadd.s32 $0xFFFFE800  }
0x70: {  	[tilespmem:s29], [sflag:$0x4] =	stream.indirect.gather [spmem:s1], $0x30, s11, s19, $0xb8;
	[tilespmem:$0x1B800] =	vst v63  }
0x71: {  	_ =	swait.ge [sflag:s30], $0x1800  }
0x72: {  	[sflag:s30] =	ssyncset.done $0x0  }
0x73: {  	s11 =	sadd.s32 $0x2880, s9;
	[sflag:s30] =	ssyncadd.s32 $0xFFFFE800  }
0x74: {  	[spmem:s3] =	stream.indirect.scatter.add.f32 [tilespmem:s21], [sflag:$0x6], $0x30, s11, s19, $0xb8;
	[tilespmem:$0x1B800] =	vst v63  }
0x75: {  	_ =	swait.ge [sflag:s31], $0x1800  }
0x76: {  	[sflag:s31] =	ssyncset.done $0x0  }
0x77: {  	s11 =	sadd.s32 $0x200, s9;
	[sflag:s31] =	ssyncadd.s32 $0xFFFFE800  }
0x78: {  	[tilespmem:s20], [sflag:$0x1] =	stream.indirect.gather [spmem:s1], $0x30, s11, s19, $0xb8;
	[tilespmem:$0x1B800] =	vst v63  }
0x79: {  	_ =	swait.ge [sflag:s0], $0x1800  }
0x7a: {  	[sflag:s0] =	ssyncset.done $0x0  }
0x7b: {  	s11 =	sadd.s32 $0x2900, s9;
	[sflag:s0] =	ssyncadd.s32 $0xFFFFE800  }
0x7c: {  	[spmem:s3] =	stream.indirect.scatter.add.f32 [tilespmem:s24], [sflag:$0x7], $0x30, s11, s19, $0xb8;
	[tilespmem:$0x1B800] =	vst v63  }
0x7d: {  	_ =	swait.ge [sflag:s2], $0x1800  }
0x7e: {  	[sflag:s2] =	ssyncset.done $0x0  }
0x7f: {  	s11 =	sadd.s32 $0x280, s9;
	[sflag:s2] =	ssyncadd.s32 $0xFFFFE800  }
0x80: {  	[tilespmem:s21], [sflag:$0x2] =	stream.indirect.gather [spmem:s1], $0x30, s11, s19, $0xb8;
	[tilespmem:$0x1B800] =	vst v63  }
0x81: {  	_ =	swait.ge [sflag:s4], $0x1800  }
0x82: {  	[sflag:s4] =	ssyncset.done $0x0  }
.Ltmp1:
0x83: {  	s11 =	sadd.s32 $0x2980, s9;
	[sflag:s4] =	ssyncadd.s32 $0xFFFFE800;
	(pc) =	sbr.rel @p0 .LBB2_4-.Ltmp1, $4  }
0x84: {  	[spmem:s3] =	stream.indirect.scatter.add.f32 [tilespmem:s29], [sflag:$0x8], $0x30, s11, s19, $0xb8;
	[tilespmem:$0x1B800] =	vst v63  }
0x85: {  	_ =	swait.ge [sflag:s5], $0x1800  }
0x86: {  	[sflag:s5] =	ssyncset.done $0x0  }
0x87: {  	s9 =	sadd.s32 $0x300, s9;
	[sflag:s5] =	ssyncadd.s32 $0xFFFFE800  }
0x88: {  	[tilespmem:s24], [sflag:$0x3] =	stream.indirect.gather [spmem:s1], $0x30, s9, s19, $0xb8;
	[tilespmem:$0x1B800] =	vst v63  }
0x89: {  	_ =	swait.ge [sflag:s26], $0x1800  }
0x8a: {  	[sflag:s26] =	ssyncset.done $0x0  }
0x8b: {  	s8 =	simm.s32 $0x4E00;
	[sflag:s26] =	ssyncadd.s32 $0xFFFFE800  }
0x8c: {  	[spmem:s3] =	stream.indirect.scatter.add.f32 [tilespmem:s20], [sflag:$0x5], $0x30, s8, s19, $0xb8;
	[tilespmem:$0x1B800] =	vst v63  }
0x8d: {  	_ =	swait.ge [sflag:s28], $0x1800  }
0x8e: {  	[sflag:s28] =	ssyncset.done $0x0  }
0x8f: {  	s9 =	simm.s32 $0x2780;
	[sflag:s28] =	ssyncadd.s32 $0xFFFFE800  }
0x90: {  	[tilespmem:s29], [sflag:$0x4] =	stream.indirect.gather [spmem:s1], $0x30, s9, s19, $0xb8;
	[tilespmem:$0x1B800] =	vst v63  }
0x91: {  	_ =	swait.ge [sflag:s30], $0x1800  }
0x92: {  	[sflag:s30] =	ssyncset.done $0x0  }
0x93: {  	s11 =	simm.s32 $0x4E80;
	[sflag:s30] =	ssyncadd.s32 $0xFFFFE800  }
0x94: {  	[spmem:s3] =	stream.indirect.scatter.add.f32 [tilespmem:s21], [sflag:$0x6], $0x30, s11, s19, $0xb8;
	[tilespmem:$0x1B800] =	vst v63  }
0x95: {  	_ =	swait.ge [sflag:s31], $0x1800  }
0x96: {  	[sflag:s31] =	ssyncset.done $0x0  }
0x97: {  	s9 =	simm.s32 $0x0;
	[sflag:s31] =	ssyncadd.s32 $0xFFFFE800  }
0x98: {  	[tilespmem:s20], [sflag:$0x1] =	stream.indirect.gather [spmem:s1], $0x30, s9, s19, $0xb8;
	[tilespmem:$0x1B800] =	vst v63  }
0x99: {  	_ =	swait.ge [sflag:s0], $0x1800  }
0x9a: {  	[sflag:s0] =	ssyncset.done $0x0  }
0x9b: {  	s11 =	simm.s32 $0x4F00;
	[sflag:s0] =	ssyncadd.s32 $0xFFFFE800  }
0x9c: {  	[spmem:s3] =	stream.indirect.scatter.add.f32 [tilespmem:s24], [sflag:$0x7], $0x30, s11, s19, $0xb8;
	[tilespmem:$0x1B800] =	vst v63  }
0x9d: {  	_ =	swait.ge [sflag:s2], $0x1800  }
0x9e: {  	[sflag:s2] =	ssyncset.done $0x0  }
0x9f: {  	[sflag:s2] =	ssyncadd.s32 $0xFFFFE800  }
0xa0: {  	[tilespmem:s21], [sflag:$0x2] =	stream.indirect.gather [spmem:s1], $0x30, s19, s19, $0xb8;
	[tilespmem:$0x1B800] =	vst v63  }
0xa1: {  	_ =	swait.ge [sflag:s4], $0x1800  }
0xa2: {  	[sflag:s4] =	ssyncset.done $0x0  }
0xa3: {  	s9 =	simm.s32 $0x4F80;
	[sflag:s4] =	ssyncadd.s32 $0xFFFFE800  }
0xa4: {  	[spmem:s3] =	stream.indirect.scatter.add.f32 [tilespmem:s29], [sflag:$0x8], $0x30, s9, s19, $0xb8;
	[tilespmem:$0x1B800] =	vst v63  }
0xa5: {  	_ =	swait.ge [sflag:s5], $0x1800  }
0xa6: {  	[sflag:s5] =	ssyncset.done $0x0  }
0xa7: {  	[sflag:s5] =	ssyncadd.s32 $0xFFFFE800  }
0xa8: {  	[tilespmem:s24], [sflag:$0x3] =	stream.indirect.gather [spmem:s1], $0x30, s22, s19, $0xb8;
	[tilespmem:$0x1B800] =	vst v63  }
0xa9: {  	_ =	swait.ge [sflag:s26], $0x1800  }
0xaa: {  	[sflag:s26] =	ssyncset.done $0x0  }
0xab: {  	[sflag:s26] =	ssyncadd.s32 $0xFFFFE800  }
0xac: {  	_ =	swait.ge [sflag:s30], $0x1800  }
0xad: {  	[sflag:s30] =	ssyncset.done $0x0  }
0xae: {  	[sflag:s30] =	ssyncadd.s32 $0xFFFFE800  }
0xaf: {  	_ =	swait.ge [sflag:s0], $0x1800  }
0xb0: {  	[sflag:s0] =	ssyncset.done $0x0  }
0xb1: {  	[sflag:s0] =	ssyncadd.s32 $0xFFFFE800  }
0xb2: {  	_ =	swait.ge [sflag:s28], $0x1800  }
0xb3: {  	[sflag:s28] =	ssyncset.done $0x0  }
0xb4: {  	[sflag:s28] =	ssyncadd.s32 $0xFFFFE800  }
0xb5: {  	[bflag:$0x0] =	sbarrier.arrive $0xFFFF  }
0xb6: {  	[hbm:s23], [sflag:s6] =	dma.local [spmem:s25], $0xF00  }
0xb7: {  	_ =	swait.ge [sflag:s16], $0xF00  }
0xb8: {  	s7 =	sadd.s32 $0x1, s7;
	s11 =	rddreg [dreg:$0x8]  }
0xb9: {  	p0 =	sne.s32 s7, s11  }
.Ltmp2:
0xba: {  	_ = 	snop;
	(pc) =	sbr.rel @p0 .LBB2_1-.Ltmp2, $3  }
0xbb: {  	_ =	sdelay $0x1  }
0xbc: {  	[sflag:s16] =	ssyncset.done $0x0  }
0xbd: {  	[sflag:s16] =	ssyncadd.s32 $0xFFFFF100  }
0xbe: {  	_ =	sfence.sel $0x180000  }
0xbf: {  	[bflag:$0x0] =	sbarrier.arrive $0xFFFF  }
0xc0: {  	_ =	strace $0x9000004A  }
0xc1: {  	s0 =	stileid.u32;
	[bflag:$0x2] =	sbarrier.arrive $0xFFFF  }
0xc2: {  	p0 =	sne.s32 s0, $0x0;
	s0 =	rddreg [dreg:$0x4]  }
0xc3: {  	s0 =	sadd.s32 @!p0 $0x100000, s0  }
0xc4: {  	[sflag:s0] =	ssyncadd.tile.s32 @!p0 $0x1;
	_ =	shalt  }
.Lfunc_end2:
_tile_overlayer_lowered:
.L_overlay_start_2:
0xc5: {  	(tag) =	ssettag $0x2  }
0xc6: {  	s0 =	rddreg [dreg:$0x0];
	s2 =	stileid.u32  }
0xc7: {  	s1 =	rddreg [dreg:$0x1];
	p0 =	sne.s32 s2, $0x0  }
0xc8: {  	s3 =	rddreg [dreg:$0x2];
	[bflag:$0x3] =	sbarrier.arrive $0xFFFF;
	s2 =	simm.s32 @!p0 $0x1C09  }
0xc9: {  	[timem:s3], [sflag:s2] =	dma.local @!p0 [hbm:s0], s1  }
0xca: {  	s0 =	simm.s32 @!p0 $0x9  }
0xcb: {  	_ =	swait.ge @!p0 [sflag:s0], s1  }
0xcc: {  	s1 =	ssub.s32 @!p0 $0x0, s1;
	[sflag:s0] =	ssyncset.done @!p0 $0x0  }
0xcd: {  	[sflag:s0] =	ssyncadd.s32 @!p0 s1  }
0xce: {  	[bflag:$0x3] =	sbarrier.arrive $0xFFFF  }
0xcf: {  	_ =	shalt  }

// kernel: kernel.14.cloned.1.call-start
scs
__scs_entry_jumppad:
0x0: {  	(pc) =	sbr.rel $0x88, $3  }
0x1: {  	(tag) =	ssettag $0x0;
	lr =	simm.s32 $0x1  }
0x2: {  	[smem:$0x3F9D] =	sst lr;
	_ =	strace $0xD0000000  }
0x3: {  	_ = 	snop  }
0x4: {  	_ = 	snop  }
0x5: {  	_ = 	snop  }
0x6: {  	_ = 	snop  }
0x7: {  	_ = 	snop  }
__scs_overlays_trampoline_lowered:
0x8: {  	[smem:$0x3FAC] =	sst s0  }
0x9: {  	[smem:$0x3FAD] =	sst s1  }
0xa: {  	[smem:$0x3FAE] =	sst s2  }
0xb: {  	[smem:$0x3FAF] =	sst s3  }
0xc: {  	[smem:$0x3FB0] =	sst s4  }
0xd: {  	[smem:$0x3FB1] =	sst s5  }
0xe: {  	[smem:$0x3FB2] =	sst s6  }
0xf: {  	[smem:$0x3FB3] =	sst s7  }
0x10: {  	[smem:$0x3FB4] =	sst s8  }
0x11: {  	[smem:$0x3FB5] =	sst s9;
	s0 =	simm.s32 @!p0 $0x0  }
0x12: {  	s1 =	sld [smem:$0x3F9B];
	s0 =	simm.s32 @p0 $0x1  }
0x13: {  	[smem:$0x3FB6] =	sst s0;
	s0 =	simm.s32 @!p1 $0x0  }
0x14: {  	s2 =	sld [smem:$0x3F9A];
	s0 =	simm.s32 @p1 $0x1  }
0x15: {  	[smem:$0x3FB7] =	sst s0;
	s0 =	simm.s32 @!p2 $0x0  }
0x16: {  	s3 =	sld [smem:$0x3FDB];
	s0 =	simm.s32 @p2 $0x1  }
0x17: {  	s4 =	simm.s32 $0x1BF5;
	[smem:$0x3FB9] =	sst s0  }
0x18: {  	s0 =	sld [smem:$0x3F9C];
	_ =	swait.ge [sflag:s4], $0x0  }
0x19: {  	s7 =	sld [smem:$0x3F9D]  }
0x1a: {  	s8 =	sadd.s32 $0xFFFFE003, lr  }
0x1b: {  	s9 =	sadd.s32 $0xFFFFFEF7, lr;
	s5 =	simm.s32 $0xFFFFFFFF;
	p2 =	slt.u32 s8, $0xFFFFF086  }
0x1c: {  	p1 =	slt.u32 s9, $0xF7A;
	s5 =	simm.s32 @!p2 $0x0  }
0x1d: {  	s5 =	simm.s32 @p1 $0x1;
	p0 =	seq.s32 s7, s2  }
0x1e: {  	s7 =	smul.u32 @!p0 $0xF7A, s2;
	p2 =	seq.s32 @!p0 s5, $0x0  }
0x1f: {  	s9 =	smul.u32 $0xF7A, s1;
	s8 =	simm.s32 @!p0 $0x1BF5;
	p2 =	por !p2, p0  }
0x20: {  	[sflag:s8] =	ssyncset.s32 @!p0 $0xFFFFF086;
	s6 =	sadd.s32 @!p0 s3, s7;
	s7 =	simm.s32 @!p0 $0x108  }
0x21: {  	s3 =	sadd.s32 s3, s9;
	s6 =	sadd.s32 @!p0 $0x88, s6;
	s7 =	simm.s32 @p2 $0x1082  }
0x22: {  	[simem:s7], [sflag:s8] =	dma.local @!p0 [hbm:s6], $0xF7A  }
0x23: {  	s9 =	sor.u32 $0xD0000000, s2;
	s6 =	simm.s32 $0x108;
	_ =	swait.ge @!p0 [sflag:s8], $0x0  }
0x24: {  	s3 =	sadd.s32 $0x88, s3;
	s6 =	simm.s32 @!p1 $0x1082;
	[sflag:s4] =	ssyncset.s32 $0xFFFFF086  }
0x25: {  	[simem:s6], [sflag:s4] =	dma.local [hbm:s3], $0xF7A  }
0x26: {  	[smem:$0x3F9D] =	sst s1;
	(tag) =	ssettag s2;
	_ =	strace s9  }
0x27: {  	s1 =	sld [smem:$0x3FAD]  }
0x28: {  	s2 =	sld [smem:$0x3FAE]  }
0x29: {  	s4 =	sld [smem:$0x3FB0]  }
0x2a: {  	p0 =	seq.s32 s5, $0x0;
	s5 =	sld [smem:$0x3FB1]  }
0x2b: {  	s6 =	sld [smem:$0x3FB2]  }
0x2c: {  	s7 =	sld [smem:$0x3FB3]  }
0x2d: {  	s3 =	simm.s32 $0x108;
	s8 =	sld [smem:$0x3FB4]  }
0x2e: {  	s3 =	simm.s32 @!p0 $0x1082;
	s9 =	sld [smem:$0x3FB5]  }
0x2f: {  	lr =	sadd.s32 s0, s3;
	s0 =	sld [smem:$0x3FAC]  }
0x30: {  	s3 =	sld [smem:$0x3FAF]  }
0x31: {  	[smem:$0x3FB8] =	sst s10  }
0x32: {  	s10 =	sld [smem:$0x3FB6];
	_ =	sdelay $0x3  }
0x33: {  	p0 =	seq.s32 s10, $0x1;
	s10 =	sld [smem:$0x3FB8];
	_ =	sdelay $0x3  }
0x34: {  	[smem:$0x3FB8] =	sst s10  }
0x35: {  	s10 =	sld [smem:$0x3FB7];
	_ =	sdelay $0x3  }
0x36: {  	p1 =	seq.s32 s10, $0x1;
	s10 =	sld [smem:$0x3FB8];
	_ =	sdelay $0x3  }
0x37: {  	[smem:$0x3FB8] =	sst s10  }
0x38: {  	s10 =	sld [smem:$0x3FB9]  }
0x39: {  	_ = 	snop;
	(pc) =	sbr.ind lr, $3  }
0x3a: {  	_ = 	snop  }
0x3b: {  	_ = 	snop  }
0x3c: {  	p2 =	seq.s32 s10, $0x1;
	s10 =	sld [smem:$0x3FB8]  }
0x3d: {  	_ =	shalt  }
0x3e: {  	_ =	shalt  }
0x3f: {  	_ =	shalt  }
0x40: {  	_ =	shalt  }
0x41: {  	_ =	shalt  }
0x42: {  	_ =	shalt  }
0x43: {  	_ =	shalt  }
0x44: {  	_ =	shalt  }
0x45: {  	_ =	shalt  }
0x46: {  	_ =	shalt  }
0x47: {  	_ =	shalt  }
0x48: {  	_ =	shalt  }
0x49: {  	_ =	shalt  }
0x4a: {  	_ =	shalt  }
0x4b: {  	_ =	shalt  }
0x4c: {  	_ =	shalt  }
0x4d: {  	_ =	shalt  }
0x4e: {  	_ =	shalt  }
0x4f: {  	_ =	shalt  }
0x50: {  	_ =	shalt  }
0x51: {  	_ =	shalt  }
0x52: {  	_ =	shalt  }
0x53: {  	_ =	shalt  }
0x54: {  	_ =	shalt  }
0x55: {  	_ =	shalt  }
0x56: {  	_ =	shalt  }
0x57: {  	_ =	shalt  }
0x58: {  	_ =	shalt  }
0x59: {  	_ =	shalt  }
0x5a: {  	_ =	shalt  }
0x5b: {  	_ =	shalt  }
0x5c: {  	_ =	shalt  }
0x5d: {  	_ =	shalt  }
0x5e: {  	_ =	shalt  }
0x5f: {  	_ =	shalt  }
0x60: {  	_ =	shalt  }
0x61: {  	_ =	shalt  }
0x62: {  	_ =	shalt  }
0x63: {  	_ =	shalt  }
0x64: {  	_ =	shalt  }
0x65: {  	_ =	shalt  }
0x66: {  	_ =	shalt  }
0x67: {  	_ =	shalt  }
0x68: {  	_ =	shalt  }
0x69: {  	_ =	shalt  }
0x6a: {  	_ =	shalt  }
0x6b: {  	_ =	shalt  }
0x6c: {  	_ =	shalt  }
0x6d: {  	_ =	shalt  }
0x6e: {  	_ =	shalt  }
0x6f: {  	_ =	shalt  }
0x70: {  	_ =	shalt  }
0x71: {  	_ =	shalt  }
0x72: {  	_ =	shalt  }
0x73: {  	_ =	shalt  }
0x74: {  	_ =	shalt  }
0x75: {  	_ =	shalt  }
0x76: {  	_ =	shalt  }
0x77: {  	_ =	shalt  }
0x78: {  	_ =	shalt  }
0x79: {  	_ =	shalt  }
0x7a: {  	_ =	shalt  }
0x7b: {  	_ =	shalt  }
0x7c: {  	_ =	shalt  }
0x7d: {  	_ =	shalt  }
0x7e: {  	_ =	shalt  }
0x7f: {  	_ =	shalt  }
0x80: {  	_ =	shalt  }
0x81: {  	_ =	shalt  }
0x82: {  	_ =	shalt  }
0x83: {  	_ =	shalt  }
0x84: {  	_ =	shalt  }
0x85: {  	_ =	shalt  }
0x86: {  	_ =	shalt  }
0x87: {  	_ =	shalt  }
.Lfunc_end0:
.L_simem_size_0:
called_computation.2_lowered:
.L_overlay_start_0:
0x88: {  	s2 =	sld [smem:$0x3FD9]  }
0x89: {  	s3 =	sld [smem:$0x3FFE];
	_ =	sdelay $0x1  }
0x8a: {  	s1 =	srdreg.scid  }
0x8b: {  	s0 =	sand.u32 $0x1, s1  }
0x8c: {  	s17 =	sshll.u32 s0, $0xA;
	s2 =	sadd.s32 s3, s2  }
0x8d: {  	s2 =	sadd.s32 s2, s17  }
0x8e: {  	[smem:$0x3FC4] =	sst s2  }
0x8f: {  	_ = 	snop  }
0x90: {  	s2 =	sld [smem:$0x3FD0];
	(tm) =	ssettm $0x1  }
0x91: {  	s18 =	sld [smem:$0x3FFB];
	_ =	sdelay $0x3  }
0x92: {  	_ =	strace s18  }
0x93: {  	s3 =	sld [smem:$0x3FFC];
	_ =	sdelay $0x3  }
0x94: {  	_ =	strace s3  }
0x95: {  	s3 =	sld [smem:$0x3FFD];
	_ =	sdelay $0x3  }
0x96: {  	_ =	strace s3  }
0x97: {  	_ =	strace $0x8FFFFFFF  }
0x98: {  	s19 =	sld [smem:$0x3FDB];
	_ =	sdelay $0x1  }
0x99: {  	s4 =	simm.s32 $_scs_section_size  }
0x9a: {  	s5 =	simm.s32 $_size__tile_overlayer_lowered;
	s6 =	simm.s32 $_tile_overlayer_lowered  }
0x9b: {  	s22 =	simm.s32 $0x1BFF;
	s21 =	sshll.u32 s6, $0x1;
	s3 =	sadd.s32 s4, s19  }
0x9c: {  	s7 =	simm.s32 $0x0;
	s20 =	sshll.u32 s5, $0x1;
	s5 =	sadd.s32 s21, s3  }
0x9d: {  	[timem:s7], [sflag:s22] =	dma.local [hbm:s5], s20  }
0x9e: {  	_ =	swait.ge [sflag:s22], s20  }
0x9f: {  	s4 =	ssub.s32 $0x0, s20;
	[sflag:s22] =	ssyncset.done $0x0  }
0xa0: {  	[sflag:s22] =	ssyncadd.s32 s4;
	_ =	sdelay $0x1  }
0xa1: {  	s23 =	simm.s32 $0x1B8B  }
0xa2: {  	_ =	swait.ge [sflag:s23], $0x1  }
0xa3: {  	[sflag:s23] =	ssyncset.done $0x0  }
0xa4: {  	s25 =	simm.s32 $0x1B8E;
	s24 =	sld [smem:$0x3FFE];
	[sflag:s23] =	ssyncadd.s32 $0xFFFFFFFF  }
0xa5: {  	s26 =	simm.s32 $execute0_lowered;
	[smem:$0x3FD2] =	sst s25  }
0xa6: {  	s5 =	sshll.u32 s26, $0x1;
	_ =	strace $0x8000004C;
	[dreg:$0x1] =	wrdreg $0xFFFFFFFF  }
0xa7: {  	s28 =	simm.s32 $_size_execute0_lowered;
	s3 =	sadd.s32 s3, s5;
	[dreg:$0x0] =	wrdreg $0x0  }
0xa8: {  	s5 =	sshll.u32 s28, $0x1;
	[dreg:$0x2] =	wrdreg s3  }
0xa9: {  	[dreg:$0x3] =	wrdreg s5  }
0xaa: {  	[dreg:$0x4] =	wrdreg $0xC0  }
0xab: {  	_ =	task [dreg:s7], $0x5FFFF  }
0xac: {  	[dreg:$0x1] =	wrdreg $0xFFFFFFFF  }
0xad: {  	[dreg:$0x0] =	wrdreg $0x60  }
0xae: {  	[dreg:$0x2] =	wrdreg s24  }
0xaf: {  	[dreg:$0x3] =	wrdreg s2  }
0xb0: {  	[dreg:$0x4] =	wrdreg $0xC8000  }
0xb1: {  	[dreg:$0x5] =	wrdreg $0x140000  }
0xb2: {  	[dreg:$0x6] =	wrdreg $0x9  }
0xb3: {  	_ =	task.clear_ibuf [dreg:s7], $0x7FFFF;
	_ =	strace $0x9000004C  }
0xb4: {  	s29 =	simm.s32 $0x9;
	_ =	strace $0x8000004E  }
0xb5: {  	_ =	swait.ge [sflag:s29], $0x1  }
0xb6: {  	[sflag:s29] =	ssyncadd.s32 $0xFFFFFFFF  }
0xb7: {  	_ =	strace $0x9000004E  }
0xb8: {  	_ =	sfence  }
0xb9: {  	s30 =	sld [smem:$0x0];
	_ =	sdelay $0x2  }
0xba: {  	s31 =	sshll.u32 s1, $0xD;
	s1 =	sshrl.u32 s1, $0x2  }
0xbb: {  	s3 =	sand.u32 $0x4000, s31;
	s1 =	sadd.s32 s1, s30  }
0xbc: {  	s0 =	sor.u32 s3, s0;
	s1 =	sshll.u32 s1, $0x11  }
0xbd: {  	s0 =	sor.u32 s1, s0  }
0xbe: {  	s0 =	sadd.s32 $0x8F2B, s0  }
0xbf: {  	[sflag:s0] =	ssyncadd.remote.s32 $0x1  }
0xc0: {  	_ =	sfence.sel $0xFFFF  }
0xc1: {  	[dreg:$0x0] =	wrdreg $0xFFFFFFFF;
	(pc) =	sbr.abs _section_cstart, $3  }
0xc2: {  	[dreg:$0x1] =	wrdreg $0xFFFFFFFF  }
0xc3: {  	_ =	task.clear_ibuf [dreg:s7], $0x2FFFF;
	_ =	strace $0x9FFFFFFF  }
0xc4: {  	(tm) =	ssettm $0x7FFFFFFF  }
0xc5: {  	_ =	shalt  }
tec
execute0_lowered:
.L_overlay_start_1:
0x0: {  	(tag) =	ssettag $0x1  }
0x1: {  	s0 =	rddreg [dreg:$0x0]  }
0x2: {  	s2 =	rddreg [dreg:$0x1]  }
0x3: {  	s1 =	rddreg [dreg:$0x2];
	s4 =	srdreg.scid  }
0x4: {  	s3 =	rddreg [dreg:$0x3];
	s12 =	stileid.u32;
	s6 =	simm.s32 $0x0  }
0x5: {  	s16 =	simm.s32 $0x9;
	s17 =	simm.s32 $0xB000;
	s18 =	simm.s32 $0x2800  }
0x6: {  	s19 =	simm.s32 $0x80;
	s20 =	simm.s32 $0x5000;
	s28 =	simm.s32 $0x8  }
0x7: {  	s29 =	simm.s32 $0x9800;
	s30 =	simm.s32 $0x2;
	s31 =	simm.s32 $0x5  }
0x8: {  	s4 =	sand.u32 $0x1, s4;
	s7 =	smul.u32 $0x7800, s12;
	[smem:$0x7FF] =	sst s6  }
0x9: {  	s22 =	sshll.u32 s12, $0x6;
	s23 =	smul.u32 $0x1E000, s12;
	s5 =	sshll.u32 s4, $0x4  }
0xa: {  	s21 =	smul.u32 $0xF000, s4;
	s4 =	ssub.s32 $0x2, s4;
	_ =	strace $0x8000004D  }
0xb: {  	s6 =	sor.u32 $0x1C09, s22;
	s22 =	simm.s32 $0x100;
	s5 =	sor.u32 s12, s5  }
0xc: {  	s8 =	sshrl.u32 s7, $0x3;
	s10 =	sshrl.u32 s4, $0x1;
	s15 =	sadd.s32 s7, s1  }
0xd: {  	s25 =	sshrl.u32 s23, $0x2;
	s26 =	sadd.s32 s7, s3;
	s7 =	simm.s32 $0x0  }
0xe: {  	s5 =	smul.u32 $0x500, s5;
	s9 =	sadd.s32 s8, s0;
	s4 =	ssub.s32 s4, s10  }
0xf: {  	s10 =	sadd.s32 s25, s3;
	s15 =	sshrl.u32 s15, $0x3;
	s25 =	sshrl.u32 s26, $0x3  }
0x10: {  	s26 =	simm.s32 $0x1;
	s9 =	sadd.s32 $0x65600, s9;
	s4 =	smax.u32 s4, $0x1  }
0x11: {  	s12 =	sadd.s32 $0x3000, s10;
	s13 =	sadd.s32 $0x4800, s10;
	s14 =	sadd.s32 $0x6000, s10  }
0x12: {  	s11 =	sadd.s32 s5, s0;
	s0 =	sadd.s32 s21, s0;
	[dreg:$0x5] =	wrdreg s9  }
0x13: {  	s2 =	sadd.s32 s2, s5;
	[dreg:$0x8] =	wrdreg s4;
	s21 =	simm.s32 $0x6800  }
0x14: {  	s4 =	simm.s32 $0x4;
	s24 =	sadd.s32 $0xB600, s11;
	[dreg:$0x7] =	wrdreg s2  }
0x15: {  	s0 =	sadd.s32 $0x74600, s0;
	s2 =	sadd.s32 $0x1800, s10;
	[dreg:$0x6] =	wrdreg s24  }
0x16: {  	s5 =	simm.s32 $0x7;
	[dreg:$0x9] =	wrdreg s2;
	s23 =	sadd.s32 s8, s0  }
0x17: {  	v0 =	vimm.f32 $0.0e+00;
	s24 =	simm.s32 $0x8000;
	s0 =	simm.s32 $0x3;
	s2 =	simm.s32 $0x6  }
.LBB2_1:
0x18: {  	s8 =	rddreg [dreg:$0x5]  }
0x19: {  	[spmem:s15], [sflag:s6] =	dma.local [hbm:s8], $0xF00  }
0x1a: {  	_ =	swait.ge [sflag:s16], $0xF00  }
0x1b: {  	[sflag:s16] =	ssyncset.done $0x0  }
0x1c: {  	s9 =	simm.s32 $0x0;
	s8 =	simm.s32 $0xC0;
	[sflag:s16] =	ssyncadd.s32 $0xFFFFF100  }
.LBB2_2:
0x1d: {  	p0 =	sne.s32 s8, $0x5F40;
	[tilespmem:s9+$0xB020] =	vst v0;
	s11 =	smov.u32 s8;
	s8 =	sadd.s32 $0xC0, s8  }
.Ltmp0:
0x1e: {  	[tilespmem:s9+$0xB000] =	vst v0;
	(pc) =	sbr.rel @p0 .LBB2_2-.Ltmp0, $2  }
0x1f: {  	[tilespmem:s9+$0xB010] =	vst v0;
	_ =	sdelay $0x2  }
0x20: {  	s9 =	sshra.s32 s11, $0x2  }
0x21: {  	[tilespmem:s9+$0xB020] =	vst v0  }
0x22: {  	[tilespmem:s9+$0xB000] =	vst v0  }
0x23: {  	[tilespmem:s9+$0xB010] =	vst v0  }
0x24: {  	[spmem:s10] =	stream.linear.scatter [tilespmem:s17], [sflag:$0x9], $0x1800, $0x38;
	[tilespmem:$0x1B800] =	vst v63  }
0x25: {  	_ =	swait.ge [sflag:s16], $0x1800  }
0x26: {  	[sflag:s16] =	ssyncset.done $0x0  }
0x27: {  	s8 =	rddreg [dreg:$0x9];
	[sflag:s16] =	ssyncadd.s32 $0xFFFFE800  }
0x28: {  	[spmem:s8] =	stream.linear.scatter [tilespmem:s17], [sflag:$0x9], $0x1800, $0x38;
	[tilespmem:$0x1B800] =	vst v63  }
0x29: {  	_ =	swait.ge [sflag:s16], $0x1800  }
0x2a: {  	[sflag:s16] =	ssyncset.done $0x0  }
0x2b: {  	[sflag:s16] =	ssyncadd.s32 $0xFFFFE800  }
0x2c: {  	[spmem:s12] =	stream.linear.scatter [tilespmem:s17], [sflag:$0x9], $0x1800, $0x38;
	[tilespmem:$0x1B800] =	vst v63  }
0x2d: {  	_ =	swait.ge [sflag:s16], $0x1800  }
0x2e: {  	[sflag:s16] =	ssyncset.done $0x0  }
0x2f: {  	[sflag:s16] =	ssyncadd.s32 $0xFFFFE800  }
0x30: {  	[spmem:s13] =	stream.linear.scatter [tilespmem:s17], [sflag:$0x9], $0x1800, $0x38;
	[tilespmem:$0x1B800] =	vst v63  }
0x31: {  	_ =	swait.ge [sflag:s16], $0x1800  }
0x32: {  	[sflag:s16] =	ssyncset.done $0x0  }
0x33: {  	[sflag:s16] =	ssyncadd.s32 $0xFFFFE800  }
0x34: {  	[spmem:s14] =	stream.linear.scatter [tilespmem:s17], [sflag:$0x9], $0x1800, $0x38;
	[tilespmem:$0x1B800] =	vst v63  }
0x35: {  	_ =	swait.ge [sflag:s16], $0x1800  }
0x36: {  	[sflag:s16] =	ssyncset.done $0x0  }
0x37: {  	s8 =	simm.s32 $0x0;
	s11 =	rddreg [dreg:$0x6];
	[sflag:s16] =	ssyncadd.s32 $0xFFFFE800  }
0x38: {  	[tilespmem:s8], [sflag:$0x9] =	stream.linear.gather [hbm4b:s11+s8], $0x2800, $0x38;
	[tilespmem:$0x1B800] =	vst v63  }
0x39: {  	_ =	swait.ge [sflag:s16], $0x2800  }
0x3a: {  	[sflag:s16] =	ssyncset.done $0x0  }
0x3b: {  	s11 =	rddreg [dreg:$0x7];
	[sflag:s16] =	ssyncadd.s32 $0xFFFFD800  }
0x3c: {  	[tilespmem:s18], [sflag:$0x9] =	stream.linear.gather [hbm4b:s11+s8], $0x2800, $0x38;
	[tilespmem:$0x1B800] =	vst v63  }
0x3d: {  	_ =	swait.ge [sflag:s16], $0x2800  }
0x3e: {  	[sflag:s16] =	ssyncset.done $0x0  }
0x3f: {  	[sflag:s16] =	ssyncadd.s32 $0xFFFFD800  }
0x40: {  	[bflag:$0x0] =	sbarrier.arrive $0xFFFF  }
0x41: {  	[tilespmem:s20], [sflag:$0x1] =	stream.indirect.gather [spmem:s1], $0x30, s8, s19, $0xb8;
	[tilespmem:$0x1B800] =	vst v63  }
0x42: {  	_ = 	snop  }
0x43: {  	[tilespmem:s21], [sflag:$0x2] =	stream.indirect.gather [spmem:s1], $0x30, s19, s19, $0xb8;
	[tilespmem:$0x1B800] =	vst v63  }
0x44: {  	_ = 	snop  }
0x45: {  	[tilespmem:s24], [sflag:$0x3] =	stream.indirect.gather [spmem:s1], $0x30, s22, s19, $0xb8;
	[tilespmem:$0x1B800] =	vst v63  }
0x46: {  	_ = 	snop  }
0x47: {  	[spmem:s3] =	stream.indirect.scatter.add.f32 [tilespmem:s17], [sflag:$0x8], $0x30, s18, s19, $0xb8;
	[tilespmem:$0x1B800] =	vst v63  }
0x48: {  	_ =	swait.ge [sflag:s26], $0x1800  }
0x49: {  	[sflag:s26] =	ssyncset.done $0x0  }
0x4a: {  	s11 =	simm.s32 $0x2800;
	[sflag:s26] =	ssyncadd.s32 $0xFFFFE800  }
0x4b: {  	[spmem:s3] =	stream.indirect.scatter.add.f32 [tilespmem:s20], [sflag:$0x5], $0x30, s11, s19, $0xb8;
	[tilespmem:$0x1B800] =	vst v63  }
0x4c: {  	_ =	swait.ge [sflag:s28], $0x1800  }
0x4d: {  	[sflag:s28] =	ssyncset.done $0x0  }
0x4e: {  	s9 =	simm.s32 $0x180;
	[sflag:s28] =	ssyncadd.s32 $0xFFFFE800  }
0x4f: {  	[tilespmem:s29], [sflag:$0x4] =	stream.indirect.gather [spmem:s1], $0x30, s9, s19, $0xb8;
	[tilespmem:$0x1B800] =	vst v63  }
0x50: {  	_ =	swait.ge [sflag:s30], $0x1800  }
0x51: {  	[sflag:s30] =	ssyncset.done $0x0  }
0x52: {  	s11 =	simm.s32 $0x2880;
	[sflag:s30] =	ssyncadd.s32 $0xFFFFE800  }
0x53: {  	[spmem:s3] =	stream.indirect.scatter.add.f32 [tilespmem:s21], [sflag:$0x6], $0x30, s11, s19, $0xb8;
	[tilespmem:$0x1B800] =	vst v63  }
0x54: {  	_ =	swait.ge [sflag:s31], $0x1800  }
0x55: {  	[sflag:s31] =	ssyncset.done $0x0  }
0x56: {  	s9 =	simm.s32 $0x200;
	[sflag:s31] =	ssyncadd.s32 $0xFFFFE800  }
0x57: {  	[tilespmem:s20], [sflag:$0x1] =	stream.indirect.gather [spmem:s1], $0x30, s9, s19, $0xb8;
	[tilespmem:$0x1B800] =	vst v63  }
0x58: {  	_ =	swait.ge [sflag:s0], $0x1800  }
0x59: {  	[sflag:s0] =	ssyncset.done $0x0  }
0x5a: {  	s11 =	simm.s32 $0x2900;
	[sflag:s0] =	ssyncadd.s32 $0xFFFFE800  }
0x5b: {  	[spmem:s3] =	stream.indirect.scatter.add.f32 [tilespmem:s24], [sflag:$0x7], $0x30, s11, s19, $0xb8;
	[tilespmem:$0x1B800] =	vst v63  }
0x5c: {  	_ =	swait.ge [sflag:s2], $0x1800  }
0x5d: {  	[sflag:s2] =	ssyncset.done $0x0  }
0x5e: {  	s9 =	simm.s32 $0x280;
	[sflag:s2] =	ssyncadd.s32 $0xFFFFE800  }
0x5f: {  	[tilespmem:s21], [sflag:$0x2] =	stream.indirect.gather [spmem:s1], $0x30, s9, s19, $0xb8;
	[tilespmem:$0x1B800] =	vst v63  }
0x60: {  	_ =	swait.ge [sflag:s4], $0x1800  }
0x61: {  	[sflag:s4] =	ssyncset.done $0x0  }
0x62: {  	s11 =	simm.s32 $0x2980;
	[sflag:s4] =	ssyncadd.s32 $0xFFFFE800  }
0x63: {  	[spmem:s3] =	stream.indirect.scatter.add.f32 [tilespmem:s29], [sflag:$0x8], $0x30, s11, s19, $0xb8;
	[tilespmem:$0x1B800] =	vst v63  }
0x64: {  	_ =	swait.ge [sflag:s5], $0x1800  }
0x65: {  	[sflag:s5] =	ssyncset.done $0x0  }
0x66: {  	s8 =	simm.s32 $0x800;
	s9 =	simm.s32 $0x300;
	[sflag:s5] =	ssyncadd.s32 $0xFFFFE800  }
.LBB2_4:
0x67: {  	[tilespmem:s24], [sflag:$0x3] =	stream.indirect.gather [spmem:s1], $0x30, s9, s19, $0xb8;
	[tilespmem:$0x1B800] =	vst v63  }
0x68: {  	s9 =	smov.u32 s8  }
0x69: {  	p0 =	sne.s32 s8, $0x9000;
	s8 =	sadd.s32 $0x800, s8;
	_ =	swait.ge [sflag:s26], $0x1800  }
0x6a: {  	s9 =	sshra.s32 s9, $0x2;
	[sflag:s26] =	ssyncset.done $0x0  }
0x6b: {  	s11 =	sadd.s32 $0x2800, s9;
	[sflag:s26] =	ssyncadd.s32 $0xFFFFE800  }
0x6c: {  	[spmem:s3] =	stream.indirect.scatter.add.f32 [tilespmem:s20], [sflag:$0x5], $0x30, s11, s19, $0xb8;
	[tilespmem:$0x1B800] =	vst v63  }
0x6d: {  	_ =	swait.ge [sflag:s28], $0x1800  }
0x6e: {  	[sflag:s28] =	ssyncset.done $0x0  }
0x6f: {  	s11 =	sadd.s32 $0x180, s9;
	[sflag:s28] =	ssyncadd.s32 $0xFFFFE800  }
0x70: {  	[tilespmem:s29], [sflag:$0x4] =	stream.indirect.gather [spmem:s1], $0x30, s11, s19, $0xb8;
	[tilespmem:$0x1B800] =	vst v63  }
0x71: {  	_ =	swait.ge [sflag:s30], $0x1800  }
0x72: {  	[sflag:s30] =	ssyncset.done $0x0  }
0x73: {  	s11 =	sadd.s32 $0x2880, s9;
	[sflag:s30] =	ssyncadd.s32 $0xFFFFE800  }
0x74: {  	[spmem:s3] =	stream.indirect.scatter.add.f32 [tilespmem:s21], [sflag:$0x6], $0x30, s11, s19, $0xb8;
	[tilespmem:$0x1B800] =	vst v63  }
0x75: {  	_ =	swait.ge [sflag:s31], $0x1800  }
0x76: {  	[sflag:s31] =	ssyncset.done $0x0  }
0x77: {  	s11 =	sadd.s32 $0x200, s9;
	[sflag:s31] =	ssyncadd.s32 $0xFFFFE800  }
0x78: {  	[tilespmem:s20], [sflag:$0x1] =	stream.indirect.gather [spmem:s1], $0x30, s11, s19, $0xb8;
	[tilespmem:$0x1B800] =	vst v63  }
0x79: {  	_ =	swait.ge [sflag:s0], $0x1800  }
0x7a: {  	[sflag:s0] =	ssyncset.done $0x0  }
0x7b: {  	s11 =	sadd.s32 $0x2900, s9;
	[sflag:s0] =	ssyncadd.s32 $0xFFFFE800  }
0x7c: {  	[spmem:s3] =	stream.indirect.scatter.add.f32 [tilespmem:s24], [sflag:$0x7], $0x30, s11, s19, $0xb8;
	[tilespmem:$0x1B800] =	vst v63  }
0x7d: {  	_ =	swait.ge [sflag:s2], $0x1800  }
0x7e: {  	[sflag:s2] =	ssyncset.done $0x0  }
0x7f: {  	s11 =	sadd.s32 $0x280, s9;
	[sflag:s2] =	ssyncadd.s32 $0xFFFFE800  }
0x80: {  	[tilespmem:s21], [sflag:$0x2] =	stream.indirect.gather [spmem:s1], $0x30, s11, s19, $0xb8;
	[tilespmem:$0x1B800] =	vst v63  }
0x81: {  	_ =	swait.ge [sflag:s4], $0x1800  }
0x82: {  	[sflag:s4] =	ssyncset.done $0x0  }
.Ltmp1:
0x83: {  	s11 =	sadd.s32 $0x2980, s9;
	[sflag:s4] =	ssyncadd.s32 $0xFFFFE800;
	(pc) =	sbr.rel @p0 .LBB2_4-.Ltmp1, $4  }
0x84: {  	[spmem:s3] =	stream.indirect.scatter.add.f32 [tilespmem:s29], [sflag:$0x8], $0x30, s11, s19, $0xb8;
	[tilespmem:$0x1B800] =	vst v63  }
0x85: {  	_ =	swait.ge [sflag:s5], $0x1800  }
0x86: {  	[sflag:s5] =	ssyncset.done $0x0  }
0x87: {  	s9 =	sadd.s32 $0x300, s9;
	[sflag:s5] =	ssyncadd.s32 $0xFFFFE800  }
0x88: {  	[tilespmem:s24], [sflag:$0x3] =	stream.indirect.gather [spmem:s1], $0x30, s9, s19, $0xb8;
	[tilespmem:$0x1B800] =	vst v63  }
0x89: {  	_ =	swait.ge [sflag:s26], $0x1800  }
0x8a: {  	[sflag:s26] =	ssyncset.done $0x0  }
0x8b: {  	s8 =	simm.s32 $0x4E00;
	[sflag:s26] =	ssyncadd.s32 $0xFFFFE800  }
0x8c: {  	[spmem:s3] =	stream.indirect.scatter.add.f32 [tilespmem:s20], [sflag:$0x5], $0x30, s8, s19, $0xb8;
	[tilespmem:$0x1B800] =	vst v63  }
0x8d: {  	_ =	swait.ge [sflag:s28], $0x1800  }
0x8e: {  	[sflag:s28] =	ssyncset.done $0x0  }
0x8f: {  	s9 =	simm.s32 $0x2780;
	[sflag:s28] =	ssyncadd.s32 $0xFFFFE800  }
0x90: {  	[tilespmem:s29], [sflag:$0x4] =	stream.indirect.gather [spmem:s1], $0x30, s9, s19, $0xb8;
	[tilespmem:$0x1B800] =	vst v63  }
0x91: {  	_ =	swait.ge [sflag:s30], $0x1800  }
0x92: {  	[sflag:s30] =	ssyncset.done $0x0  }
0x93: {  	s11 =	simm.s32 $0x4E80;
	[sflag:s30] =	ssyncadd.s32 $0xFFFFE800  }
0x94: {  	[spmem:s3] =	stream.indirect.scatter.add.f32 [tilespmem:s21], [sflag:$0x6], $0x30, s11, s19, $0xb8;
	[tilespmem:$0x1B800] =	vst v63  }
0x95: {  	_ =	swait.ge [sflag:s31], $0x1800  }
0x96: {  	[sflag:s31] =	ssyncset.done $0x0  }
0x97: {  	s9 =	simm.s32 $0x0;
	[sflag:s31] =	ssyncadd.s32 $0xFFFFE800  }
0x98: {  	[tilespmem:s20], [sflag:$0x1] =	stream.indirect.gather [spmem:s1], $0x30, s9, s19, $0xb8;
	[tilespmem:$0x1B800] =	vst v63  }
0x99: {  	_ =	swait.ge [sflag:s0], $0x1800  }
0x9a: {  	[sflag:s0] =	ssyncset.done $0x0  }
0x9b: {  	s11 =	simm.s32 $0x4F00;
	[sflag:s0] =	ssyncadd.s32 $0xFFFFE800  }
0x9c: {  	[spmem:s3] =	stream.indirect.scatter.add.f32 [tilespmem:s24], [sflag:$0x7], $0x30, s11, s19, $0xb8;
	[tilespmem:$0x1B800] =	vst v63  }
0x9d: {  	_ =	swait.ge [sflag:s2], $0x1800  }
0x9e: {  	[sflag:s2] =	ssyncset.done $0x0  }
0x9f: {  	[sflag:s2] =	ssyncadd.s32 $0xFFFFE800  }
0xa0: {  	[tilespmem:s21], [sflag:$0x2] =	stream.indirect.gather [spmem:s1], $0x30, s19, s19, $0xb8;
	[tilespmem:$0x1B800] =	vst v63  }
0xa1: {  	_ =	swait.ge [sflag:s4], $0x1800  }
0xa2: {  	[sflag:s4] =	ssyncset.done $0x0  }
0xa3: {  	s9 =	simm.s32 $0x4F80;
	[sflag:s4] =	ssyncadd.s32 $0xFFFFE800  }
0xa4: {  	[spmem:s3] =	stream.indirect.scatter.add.f32 [tilespmem:s29], [sflag:$0x8], $0x30, s9, s19, $0xb8;
	[tilespmem:$0x1B800] =	vst v63  }
0xa5: {  	_ =	swait.ge [sflag:s5], $0x1800  }
0xa6: {  	[sflag:s5] =	ssyncset.done $0x0  }
0xa7: {  	[sflag:s5] =	ssyncadd.s32 $0xFFFFE800  }
0xa8: {  	[tilespmem:s24], [sflag:$0x3] =	stream.indirect.gather [spmem:s1], $0x30, s22, s19, $0xb8;
	[tilespmem:$0x1B800] =	vst v63  }
0xa9: {  	_ =	swait.ge [sflag:s26], $0x1800  }
0xaa: {  	[sflag:s26] =	ssyncset.done $0x0  }
0xab: {  	[sflag:s26] =	ssyncadd.s32 $0xFFFFE800  }
0xac: {  	_ =	swait.ge [sflag:s30], $0x1800  }
0xad: {  	[sflag:s30] =	ssyncset.done $0x0  }
0xae: {  	[sflag:s30] =	ssyncadd.s32 $0xFFFFE800  }
0xaf: {  	_ =	swait.ge [sflag:s0], $0x1800  }
0xb0: {  	[sflag:s0] =	ssyncset.done $0x0  }
0xb1: {  	[sflag:s0] =	ssyncadd.s32 $0xFFFFE800  }
0xb2: {  	_ =	swait.ge [sflag:s28], $0x1800  }
0xb3: {  	[sflag:s28] =	ssyncset.done $0x0  }
0xb4: {  	[sflag:s28] =	ssyncadd.s32 $0xFFFFE800  }
0xb5: {  	[bflag:$0x0] =	sbarrier.arrive $0xFFFF  }
0xb6: {  	[hbm:s23], [sflag:s6] =	dma.local [spmem:s25], $0xF00  }
0xb7: {  	_ =	swait.ge [sflag:s16], $0xF00  }
0xb8: {  	s7 =	sadd.s32 $0x1, s7;
	s11 =	rddreg [dreg:$0x8]  }
0xb9: {  	p0 =	sne.s32 s7, s11  }
.Ltmp2:
0xba: {  	_ = 	snop;
	(pc) =	sbr.rel @p0 .LBB2_1-.Ltmp2, $3  }
0xbb: {  	_ =	sdelay $0x1  }
0xbc: {  	[sflag:s16] =	ssyncset.done $0x0  }
0xbd: {  	[sflag:s16] =	ssyncadd.s32 $0xFFFFF100  }
0xbe: {  	_ =	sfence.sel $0x180000  }
0xbf: {  	[bflag:$0x0] =	sbarrier.arrive $0xFFFF  }
0xc0: {  	_ =	strace $0x9000004D  }
0xc1: {  	s0 =	stileid.u32;
	[bflag:$0x2] =	sbarrier.arrive $0xFFFF  }
0xc2: {  	p0 =	sne.s32 s0, $0x0;
	s0 =	rddreg [dreg:$0x4]  }
0xc3: {  	s0 =	sadd.s32 @!p0 $0x100000, s0  }
0xc4: {  	[sflag:s0] =	ssyncadd.tile.s32 @!p0 $0x1;
	_ =	shalt  }
.Lfunc_end2:
_tile_overlayer_lowered:
.L_overlay_start_2:
0xc5: {  	(tag) =	ssettag $0x2  }
0xc6: {  	s0 =	rddreg [dreg:$0x0];
	s2 =	stileid.u32  }
0xc7: {  	s1 =	rddreg [dreg:$0x1];
	p0 =	sne.s32 s2, $0x0  }
0xc8: {  	s3 =	rddreg [dreg:$0x2];
	[bflag:$0x3] =	sbarrier.arrive $0xFFFF;
	s2 =	simm.s32 @!p0 $0x1C09  }
0xc9: {  	[timem:s3], [sflag:s2] =	dma.local @!p0 [hbm:s0], s1  }
0xca: {  	s0 =	simm.s32 @!p0 $0x9  }
0xcb: {  	_ =	swait.ge @!p0 [sflag:s0], s1  }
0xcc: {  	s1 =	ssub.s32 @!p0 $0x0, s1;
	[sflag:s0] =	ssyncset.done @!p0 $0x0  }
0xcd: {  	[sflag:s0] =	ssyncadd.s32 @!p0 s1  }
0xce: {  	[bflag:$0x3] =	sbarrier.arrive $0xFFFF  }
0xcf: {  	_ =	shalt  }

// kernel: kernel.8.cloned.1.call-start
scs
__scs_entry_jumppad:
0x0: {  	(pc) =	sbr.rel $0x88, $3  }
0x1: {  	(tag) =	ssettag $0x0;
	lr =	simm.s32 $0x1  }
0x2: {  	[smem:$0x3F9D] =	sst lr;
	_ =	strace $0xD0000000  }
0x3: {  	_ = 	snop  }
0x4: {  	_ = 	snop  }
0x5: {  	_ = 	snop  }
0x6: {  	_ = 	snop  }
0x7: {  	_ = 	snop  }
__scs_overlays_trampoline_lowered:
0x8: {  	[smem:$0x3FAC] =	sst s0  }
0x9: {  	[smem:$0x3FAD] =	sst s1  }
0xa: {  	[smem:$0x3FAE] =	sst s2  }
0xb: {  	[smem:$0x3FAF] =	sst s3  }
0xc: {  	[smem:$0x3FB0] =	sst s4  }
0xd: {  	[smem:$0x3FB1] =	sst s5  }
0xe: {  	[smem:$0x3FB2] =	sst s6  }
0xf: {  	[smem:$0x3FB3] =	sst s7  }
0x10: {  	[smem:$0x3FB4] =	sst s8  }
0x11: {  	[smem:$0x3FB5] =	sst s9;
	s0 =	simm.s32 @!p0 $0x0  }
0x12: {  	s1 =	sld [smem:$0x3F9B];
	s0 =	simm.s32 @p0 $0x1  }
0x13: {  	[smem:$0x3FB6] =	sst s0;
	s0 =	simm.s32 @!p1 $0x0  }
0x14: {  	s2 =	sld [smem:$0x3F9A];
	s0 =	simm.s32 @p1 $0x1  }
0x15: {  	[smem:$0x3FB7] =	sst s0;
	s0 =	simm.s32 @!p2 $0x0  }
0x16: {  	s3 =	sld [smem:$0x3FDB];
	s0 =	simm.s32 @p2 $0x1  }
0x17: {  	s4 =	simm.s32 $0x1BF5;
	[smem:$0x3FB9] =	sst s0  }
0x18: {  	s0 =	sld [smem:$0x3F9C];
	_ =	swait.ge [sflag:s4], $0x0  }
0x19: {  	s7 =	sld [smem:$0x3F9D]  }
0x1a: {  	s8 =	sadd.s32 $0xFFFFE003, lr  }
0x1b: {  	s9 =	sadd.s32 $0xFFFFFEF7, lr;
	s5 =	simm.s32 $0xFFFFFFFF;
	p2 =	slt.u32 s8, $0xFFFFF086  }
0x1c: {  	p1 =	slt.u32 s9, $0xF7A;
	s5 =	simm.s32 @!p2 $0x0  }
0x1d: {  	s5 =	simm.s32 @p1 $0x1;
	p0 =	seq.s32 s7, s2  }
0x1e: {  	s7 =	smul.u32 @!p0 $0xF7A, s2;
	p2 =	seq.s32 @!p0 s5, $0x0  }
0x1f: {  	s9 =	smul.u32 $0xF7A, s1;
	s8 =	simm.s32 @!p0 $0x1BF5;
	p2 =	por !p2, p0  }
0x20: {  	[sflag:s8] =	ssyncset.s32 @!p0 $0xFFFFF086;
	s6 =	sadd.s32 @!p0 s3, s7;
	s7 =	simm.s32 @!p0 $0x108  }
0x21: {  	s3 =	sadd.s32 s3, s9;
	s6 =	sadd.s32 @!p0 $0x88, s6;
	s7 =	simm.s32 @p2 $0x1082  }
0x22: {  	[simem:s7], [sflag:s8] =	dma.local @!p0 [hbm:s6], $0xF7A  }
0x23: {  	s9 =	sor.u32 $0xD0000000, s2;
	s6 =	simm.s32 $0x108;
	_ =	swait.ge @!p0 [sflag:s8], $0x0  }
0x24: {  	s3 =	sadd.s32 $0x88, s3;
	s6 =	simm.s32 @!p1 $0x1082;
	[sflag:s4] =	ssyncset.s32 $0xFFFFF086  }
0x25: {  	[simem:s6], [sflag:s4] =	dma.local [hbm:s3], $0xF7A  }
0x26: {  	[smem:$0x3F9D] =	sst s1;
	(tag) =	ssettag s2;
	_ =	strace s9  }
0x27: {  	s1 =	sld [smem:$0x3FAD]  }
0x28: {  	s2 =	sld [smem:$0x3FAE]  }
0x29: {  	s4 =	sld [smem:$0x3FB0]  }
0x2a: {  	p0 =	seq.s32 s5, $0x0;
	s5 =	sld [smem:$0x3FB1]  }
0x2b: {  	s6 =	sld [smem:$0x3FB2]  }
0x2c: {  	s7 =	sld [smem:$0x3FB3]  }
0x2d: {  	s3 =	simm.s32 $0x108;
	s8 =	sld [smem:$0x3FB4]  }
0x2e: {  	s3 =	simm.s32 @!p0 $0x1082;
	s9 =	sld [smem:$0x3FB5]  }
0x2f: {  	lr =	sadd.s32 s0, s3;
	s0 =	sld [smem:$0x3FAC]  }
0x30: {  	s3 =	sld [smem:$0x3FAF]  }
0x31: {  	[smem:$0x3FB8] =	sst s10  }
0x32: {  	s10 =	sld [smem:$0x3FB6];
	_ =	sdelay $0x3  }
0x33: {  	p0 =	seq.s32 s10, $0x1;
	s10 =	sld [smem:$0x3FB8];
	_ =	sdelay $0x3  }
0x34: {  	[smem:$0x3FB8] =	sst s10  }
0x35: {  	s10 =	sld [smem:$0x3FB7];
	_ =	sdelay $0x3  }
0x36: {  	p1 =	seq.s32 s10, $0x1;
	s10 =	sld [smem:$0x3FB8];
	_ =	sdelay $0x3  }
0x37: {  	[smem:$0x3FB8] =	sst s10  }
0x38: {  	s10 =	sld [smem:$0x3FB9]  }
0x39: {  	_ = 	snop;
	(pc) =	sbr.ind lr, $3  }
0x3a: {  	_ = 	snop  }
0x3b: {  	_ = 	snop  }
0x3c: {  	p2 =	seq.s32 s10, $0x1;
	s10 =	sld [smem:$0x3FB8]  }
0x3d: {  	_ =	shalt  }
0x3e: {  	_ =	shalt  }
0x3f: {  	_ =	shalt  }
0x40: {  	_ =	shalt  }
0x41: {  	_ =	shalt  }
0x42: {  	_ =	shalt  }
0x43: {  	_ =	shalt  }
0x44: {  	_ =	shalt  }
0x45: {  	_ =	shalt  }
0x46: {  	_ =	shalt  }
0x47: {  	_ =	shalt  }
0x48: {  	_ =	shalt  }
0x49: {  	_ =	shalt  }
0x4a: {  	_ =	shalt  }
0x4b: {  	_ =	shalt  }
0x4c: {  	_ =	shalt  }
0x4d: {  	_ =	shalt  }
0x4e: {  	_ =	shalt  }
0x4f: {  	_ =	shalt  }
0x50: {  	_ =	shalt  }
0x51: {  	_ =	shalt  }
0x52: {  	_ =	shalt  }
0x53: {  	_ =	shalt  }
0x54: {  	_ =	shalt  }
0x55: {  	_ =	shalt  }
0x56: {  	_ =	shalt  }
0x57: {  	_ =	shalt  }
0x58: {  	_ =	shalt  }
0x59: {  	_ =	shalt  }
0x5a: {  	_ =	shalt  }
0x5b: {  	_ =	shalt  }
0x5c: {  	_ =	shalt  }
0x5d: {  	_ =	shalt  }
0x5e: {  	_ =	shalt  }
0x5f: {  	_ =	shalt  }
0x60: {  	_ =	shalt  }
0x61: {  	_ =	shalt  }
0x62: {  	_ =	shalt  }
0x63: {  	_ =	shalt  }
0x64: {  	_ =	shalt  }
0x65: {  	_ =	shalt  }
0x66: {  	_ =	shalt  }
0x67: {  	_ =	shalt  }
0x68: {  	_ =	shalt  }
0x69: {  	_ =	shalt  }
0x6a: {  	_ =	shalt  }
0x6b: {  	_ =	shalt  }
0x6c: {  	_ =	shalt  }
0x6d: {  	_ =	shalt  }
0x6e: {  	_ =	shalt  }
0x6f: {  	_ =	shalt  }
0x70: {  	_ =	shalt  }
0x71: {  	_ =	shalt  }
0x72: {  	_ =	shalt  }
0x73: {  	_ =	shalt  }
0x74: {  	_ =	shalt  }
0x75: {  	_ =	shalt  }
0x76: {  	_ =	shalt  }
0x77: {  	_ =	shalt  }
0x78: {  	_ =	shalt  }
0x79: {  	_ =	shalt  }
0x7a: {  	_ =	shalt  }
0x7b: {  	_ =	shalt  }
0x7c: {  	_ =	shalt  }
0x7d: {  	_ =	shalt  }
0x7e: {  	_ =	shalt  }
0x7f: {  	_ =	shalt  }
0x80: {  	_ =	shalt  }
0x81: {  	_ =	shalt  }
0x82: {  	_ =	shalt  }
0x83: {  	_ =	shalt  }
0x84: {  	_ =	shalt  }
0x85: {  	_ =	shalt  }
0x86: {  	_ =	shalt  }
0x87: {  	_ =	shalt  }
.Lfunc_end0:
.L_simem_size_0:
called_computation_lowered:
.L_overlay_start_0:
0x88: {  	s2 =	sld [smem:$0x3FD9]  }
0x89: {  	s3 =	sld [smem:$0x3FFE];
	_ =	sdelay $0x1  }
0x8a: {  	s1 =	srdreg.scid  }
0x8b: {  	s0 =	sand.u32 $0x1, s1  }
0x8c: {  	s17 =	sshll.u32 s0, $0xA;
	s2 =	sadd.s32 s3, s2  }
0x8d: {  	s2 =	sadd.s32 s2, s17  }
0x8e: {  	[smem:$0x3FC4] =	sst s2  }
0x8f: {  	_ = 	snop  }
0x90: {  	s2 =	sld [smem:$0x3FD0];
	(tm) =	ssettm $0x1  }
0x91: {  	s18 =	sld [smem:$0x3FFB];
	_ =	sdelay $0x3  }
0x92: {  	_ =	strace s18  }
0x93: {  	s3 =	sld [smem:$0x3FFC];
	_ =	sdelay $0x3  }
0x94: {  	_ =	strace s3  }
0x95: {  	s3 =	sld [smem:$0x3FFD];
	_ =	sdelay $0x3  }
0x96: {  	_ =	strace s3  }
0x97: {  	_ =	strace $0x8FFFFFFF  }
0x98: {  	s19 =	sld [smem:$0x3FDB];
	_ =	sdelay $0x1  }
0x99: {  	s4 =	simm.s32 $_scs_section_size  }
0x9a: {  	s5 =	simm.s32 $_size__tile_overlayer_lowered;
	s6 =	simm.s32 $_tile_overlayer_lowered  }
0x9b: {  	s22 =	simm.s32 $0x1BFF;
	s21 =	sshll.u32 s6, $0x1;
	s3 =	sadd.s32 s4, s19  }
0x9c: {  	s7 =	simm.s32 $0x0;
	s20 =	sshll.u32 s5, $0x1;
	s5 =	sadd.s32 s21, s3  }
0x9d: {  	[timem:s7], [sflag:s22] =	dma.local [hbm:s5], s20  }
0x9e: {  	_ =	swait.ge [sflag:s22], s20  }
0x9f: {  	s4 =	ssub.s32 $0x0, s20;
	[sflag:s22] =	ssyncset.done $0x0  }
0xa0: {  	[sflag:s22] =	ssyncadd.s32 s4;
	_ =	sdelay $0x1  }
0xa1: {  	s23 =	simm.s32 $0x1B8B  }
0xa2: {  	_ =	swait.ge [sflag:s23], $0x1  }
0xa3: {  	[sflag:s23] =	ssyncset.done $0x0  }
0xa4: {  	s25 =	simm.s32 $0x1B8E;
	s24 =	sld [smem:$0x3FFE];
	[sflag:s23] =	ssyncadd.s32 $0xFFFFFFFF  }
0xa5: {  	s26 =	simm.s32 $execute0_lowered;
	[smem:$0x3FD2] =	sst s25  }
0xa6: {  	s5 =	sshll.u32 s26, $0x1;
	_ =	strace $0x80000046;
	[dreg:$0x1] =	wrdreg $0xFFFFFFFF  }
0xa7: {  	s28 =	simm.s32 $_size_execute0_lowered;
	s3 =	sadd.s32 s3, s5;
	[dreg:$0x0] =	wrdreg $0x0  }
0xa8: {  	s5 =	sshll.u32 s28, $0x1;
	[dreg:$0x2] =	wrdreg s3  }
0xa9: {  	[dreg:$0x3] =	wrdreg s5  }
0xaa: {  	[dreg:$0x4] =	wrdreg $0xC0  }
0xab: {  	_ =	task [dreg:s7], $0x5FFFF  }
0xac: {  	[dreg:$0x1] =	wrdreg $0xFFFFFFFF  }
0xad: {  	[dreg:$0x0] =	wrdreg $0x60  }
0xae: {  	[dreg:$0x2] =	wrdreg s2  }
0xaf: {  	[dreg:$0x3] =	wrdreg s24  }
0xb0: {  	[dreg:$0x4] =	wrdreg $0x58000  }
0xb1: {  	[dreg:$0x5] =	wrdreg $0x9  }
0xb2: {  	_ =	task.clear_ibuf [dreg:s7], $0x6FFFF;
	_ =	strace $0x90000046  }
0xb3: {  	s29 =	simm.s32 $0x9;
	_ =	strace $0x80000048  }
0xb4: {  	_ =	swait.ge [sflag:s29], $0x1  }
0xb5: {  	[sflag:s29] =	ssyncadd.s32 $0xFFFFFFFF  }
0xb6: {  	_ =	strace $0x90000048  }
0xb7: {  	_ =	sfence  }
0xb8: {  	s30 =	sld [smem:$0x0];
	_ =	sdelay $0x2  }
0xb9: {  	s31 =	sshll.u32 s1, $0xD;
	s1 =	sshrl.u32 s1, $0x2  }
0xba: {  	s3 =	sand.u32 $0x4000, s31;
	s1 =	sadd.s32 s1, s30  }
0xbb: {  	s0 =	sor.u32 s3, s0;
	s1 =	sshll.u32 s1, $0x11  }
0xbc: {  	s0 =	sor.u32 s1, s0  }
0xbd: {  	s0 =	sadd.s32 $0x8F2B, s0  }
0xbe: {  	[sflag:s0] =	ssyncadd.remote.s32 $0x1  }
0xbf: {  	_ =	sfence.sel $0xFFFF  }
0xc0: {  	[dreg:$0x0] =	wrdreg $0xFFFFFFFF;
	(pc) =	sbr.abs _section_cstart, $3  }
0xc1: {  	[dreg:$0x1] =	wrdreg $0xFFFFFFFF  }
0xc2: {  	_ =	task.clear_ibuf [dreg:s7], $0x2FFFF;
	_ =	strace $0x9FFFFFFF  }
0xc3: {  	(tm) =	ssettm $0x7FFFFFFF  }
tec
execute0_lowered:
.L_overlay_start_1:
0x0: {  	(tag) =	ssettag $0x1  }
0x1: {  	s5 =	rddreg [dreg:$0x0]  }
0x2: {  	s4 =	rddreg [dreg:$0x1]  }
0x3: {  	s1 =	rddreg [dreg:$0x2]  }
0x4: {  	s2 =	srdreg.scid;
	s0 =	rddreg [dreg:$0x3];
	s3 =	simm.s32 $0x0  }
0x5: {  	s10 =	simm.s32 $0x2800;
	s6 =	sand.u32 $0x1, s2;
	s2 =	stileid.u32  }
0x6: {  	s11 =	simm.s32 $0x1;
	[smem:$0x7FF] =	sst s3;
	s7 =	smul.u32 $0x5000, s6  }
0x7: {  	s8 =	sshll.u32 s6, $0x4;
	s9 =	smul.u32 $0x2800, s2;
	s6 =	ssub.s32 $0x2, s6  }
0x8: {  	_ =	strace $0x80000047;
	s14 =	sshll.u32 s2, $0x6;
	s8 =	sor.u32 s2, s8  }
0x9: {  	s31 =	sshrl.u32 s6, $0x1;
	s8 =	smul.u32 $0x500, s8;
	s7 =	sadd.s32 s7, s4  }
0xa: {  	s6 =	ssub.s32 s6, s31;
	s4 =	sadd.s32 s9, s1;
	s13 =	sshrl.u32 s9, $0x3  }
0xb: {  	s9 =	simm.s32 $0x80;
	s12 =	sadd.s32 $0x1600, s7;
	s6 =	smax.u32 s6, $0x1  }
0xc: {  	s7 =	simm.s32 $0x3000;
	s5 =	sadd.s32 s5, s8;
	s8 =	simm.s32 $0x2  }
0xd: {  	v0 =	vimm.f32 $1.000000000e+00;
	v1 =	vimm.f32 $0.0e+00;
	s12 =	sadd.s32 s13, s12;
	s13 =	sor.u32 $0x1C02, s14;
	s14 =	sshrl.u32 s4, $0x3  }
.LBB2_1:
0xe: {  	s15 =	simm.s32 $0x0  }
.LBB2_2:
0xf: {  	p0 =	sne.s32 s15, $0x1FC0  }
.Ltmp0:
0x10: {  	_ = 	snop;
	(pc) =	sbr.rel @p0 .LBB2_2-.Ltmp0, $3  }
0x11: {  	_ =	sdelay $0x1  }
0x12: {  	s16 =	sshra.s32 s15, $0x2  }
0x13: {  	s15 =	sadd.s32 $0x40, s15;
	[tilespmem:s16+$0x2800] =	vst v0  }
0x14: {  	s15 =	simm.s32 $0x40;
	s16 =	simm.s32 $0x0  }
.LBB2_4:
0x15: {  	p0 =	sne.s32 s15, $0x9FC0;
	[tilespmem:s16+$0x3000] =	vst v1;
	s16 =	smov.u32 s15;
	s15 =	sadd.s32 $0x40, s15  }
.Ltmp1:
0x16: {  	(pc) =	sbr.rel @p0 .LBB2_4-.Ltmp1, $2  }
0x17: {  	_ =	sdelay $0x2  }
0x18: {  	s16 =	sshra.s32 s16, $0x2  }
0x19: {  	[tilespmem:s16+$0x3000] =	vst v1  }
0x1a: {  	[spmem:s4] =	stream.linear.scatter [tilespmem:s7], [sflag:$0x2], $0x2800, $0x38;
	[tilespmem:$0x8000] =	vst v63  }
0x1b: {  	_ =	swait.ge [sflag:s8], $0x2800  }
0x1c: {  	[sflag:s8] =	ssyncset.done $0x0  }
0x1d: {  	s15 =	simm.s32 $0x0;
	[sflag:s8] =	ssyncadd.s32 $0xFFFFD800  }
0x1e: {  	[tilespmem:s15], [sflag:$0x2] =	stream.linear.gather [hbm4b:s5+s15], $0x2800, $0x38;
	[tilespmem:$0x8000] =	vst v63  }
0x1f: {  	_ =	swait.ge [sflag:s8], $0x2800  }
0x20: {  	[sflag:s8] =	ssyncset.done $0x0  }
0x21: {  	[sflag:s8] =	ssyncadd.s32 $0xFFFFD800  }
0x22: {  	s23 =	simm.s32 $0x0;
	[bflag:$0x0] =	sbarrier.arrive $0xFFFF  }
0x23: {  	[spmem:s1] =	stream.indirect.scatter.add.f32 [tilespmem:s10], [sflag:$0x1], $0x10, s23, s9, $0xb8;
	[tilespmem:$0x8000] =	vst v63  }
0x24: {  	s24 =	simm.s32 $0x80  }
0x25: {  	[spmem:s1] =	stream.indirect.scatter.add.f32 [tilespmem:s10], [sflag:$0x1], $0x10, s24, s9, $0xb8;
	[tilespmem:$0x8000] =	vst v63  }
0x26: {  	s25 =	simm.s32 $0x100  }
0x27: {  	[spmem:s1] =	stream.indirect.scatter.add.f32 [tilespmem:s10], [sflag:$0x1], $0x10, s25, s9, $0xb8;
	[tilespmem:$0x8000] =	vst v63  }
0x28: {  	s26 =	simm.s32 $0x180  }
0x29: {  	[spmem:s1] =	stream.indirect.scatter.add.f32 [tilespmem:s10], [sflag:$0x1], $0x10, s26, s9, $0xb8;
	[tilespmem:$0x8000] =	vst v63  }
0x2a: {  	s28 =	simm.s32 $0x200  }
0x2b: {  	[spmem:s1] =	stream.indirect.scatter.add.f32 [tilespmem:s10], [sflag:$0x1], $0x10, s28, s9, $0xb8;
	[tilespmem:$0x8000] =	vst v63  }
0x2c: {  	s29 =	simm.s32 $0x280  }
0x2d: {  	[spmem:s1] =	stream.indirect.scatter.add.f32 [tilespmem:s10], [sflag:$0x1], $0x10, s29, s9, $0xb8;
	[tilespmem:$0x8000] =	vst v63  }
0x2e: {  	s30 =	simm.s32 $0x300  }
0x2f: {  	[spmem:s1] =	stream.indirect.scatter.add.f32 [tilespmem:s10], [sflag:$0x1], $0x10, s30, s9, $0xb8;
	[tilespmem:$0x8000] =	vst v63  }
0x30: {  	s31 =	simm.s32 $0x380  }
0x31: {  	[spmem:s1] =	stream.indirect.scatter.add.f32 [tilespmem:s10], [sflag:$0x1], $0x10, s31, s9, $0xb8;
	[tilespmem:$0x8000] =	vst v63  }
0x32: {  	_ =	swait.ge [sflag:s11], $0x800  }
0x33: {  	[sflag:s11] =	ssyncset.done $0x0  }
0x34: {  	[sflag:s11] =	ssyncadd.s32 $0xFFFFF800  }
0x35: {  	_ =	swait.ge [sflag:s11], $0x800  }
0x36: {  	[sflag:s11] =	ssyncset.done $0x0  }
0x37: {  	[sflag:s11] =	ssyncadd.s32 $0xFFFFF800  }
0x38: {  	_ =	swait.ge [sflag:s11], $0x800  }
0x39: {  	[sflag:s11] =	ssyncset.done $0x0  }
0x3a: {  	[sflag:s11] =	ssyncadd.s32 $0xFFFFF800  }
0x3b: {  	_ =	swait.ge [sflag:s11], $0x800  }
0x3c: {  	[sflag:s11] =	ssyncset.done $0x0  }
0x3d: {  	[sflag:s11] =	ssyncadd.s32 $0xFFFFF800  }
0x3e: {  	_ =	swait.ge [sflag:s11], $0x800  }
0x3f: {  	[sflag:s11] =	ssyncset.done $0x0  }
0x40: {  	[sflag:s11] =	ssyncadd.s32 $0xFFFFF800  }
0x41: {  	_ =	swait.ge [sflag:s11], $0x800  }
0x42: {  	[sflag:s11] =	ssyncset.done $0x0  }
0x43: {  	[sflag:s11] =	ssyncadd.s32 $0xFFFFF800  }
0x44: {  	_ =	swait.ge [sflag:s11], $0x800  }
0x45: {  	[sflag:s11] =	ssyncset.done $0x0  }
0x46: {  	[sflag:s11] =	ssyncadd.s32 $0xFFFFF800  }
0x47: {  	_ =	swait.ge [sflag:s11], $0x800  }
0x48: {  	s17 =	simm.s32 $0x2000;
	s15 =	simm.s32 $0x1000;
	[sflag:s11] =	ssyncset.done $0x0  }
.LBB2_6:
0x49: {  	s18 =	sshra.s32 s15, $0x2  }
0x4a: {  	[sflag:s11] =	ssyncadd.s32 $0xFFFFF800;
	s15 =	smov.u32 s17;
	s16 =	sadd.s32 $0x1000, s17  }
0x4b: {  	[spmem:s1] =	stream.indirect.scatter.add.f32 [tilespmem:s10], [sflag:$0x1], $0x10, s18, s9, $0xb8;
	[tilespmem:$0x8000] =	vst v63  }
0x4c: {  	p0 =	sne.s32 s17, $0x9000;
	s17 =	sadd.s32 $0x80, s18  }
0x4d: {  	[spmem:s1] =	stream.indirect.scatter.add.f32 [tilespmem:s10], [sflag:$0x1], $0x10, s17, s9, $0xb8;
	[tilespmem:$0x8000] =	vst v63  }
0x4e: {  	s17 =	sadd.s32 $0x100, s18  }
0x4f: {  	[spmem:s1] =	stream.indirect.scatter.add.f32 [tilespmem:s10], [sflag:$0x1], $0x10, s17, s9, $0xb8;
	[tilespmem:$0x8000] =	vst v63  }
0x50: {  	s17 =	sadd.s32 $0x180, s18  }
0x51: {  	[spmem:s1] =	stream.indirect.scatter.add.f32 [tilespmem:s10], [sflag:$0x1], $0x10, s17, s9, $0xb8;
	[tilespmem:$0x8000] =	vst v63  }
0x52: {  	s17 =	sadd.s32 $0x200, s18  }
0x53: {  	[spmem:s1] =	stream.indirect.scatter.add.f32 [tilespmem:s10], [sflag:$0x1], $0x10, s17, s9, $0xb8;
	[tilespmem:$0x8000] =	vst v63  }
0x54: {  	s17 =	sadd.s32 $0x280, s18  }
0x55: {  	[spmem:s1] =	stream.indirect.scatter.add.f32 [tilespmem:s10], [sflag:$0x1], $0x10, s17, s9, $0xb8;
	[tilespmem:$0x8000] =	vst v63  }
0x56: {  	s17 =	sadd.s32 $0x300, s18  }
0x57: {  	[spmem:s1] =	stream.indirect.scatter.add.f32 [tilespmem:s10], [sflag:$0x1], $0x10, s17, s9, $0xb8;
	[tilespmem:$0x8000] =	vst v63  }
0x58: {  	s17 =	sadd.s32 $0x380, s18  }
0x59: {  	[spmem:s1] =	stream.indirect.scatter.add.f32 [tilespmem:s10], [sflag:$0x1], $0x10, s17, s9, $0xb8;
	[tilespmem:$0x8000] =	vst v63  }
0x5a: {  	_ =	swait.ge [sflag:s11], $0x800  }
0x5b: {  	[sflag:s11] =	ssyncset.done $0x0  }
0x5c: {  	[sflag:s11] =	ssyncadd.s32 $0xFFFFF800  }
0x5d: {  	_ =	swait.ge [sflag:s11], $0x800  }
0x5e: {  	[sflag:s11] =	ssyncset.done $0x0  }
0x5f: {  	[sflag:s11] =	ssyncadd.s32 $0xFFFFF800  }
0x60: {  	_ =	swait.ge [sflag:s11], $0x800  }
0x61: {  	[sflag:s11] =	ssyncset.done $0x0  }
0x62: {  	[sflag:s11] =	ssyncadd.s32 $0xFFFFF800  }
0x63: {  	_ =	swait.ge [sflag:s11], $0x800  }
0x64: {  	[sflag:s11] =	ssyncset.done $0x0  }
0x65: {  	[sflag:s11] =	ssyncadd.s32 $0xFFFFF800  }
0x66: {  	_ =	swait.ge [sflag:s11], $0x800  }
0x67: {  	[sflag:s11] =	ssyncset.done $0x0  }
0x68: {  	[sflag:s11] =	ssyncadd.s32 $0xFFFFF800  }
0x69: {  	_ =	swait.ge [sflag:s11], $0x800  }
0x6a: {  	[sflag:s11] =	ssyncset.done $0x0  }
0x6b: {  	[sflag:s11] =	ssyncadd.s32 $0xFFFFF800  }
.Ltmp2:
0x6c: {  	_ =	swait.ge [sflag:s11], $0x800;
	(pc) =	sbr.rel @p0 .LBB2_6-.Ltmp2, $4  }
0x6d: {  	[sflag:s11] =	ssyncset.done $0x0  }
0x6e: {  	[sflag:s11] =	ssyncadd.s32 $0xFFFFF800  }
0x6f: {  	_ =	swait.ge [sflag:s11], $0x800  }
0x70: {  	s17 =	smov.u32 s16;
	[sflag:s11] =	ssyncset.done $0x0  }
0x71: {  	s15 =	sshra.s32 s15, $0x2;
	[sflag:s11] =	ssyncadd.s32 $0xFFFFF800  }
0x72: {  	[spmem:s1] =	stream.indirect.scatter.add.f32 [tilespmem:s10], [sflag:$0x1], $0x10, s15, s9, $0xb8;
	[tilespmem:$0x8000] =	vst v63  }
0x73: {  	s16 =	sadd.s32 $0x80, s15  }
0x74: {  	[spmem:s1] =	stream.indirect.scatter.add.f32 [tilespmem:s10], [sflag:$0x1], $0x10, s16, s9, $0xb8;
	[tilespmem:$0x8000] =	vst v63  }
0x75: {  	s26 =	sadd.s32 $0x100, s15  }
0x76: {  	[spmem:s1] =	stream.indirect.scatter.add.f32 [tilespmem:s10], [sflag:$0x1], $0x10, s26, s9, $0xb8;
	[tilespmem:$0x8000] =	vst v63  }
0x77: {  	s28 =	sadd.s32 $0x180, s15  }
0x78: {  	[spmem:s1] =	stream.indirect.scatter.add.f32 [tilespmem:s10], [sflag:$0x1], $0x10, s28, s9, $0xb8;
	[tilespmem:$0x8000] =	vst v63  }
0x79: {  	s29 =	sadd.s32 $0x200, s15  }
0x7a: {  	[spmem:s1] =	stream.indirect.scatter.add.f32 [tilespmem:s10], [sflag:$0x1], $0x10, s29, s9, $0xb8;
	[tilespmem:$0x8000] =	vst v63  }
0x7b: {  	s30 =	sadd.s32 $0x280, s15  }
0x7c: {  	[spmem:s1] =	stream.indirect.scatter.add.f32 [tilespmem:s10], [sflag:$0x1], $0x10, s30, s9, $0xb8;
	[tilespmem:$0x8000] =	vst v63  }
0x7d: {  	s31 =	sadd.s32 $0x300, s15  }
0x7e: {  	[spmem:s1] =	stream.indirect.scatter.add.f32 [tilespmem:s10], [sflag:$0x1], $0x10, s31, s9, $0xb8;
	[tilespmem:$0x8000] =	vst v63  }
0x7f: {  	s15 =	sadd.s32 $0x380, s15  }
0x80: {  	[spmem:s1] =	stream.indirect.scatter.add.f32 [tilespmem:s10], [sflag:$0x1], $0x10, s15, s9, $0xb8;
	[tilespmem:$0x8000] =	vst v63  }
0x81: {  	_ =	swait.ge [sflag:s11], $0x800  }
0x82: {  	[sflag:s11] =	ssyncset.done $0x0  }
0x83: {  	[sflag:s11] =	ssyncadd.s32 $0xFFFFF800  }
0x84: {  	_ =	swait.ge [sflag:s11], $0x800  }
0x85: {  	[sflag:s11] =	ssyncset.done $0x0  }
0x86: {  	[sflag:s11] =	ssyncadd.s32 $0xFFFFF800  }
0x87: {  	_ =	swait.ge [sflag:s11], $0x800  }
0x88: {  	[sflag:s11] =	ssyncset.done $0x0  }
0x89: {  	[sflag:s11] =	ssyncadd.s32 $0xFFFFF800  }
0x8a: {  	_ =	swait.ge [sflag:s11], $0x800  }
0x8b: {  	[sflag:s11] =	ssyncset.done $0x0  }
0x8c: {  	[sflag:s11] =	ssyncadd.s32 $0xFFFFF800  }
0x8d: {  	_ =	swait.ge [sflag:s11], $0x800  }
0x8e: {  	[sflag:s11] =	ssyncset.done $0x0  }
0x8f: {  	[sflag:s11] =	ssyncadd.s32 $0xFFFFF800  }
0x90: {  	_ =	swait.ge [sflag:s11], $0x800  }
0x91: {  	[sflag:s11] =	ssyncset.done $0x0  }
0x92: {  	[sflag:s11] =	ssyncadd.s32 $0xFFFFF800  }
0x93: {  	_ =	swait.ge [sflag:s11], $0x800  }
0x94: {  	[sflag:s11] =	ssyncset.done $0x0  }
0x95: {  	[sflag:s11] =	ssyncadd.s32 $0xFFFFF800  }
0x96: {  	_ =	swait.ge [sflag:s11], $0x800  }
0x97: {  	s3 =	sadd.s32 $0x1, s3;
	[sflag:s11] =	ssyncset.done $0x0  }
0x98: {  	p0 =	sne.s32 s3, s6;
	[sflag:s11] =	ssyncadd.s32 $0xFFFFF800  }
.Ltmp3:
0x99: {  	[bflag:$0x0] =	sbarrier.arrive $0xFFFF;
	(pc) =	sbr.rel @p0 .LBB2_1-.Ltmp3, $4  }
0x9a: {  	[hbm:s12], [sflag:s13] =	dma.local [spmem:s14], $0x500  }
0x9b: {  	_ =	swait.ge [sflag:s8], $0x500  }
0x9c: {  	[sflag:s8] =	ssyncset.done $0x0  }
0x9d: {  	[sflag:s8] =	ssyncadd.s32 $0xFFFFFB00  }
0x9e: {  	_ =	sfence.sel $0x180000  }
0x9f: {  	[bflag:$0x0] =	sbarrier.arrive $0xFFFF  }
0xa0: {  	p0 =	sne.s32 s2, $0x0;
	_ =	strace $0x90000047  }
0xa1: {  	s0 =	sadd.s32 @!p0 $0x100000, s0;
	[bflag:$0x2] =	sbarrier.arrive $0xFFFF  }
0xa2: {  	[sflag:s0] =	ssyncadd.tile.s32 @!p0 $0x1;
	_ =	shalt  }
.Lfunc_end2:
_tile_overlayer_lowered:
.L_overlay_start_2:
0xa3: {  	(tag) =	ssettag $0x2  }
0xa4: {  	s0 =	rddreg [dreg:$0x0];
	s2 =	stileid.u32  }
0xa5: {  	s1 =	rddreg [dreg:$0x1];
	p0 =	sne.s32 s2, $0x0  }
0xa6: {  	s3 =	rddreg [dreg:$0x2];
	[bflag:$0x3] =	sbarrier.arrive $0xFFFF;
	s2 =	simm.s32 @!p0 $0x1C02  }
0xa7: {  	[timem:s3], [sflag:s2] =	dma.local @!p0 [hbm:s0], s1  }
0xa8: {  	s0 =	simm.s32 @!p0 $0x2  }
0xa9: {  	_ =	swait.ge @!p0 [sflag:s0], s1  }
0xaa: {  	s1 =	ssub.s32 @!p0 $0x0, s1;
	[sflag:s0] =	ssyncset.done @!p0 $0x0  }
0xab: {  	[sflag:s0] =	ssyncadd.s32 @!p0 s1  }
0xac: {  	[bflag:$0x3] =	sbarrier.arrive $0xFFFF  }
0xad: {  	_ =	shalt  }

</sc_bundles>
